<compile_context>
chip_gen: v7x
topology: tpu7x:2x2x1
jax: 0.10.2.dev20260603
libtpu: 0.0.44.dev20260713+nightly
codegen_flags: <defaults>
</compile_context>

<pallas_src>
import functools

import jax
import jax.numpy as jnp
from jax import lax
from jax.experimental import pallas as pl
from jax.experimental.pallas import tpu as pltpu
from jax.experimental.pallas import tpu_sc as plsc

_D = 64
_B = 4096
_L = 200
_LP = 208
_REGS = 1e-05

_ROWS_PER_STEP = 2000


def _transform_body(x_ref, w_ref, b_ref, o_ref):
    o_ref[...] = lax.dot_general(
        x_ref[...], w_ref[...], (((1,), (1,)), ((), ())),
        preferred_element_type=jnp.float32) + b_ref[...]


def _transform_table(table, w, b2d):
    n = table.shape[0]
    return pl.pallas_call(
        _transform_body,
        grid=(n // _ROWS_PER_STEP,),
        in_specs=[
            pl.BlockSpec((_ROWS_PER_STEP, _D), lambda i: (i, 0)),
            pl.BlockSpec((_D, _D), lambda i: (0, 0)),
            pl.BlockSpec((1, _D), lambda i: (0, 0)),
        ],
        out_specs=pl.BlockSpec((_ROWS_PER_STEP, _D), lambda i: (i, 0)),
        out_shape=jax.ShapeDtypeStruct((n, _D), jnp.float32),
    )(table, w, b2d)


_NC = 2
_NS = 16
_NW = _NC * _NS
_TPW = _B // _NW
_IDXW = _TPW * _L
_NCH = _LP // 16



def _sc_user_gather(user_emb, user):
    mesh = plsc.VectorSubcoreMesh(core_axis_name="c", subcore_axis_name="s")

    @functools.partial(
        pl.kernel,
        out_type=jax.ShapeDtypeStruct((_B, _D), jnp.float32),
        mesh=mesh,
        scratch_types=[
            pltpu.VMEM((_TPW,), jnp.int32),
            pltpu.VMEM((_TPW, _D), jnp.float32),
            pltpu.SemaphoreType.DMA,
        ],
        compiler_params=pltpu.CompilerParams(
            use_tc_tiling_on_sc=False, needs_layout_passes=False),
    )
    def k(uemb_hbm, user_hbm, out_hbm, uidx_v, urows_v, sem):
        wid = lax.axis_index("s") * _NC + lax.axis_index("c")
        tb = pl.multiple_of(wid * _TPW, 8)
        pltpu.sync_copy(user_hbm.at[pl.ds(tb, _TPW)], uidx_v)
        pltpu.async_copy(uemb_hbm.at[uidx_v], urows_v, sem).wait()
        pltpu.sync_copy(urows_v, out_hbm.at[pl.ds(tb, _TPW)])

    return k(user_emb, user)


def _umlp_body(x_ref, w_ref, b_ref, o_ref):
    o_ref[...] = lax.dot_general(
        x_ref[...], w_ref[...], (((1,), (1,)), ((), ())),
        preferred_element_type=jnp.float32) + b_ref[...]


def _umlp(urows, w, b2d):
    return pl.pallas_call(
        _umlp_body,
        out_shape=jax.ShapeDtypeStruct((_B, _D), jnp.float32),
    )(urows, w, b2d)


def _sc_dist(t_item, ue_in, items_flat):
    mesh = plsc.VectorSubcoreMesh(core_axis_name="c", subcore_axis_name="s")

    @functools.partial(
        pl.kernel,
        out_type=(jax.ShapeDtypeStruct((_B * _LP,), jnp.float32),
                  jax.ShapeDtypeStruct((_B * _LP,), jnp.float32)),
        mesh=mesh,
        scratch_types=[
            pltpu.VMEM((_IDXW,), jnp.int32),
            pltpu.VMEM((_TPW, _D), jnp.float32),
            pltpu.VMEM((_LP, _D), jnp.float32),
            pltpu.VMEM((_LP, _D), jnp.float32),
            pltpu.VMEM((_TPW * _LP,), jnp.float32),
            pltpu.VMEM((_TPW * _LP,), jnp.float32),
            pltpu.SemaphoreType.DMA,
            pltpu.SemaphoreType.DMA,
        ],
        compiler_params=pltpu.CompilerParams(
            use_tc_tiling_on_sc=False, needs_layout_passes=False),
    )
    def k(t_item_hbm, ue_hbm, items_hbm,
          d2_hbm, n_hbm,
          idx_v, ue_v, rows0, rows1, d2_v, n_v, sem0, sem1):
        wid = lax.axis_index("s") * _NC + lax.axis_index("c")
        tb = pl.multiple_of(wid * _TPW, 8)
        ib = pl.multiple_of(wid * _IDXW, 8)
        ob = pl.multiple_of(wid * (_TPW * _LP), 8)
        iota = lax.iota(jnp.int32, 16)

        pltpu.sync_copy(items_hbm.at[pl.ds(ib, _IDXW)], idx_v)
        pltpu.sync_copy(ue_hbm.at[pl.ds(tb, _TPW)], ue_v)

        zz = jnp.zeros((16,), jnp.float32)
        for buf in (rows0, rows1):
            for r in range(_L, _LP):
                for c in range(_D // 16):
                    plsc.store_scatter(
                        buf, [jnp.full((16,), r, jnp.int32), c * 16 + iota], zz)

        def copies(u, buf, sem):
            base = pl.multiple_of(u * _L, 8)
            return (
                pltpu.make_async_copy(
                    t_item_hbm.at[idx_v.at[pl.ds(base, 128)]],
                    buf.at[pl.ds(0, 128)], sem),
                pltpu.make_async_copy(
                    t_item_hbm.at[idx_v.at[pl.ds(base + 128, _L - 128)]],
                    buf.at[pl.ds(128, _L - 128)], sem),
            )

        def issue(u, buf, sem):
            for c in copies(u, buf, sem):
                c.start()

        def wait(u, buf, sem):
            for c in copies(u, buf, sem):
                c.wait()

        def compute(u, buf):
            ufull = jnp.full((16,), u, jnp.int32)

            def dbody(d, accs):
                dcol = (d + iota) & (_D - 1)
                ub = plsc.load_gather(ue_v, [ufull, dcol])
                out = list(accs)
                for lc in range(_NCH):
                    gv = plsc.load_gather(buf, [lc * 16 + iota, dcol])
                    df = gv - ub
                    out[lc] = accs[lc] + df * df
                    out[_NCH + lc] = accs[_NCH + lc] + gv * gv
                return tuple(out)

            accs = lax.fori_loop(
                0, _D, dbody,
                tuple(jnp.zeros((16,), jnp.float32) for _ in range(2 * _NCH)))
            for lc in range(_NCH):
                off = pl.multiple_of(u * _LP + lc * 16, 8)
                d2_v[pl.ds(off, 16)] = accs[lc]
                n_v[pl.ds(off, 16)] = accs[_NCH + lc]

        issue(0, rows0, sem0)

        def pair(p, carry):
            for b in (0, 1):
                buf, sem = (rows0, sem0) if b == 0 else (rows1, sem1)
                nbuf, nsem = (rows1, sem1) if b == 0 else (rows0, sem0)
                u = p * 2 + b

                @pl.when(u + 1 < _TPW)
                def _():
                    issue(u + 1, nbuf, nsem)

                wait(u, buf, sem)
                compute(u, buf)
            return carry

        lax.fori_loop(0, _TPW // 2, pair, 0)

        pltpu.sync_copy(d2_v, d2_hbm.at[pl.ds(ob, _TPW * _LP)])
        pltpu.sync_copy(n_v, n_hbm.at[pl.ds(ob, _TPW * _LP)])

    return k(t_item, ue_in, items_flat)


_UB = 512
_GSTEPS = _B // _UB


def _loss_body(d2_ref, n_ref, rew_ref, gum_ref, ue_ref, gan_ref, reg_ref):
    step = pl.program_id(0)
    iota_p = lax.broadcasted_iota(jnp.int32, (_UB, _LP), 1)
    mask = iota_p < _L
    dist = jnp.sqrt(d2_ref[...] + 1e-12)
    m = jnp.max(jnp.where(mask, dist, -jnp.inf), axis=-1, keepdims=True)
    sh = dist - m
    ex = jnp.where(mask, jnp.exp(sh), 0.0)
    se = jnp.sum(ex, axis=-1, keepdims=True)
    probs = ex / se
    logp = sh - jnp.log(se)
    y = jnp.where(mask, jnp.log(probs + 1e-12) + gum_ref[...], -jnp.inf)
    ymax = jnp.max(y, axis=-1, keepdims=True)
    samp = jnp.min(jnp.where(y == ymax, iota_p, _LP), axis=-1, keepdims=True)
    onehot = iota_p == samp
    sp = jnp.sum(jnp.where(onehot, logp, 0.0), axis=-1)
    iota_r = lax.broadcasted_iota(jnp.int32, (_UB, _L), 1)
    sr = jnp.sum(jnp.where(iota_r == samp, rew_ref[...], 0.0), axis=-1)
    ue = ue_ref[...]
    gan_part = jnp.sum(sp * sr).reshape(1, 1)
    reg_part = (jnp.sum(jnp.where(mask, n_ref[...], 0.0))
                + jnp.sum(ue * ue)).reshape(1, 1)

    @pl.when(step == 0)
    def _():
        gan_ref[...] = jnp.zeros((1, 1), jnp.float32)
        reg_ref[...] = jnp.zeros((1, 1), jnp.float32)

    gan_ref[...] += gan_part
    reg_ref[...] += reg_part

    @pl.when(step == _GSTEPS - 1)
    def _():
        gan_ref[...] = -gan_ref[...] / _B
        reg_ref[...] = _REGS * 0.5 * reg_ref[...]


def _losses(d2, n, reward, gum, ue):
    return pl.pallas_call(
        _loss_body,
        grid=(_GSTEPS,),
        in_specs=[
            pl.BlockSpec((_UB, _LP), lambda i: (i, 0)),
            pl.BlockSpec((_UB, _LP), lambda i: (i, 0)),
            pl.BlockSpec((_UB, _L), lambda i: (i, 0)),
            pl.BlockSpec((_UB, _LP), lambda i: (i, 0)),
            pl.BlockSpec((_UB, _D), lambda i: (i, 0)),
        ],
        out_specs=[pl.BlockSpec((1, 1), lambda i: (0, 0)),
                   pl.BlockSpec((1, 1), lambda i: (0, 0))],
        out_shape=[jax.ShapeDtypeStruct((1, 1), jnp.float32),
                   jax.ShapeDtypeStruct((1, 1), jnp.float32)],
    )(d2, n, reward, gum, ue)


def kernel(user, items, reward, user_embedding, item_embedding,
           umlp_w, umlp_b, imlp_w, imlp_b):
    user = user.astype(jnp.int32)
    items_flat = items.astype(jnp.int32).reshape(_B * _L)
    t_item = _transform_table(item_embedding, imlp_w, imlp_b.reshape(1, _D))
    urows = _sc_user_gather(user_embedding, user)
    ue = _umlp(urows, umlp_w, umlp_b.reshape(1, _D))
    d2, n = _sc_dist(t_item, ue, items_flat)
    d2 = d2.reshape(_B, _LP)
    n = n.reshape(_B, _LP)
    gum = jnp.concatenate(
        [jax.random.gumbel(jax.random.key(123), (_B, _L), jnp.float32),
         jnp.zeros((_B, _LP - _L), jnp.float32)], axis=1)
    gan, reg = _losses(d2, n, reward, gum, ue)
    return (gan.reshape(()), reg.reshape(()))

# --- scband reference (transcript-rebuilt; emitter-appended) ---
"""Pipeline reference for scband-generator-30253749633285 (READ-ONLY COPY).

The authoritative reference and input builder live on the scoring server;
editing this copy changes nothing except your own understanding.
"""

import jax, jax.numpy as jnp
import numpy as np

N_USER = 100000
N_ITEM = 100000
D = 64
B = 4096
L = 200
REGS = 1e-05


def setup_inputs(seed: int = 0) -> dict:
    key = jax.random.key(seed)
    ks = jax.random.split(key, 8)
    user = jax.random.randint(ks[0], (B,), 0, N_USER, dtype=jnp.int64 if jax.config.jax_enable_x64 else jnp.int32)
    items = jax.random.randint(ks[1], (B, L), 0, N_ITEM, dtype=jnp.int64 if jax.config.jax_enable_x64 else jnp.int32)
    reward = jax.random.uniform(ks[2], (B, L), dtype=jnp.float32)
    # xavier_uniform for embedding tables
    lim_u = float(np.sqrt(6.0 / (N_USER + D)))
    lim_i = float(np.sqrt(6.0 / (N_ITEM + D)))
    user_embedding = jax.random.uniform(ks[3], (N_USER, D), jnp.float32, -lim_u, lim_u)
    item_embedding = jax.random.uniform(ks[4], (N_ITEM, D), jnp.float32, -lim_i, lim_i)
    # nn.Linear default init: uniform(-1/sqrt(fan_in), 1/sqrt(fan_in))
    lim_w = float(1.0 / np.sqrt(D))
    umlp_w = jax.random.uniform(ks[5], (D, D), jnp.float32, -lim_w, lim_w)
    umlp_b = jax.random.uniform(ks[6], (D,), jnp.float32, -lim_w, lim_w)
    imlp_w = jax.random.uniform(ks[7], (D, D), jnp.float32, -lim_w, lim_w)
    imlp_b = jax.random.uniform(jax.random.fold_in(key, 99), (D,), jnp.float32, -lim_w, lim_w)
    return {
        "user": user,
        "items": items,
        "reward": reward,
        "user_embedding": user_embedding,
        "item_embedding": item_embedding,
        "umlp_w": umlp_w,
        "umlp_b": umlp_b,
        "imlp_w": imlp_w,
        "imlp_b": imlp_b,
    }


def reference(user, items, reward, user_embedding, item_embedding, umlp_w, umlp_b, imlp_w, imlp_b):
    # u_e = umlp(user_embedding[user])  -> [B, D]
    u_e = jnp.take(user_embedding, user, axis=0) @ umlp_w.T + umlp_b
    # i_e = imlp(item_embedding[items]) -> [B, L, D]
    i_e = jnp.take(item_embedding, items, axis=0) @ imlp_w.T + imlp_b
    u_e3 = u_e[:, None, :]
    # euclidean distance over feature dim -> [B, L]
    distance = jnp.sqrt(jnp.sum((u_e3 - i_e) ** 2, axis=-1) + 1e-12)
    probs = jax.nn.softmax(distance, axis=1)
    # torch.multinomial(probs, 1) == categorical sampling from probs
    sampled_id = jax.random.categorical(jax.random.key(123), jnp.log(probs + 1e-12), axis=1)  # [B]
    row_ids = jnp.arange(distance.shape[0])
    log_probs = jax.nn.log_softmax(distance, axis=-1)
    sampled_probs = log_probs[row_ids, sampled_id]  # [B]
    sampled_reward = reward[row_ids, sampled_id]  # [B]
    gan_loss = -jnp.mean(sampled_probs * sampled_reward)
    reg_loss = REGS * 0.5 * (jnp.sum(u_e3 ** 2) + jnp.sum(i_e ** 2))
    return (gan_loss, reg_loss)

if __name__ == "__main__":
    import jax
    _d = setup_inputs()
    print(jax.jit(kernel)(*tuple(_d.values())))

</pallas_src>

<mosaic_0001>
#map = affine_map<(d0, d1) -> (0, 0)>
#map1 = affine_map<(d0, d1) -> (0)>
module attributes {stable_mosaic.version = 14 : i64} {
  func.func @k(%arg0: i32, %arg1: i32, %arg2: memref<100000x64xf32, #tpu.memory_space<hbm>>, %arg3: memref<4096xi32, #tpu.memory_space<hbm>>, %arg4: memref<4096x64xf32, #tpu.memory_space<hbm>>, %arg5: memref<128xi32, #tpu.memory_space<vmem>>, %arg6: memref<128x64xf32, #tpu.memory_space<vmem>>, %arg7: memref<!tpu.dma_semaphore, #tpu.memory_space<semaphore_mem>>) attributes {dimension_semantics = [#tpu.dimension_semantics<core_parallel>, #tpu.dimension_semantics<subcore_parallel>], iteration_bounds = array<i64: 2, 16>, scalar_prefetch = 0 : i64, scratch_operands = 3 : i64, tpu.core_type = #tpu.core_type<sc_vector_subcore>, window_params = [{transform_indices = #map}, {transform_indices = #map1}, {transform_indices = #map}]} {
    %mul3A = arith.constant 2 : i32
    %mul3A_0 = arith.muli %arg1, %mul3A : i32
    %add3A = arith.addi %mul3A_0, %arg0 : i32
    %mul3A_1 = arith.constant 128 : i32
    %mul3A_2 = arith.muli %add3A, %mul3A_1 : i32
    %multiple_of3A = tpu.assume_multiple %mul3A_2, 8 : i32
    "tpu.region"() ({
      %run_scoped3A = tpu.sem_alloc : memref<!tpu.dma_semaphore, #tpu.memory_space<semaphore_mem>>
      %dma_start3A_7 = tpu.memref_slice %arg3[%multiple_of3A] : memref<4096xi32, #tpu.memory_space<hbm>> -> memref<128xi32, #tpu.memory_space<hbm>>
      %dma_start3A_8 = tpu.memref_slice %arg3[%multiple_of3A] : memref<4096xi32, #tpu.memory_space<hbm>> -> memref<128xi32, #tpu.memory_space<hbm>>
      tpu.enqueue_dma source(%dma_start3A_8 : memref<128xi32, #tpu.memory_space<hbm>>) target(%arg5 : memref<128xi32, #tpu.memory_space<vmem>>) target_semaphore(%run_scoped3A : memref<!tpu.dma_semaphore, #tpu.memory_space<semaphore_mem>>)
      %dma_wait3A_9 = tpu.memref_slice %arg3[%multiple_of3A] : memref<4096xi32, #tpu.memory_space<hbm>> -> memref<128xi32, #tpu.memory_space<hbm>>
      %dma_wait3A_10 = tpu.memref_slice %arg3[%multiple_of3A] : memref<4096xi32, #tpu.memory_space<hbm>> -> memref<128xi32, #tpu.memory_space<hbm>>
      tpu.wait_dma2 semaphore(%run_scoped3A : memref<!tpu.dma_semaphore, #tpu.memory_space<semaphore_mem>>) src(%dma_wait3A_10 : memref<128xi32, #tpu.memory_space<hbm>>) dst(%arg5 : memref<128xi32, #tpu.memory_space<vmem>>)
      tpu.yield
    }) : () -> ()
    %dma_start3A = arith.constant 0 : i32
    %dma_start3A_3 = arith.constant 0 : i32
    %dma_start3A_4 = tpu.memref_slice %arg2[%dma_start3A, %dma_start3A_3] : memref<100000x64xf32, #tpu.memory_space<hbm>> -> memref<100000x64xf32, #tpu.memory_space<hbm>>
    tpu.enqueue_indirect_dma source(%dma_start3A_4 : memref<100000x64xf32, #tpu.memory_space<hbm>>) target(%arg6 : memref<128x64xf32, #tpu.memory_space<vmem>>) offsets(%arg5 : memref<128xi32, #tpu.memory_space<vmem>>) semaphore(%arg7 : memref<!tpu.dma_semaphore, #tpu.memory_space<semaphore_mem>>)
    %dma_wait3A = arith.constant 0 : i32
    %dma_wait3A_5 = arith.constant 0 : i32
    %dma_wait3A_6 = tpu.memref_slice %arg2[%dma_wait3A, %dma_wait3A_5] : memref<100000x64xf32, #tpu.memory_space<hbm>> -> memref<100000x64xf32, #tpu.memory_space<hbm>>
    tpu.wait_indirect_dma semaphore(%arg7 : memref<!tpu.dma_semaphore, #tpu.memory_space<semaphore_mem>>) src(%dma_wait3A_6 : memref<100000x64xf32, #tpu.memory_space<hbm>>) dst(%arg6 : memref<128x64xf32, #tpu.memory_space<vmem>>)
    "tpu.region"() ({
      %run_scoped3A = tpu.sem_alloc : memref<!tpu.dma_semaphore, #tpu.memory_space<semaphore_mem>>
      %dma_start3A_7 = arith.constant 0 : i32
      %dma_start3A_8 = tpu.memref_slice %arg4[%multiple_of3A, %dma_start3A_7] : memref<4096x64xf32, #tpu.memory_space<hbm>> -> memref<128x64xf32, #tpu.memory_space<hbm>>
      %dma_start3A_9 = arith.constant 0 : i32
      %dma_start3A_10 = tpu.memref_slice %arg4[%multiple_of3A, %dma_start3A_9] : memref<4096x64xf32, #tpu.memory_space<hbm>> -> memref<128x64xf32, #tpu.memory_space<hbm>>
      tpu.enqueue_dma source(%arg6 : memref<128x64xf32, #tpu.memory_space<vmem>>) target(%dma_start3A_10 : memref<128x64xf32, #tpu.memory_space<hbm>>) target_semaphore(%run_scoped3A : memref<!tpu.dma_semaphore, #tpu.memory_space<semaphore_mem>>)
      %dma_wait3A_11 = arith.constant 0 : i32
      %dma_wait3A_12 = tpu.memref_slice %arg4[%multiple_of3A, %dma_wait3A_11] : memref<4096x64xf32, #tpu.memory_space<hbm>> -> memref<128x64xf32, #tpu.memory_space<hbm>>
      %dma_wait3A_13 = arith.constant 0 : i32
      %dma_wait3A_14 = tpu.memref_slice %arg4[%multiple_of3A, %dma_wait3A_13] : memref<4096x64xf32, #tpu.memory_space<hbm>> -> memref<128x64xf32, #tpu.memory_space<hbm>>
      tpu.wait_dma2 semaphore(%run_scoped3A : memref<!tpu.dma_semaphore, #tpu.memory_space<semaphore_mem>>) src(%arg6 : memref<128x64xf32, #tpu.memory_space<vmem>>) dst(%dma_wait3A_14 : memref<128x64xf32, #tpu.memory_space<hbm>>)
      tpu.yield
    }) : () -> ()
    return
  }
}

#map = affine_map<(d0, d1) -> (0, 0)>
#map1 = affine_map<(d0, d1) -> (0)>
module attributes {stable_mosaic.version = 14 : i64} {
  func.func @k(%arg0: i32, %arg1: i32, %arg2: memref<100000x64xf32, #tpu.memory_space<hbm>>, %arg3: memref<4096x64xf32, #tpu.memory_space<hbm>>, %arg4: memref<819200xi32, #tpu.memory_space<hbm>>, %arg5: memref<851968xf32, #tpu.memory_space<hbm>>, %arg6: memref<851968xf32, #tpu.memory_space<hbm>>, %arg7: memref<25600xi32, #tpu.memory_space<vmem>>, %arg8: memref<128x64xf32, #tpu.memory_space<vmem>>, %arg9: memref<208x64xf32, #tpu.memory_space<vmem>>, %arg10: memref<208x64xf32, #tpu.memory_space<vmem>>, %arg11: memref<26624xf32, #tpu.memory_space<vmem>>, %arg12: memref<26624xf32, #tpu.memory_space<vmem>>, %arg13: memref<!tpu.dma_semaphore, #tpu.memory_space<semaphore_mem>>, %arg14: memref<!tpu.dma_semaphore, #tpu.memory_space<semaphore_mem>>) attributes {dimension_semantics = [#tpu.dimension_semantics<core_parallel>, #tpu.dimension_semantics<subcore_parallel>], iteration_bounds = array<i64: 2, 16>, scalar_prefetch = 0 : i64, scratch_operands = 8 : i64, tpu.core_type = #tpu.core_type<sc_vector_subcore>, window_params = [{transform_indices = #map}, {transform_indices = #map}, {transform_indices = #map1}, {transform_indices = #map1}, {transform_indices = #map1}]} {
    %mul3A = arith.constant 2 : i32
    %mul3A_0 = arith.muli %arg1, %mul3A : i32
    %add3A = arith.addi %mul3A_0, %arg0 : i32
    %mul3A_1 = arith.constant 128 : i32
    %mul3A_2 = arith.muli %add3A, %mul3A_1 : i32
    %multiple_of3A = tpu.assume_multiple %mul3A_2, 8 : i32
    %mul3A_3 = arith.constant 25600 : i32
    %mul3A_4 = arith.muli %add3A, %mul3A_3 : i32
    %multiple_of3A_5 = tpu.assume_multiple %mul3A_4, 8 : i32
    %mul3A_6 = arith.constant 26624 : i32
    %mul3A_7 = arith.muli %add3A, %mul3A_6 : i32
    %multiple_of3A_8 = tpu.assume_multiple %mul3A_7, 8 : i32
    %iota3A = tpu.iota {dimensions = array<i32: 0>} : vector<16xi32>
    "tpu.region"() ({
      %run_scoped3A = tpu.sem_alloc : memref<!tpu.dma_semaphore, #tpu.memory_space<semaphore_mem>>
      %dma_start3A_352 = tpu.memref_slice %arg4[%multiple_of3A_5] : memref<819200xi32, #tpu.memory_space<hbm>> -> memref<25600xi32, #tpu.memory_space<hbm>>
      %dma_start3A_353 = tpu.memref_slice %arg4[%multiple_of3A_5] : memref<819200xi32, #tpu.memory_space<hbm>> -> memref<25600xi32, #tpu.memory_space<hbm>>
      tpu.enqueue_dma source(%dma_start3A_353 : memref<25600xi32, #tpu.memory_space<hbm>>) target(%arg7 : memref<25600xi32, #tpu.memory_space<vmem>>) target_semaphore(%run_scoped3A : memref<!tpu.dma_semaphore, #tpu.memory_space<semaphore_mem>>)
      %dma_wait3A = tpu.memref_slice %arg4[%multiple_of3A_5] : memref<819200xi32, #tpu.memory_space<hbm>> -> memref<25600xi32, #tpu.memory_space<hbm>>
      %dma_wait3A_354 = tpu.memref_slice %arg4[%multiple_of3A_5] : memref<819200xi32, #tpu.memory_space<hbm>> -> memref<25600xi32, #tpu.memory_space<hbm>>
      tpu.wait_dma2 semaphore(%run_scoped3A : memref<!tpu.dma_semaphore, #tpu.memory_space<semaphore_mem>>) src(%dma_wait3A_354 : memref<25600xi32, #tpu.memory_space<hbm>>) dst(%arg7 : memref<25600xi32, #tpu.memory_space<vmem>>)
      tpu.yield
    }) : () -> ()
    "tpu.region"() ({
      %run_scoped3A = tpu.sem_alloc : memref<!tpu.dma_semaphore, #tpu.memory_space<semaphore_mem>>
      %dma_start3A_352 = arith.constant 0 : i32
      %dma_start3A_353 = tpu.memref_slice %arg3[%multiple_of3A, %dma_start3A_352] : memref<4096x64xf32, #tpu.memory_space<hbm>> -> memref<128x64xf32, #tpu.memory_space<hbm>>
      %dma_start3A_354 = arith.constant 0 : i32
      %dma_start3A_355 = tpu.memref_slice %arg3[%multiple_of3A, %dma_start3A_354] : memref<4096x64xf32, #tpu.memory_space<hbm>> -> memref<128x64xf32, #tpu.memory_space<hbm>>
      tpu.enqueue_dma source(%dma_start3A_355 : memref<128x64xf32, #tpu.memory_space<hbm>>) target(%arg8 : memref<128x64xf32, #tpu.memory_space<vmem>>) target_semaphore(%run_scoped3A : memref<!tpu.dma_semaphore, #tpu.memory_space<semaphore_mem>>)
      %dma_wait3A = arith.constant 0 : i32
      %dma_wait3A_356 = tpu.memref_slice %arg3[%multiple_of3A, %dma_wait3A] : memref<4096x64xf32, #tpu.memory_space<hbm>> -> memref<128x64xf32, #tpu.memory_space<hbm>>
      %dma_wait3A_357 = arith.constant 0 : i32
      %dma_wait3A_358 = tpu.memref_slice %arg3[%multiple_of3A, %dma_wait3A_357] : memref<4096x64xf32, #tpu.memory_space<hbm>> -> memref<128x64xf32, #tpu.memory_space<hbm>>
      tpu.wait_dma2 semaphore(%run_scoped3A : memref<!tpu.dma_semaphore, #tpu.memory_space<semaphore_mem>>) src(%dma_wait3A_358 : memref<128x64xf32, #tpu.memory_space<hbm>>) dst(%arg8 : memref<128x64xf32, #tpu.memory_space<vmem>>)
      tpu.yield
    }) : () -> ()
    %broadcast_in_dim3A = arith.constant 0.000000e+00 : f32
    %broadcast_in_dim3A_9 = vector.broadcast %broadcast_in_dim3A : f32 to vector<16xf32>
    %broadcast_in_dim3A_10 = arith.constant 200 : i32
    %broadcast_in_dim3A_11 = vector.broadcast %broadcast_in_dim3A_10 : i32 to vector<16xi32>
    %add3A_12 = arith.constant 0 : i32
    %add3A_13 = vector.broadcast %add3A_12 : i32 to vector<16xi32>
    %add3A_14 = arith.addi %add3A_13, %iota3A : vector<16xi32>
    tpu.vector_store_idx %arg9[%broadcast_in_dim3A_11, %add3A_14], %broadcast_in_dim3A_9 : memref<208x64xf32, #tpu.memory_space<vmem>>[vector<16xi32>, vector<16xi32>], vector<16xf32>,
    %broadcast_in_dim3A_15 = arith.constant 200 : i32
    %broadcast_in_dim3A_16 = vector.broadcast %broadcast_in_dim3A_15 : i32 to vector<16xi32>
    %add3A_17 = arith.constant 16 : i32
    %add3A_18 = vector.broadcast %add3A_17 : i32 to vector<16xi32>
    %add3A_19 = arith.addi %add3A_18, %iota3A : vector<16xi32>
    tpu.vector_store_idx %arg9[%broadcast_in_dim3A_16, %add3A_19], %broadcast_in_dim3A_9 : memref<208x64xf32, #tpu.memory_space<vmem>>[vector<16xi32>, vector<16xi32>], vector<16xf32>,
    %broadcast_in_dim3A_20 = arith.constant 200 : i32
    %broadcast_in_dim3A_21 = vector.broadcast %broadcast_in_dim3A_20 : i32 to vector<16xi32>
    %add3A_22 = arith.constant 32 : i32
    %add3A_23 = vector.broadcast %add3A_22 : i32 to vector<16xi32>
    %add3A_24 = arith.addi %add3A_23, %iota3A : vector<16xi32>
    tpu.vector_store_idx %arg9[%broadcast_in_dim3A_21, %add3A_24], %broadcast_in_dim3A_9 : memref<208x64xf32, #tpu.memory_space<vmem>>[vector<16xi32>, vector<16xi32>], vector<16xf32>,
    %broadcast_in_dim3A_25 = arith.constant 200 : i32
    %broadcast_in_dim3A_26 = vector.broadcast %broadcast_in_dim3A_25 : i32 to vector<16xi32>
    %add3A_27 = arith.constant 48 : i32
    %add3A_28 = vector.broadcast %add3A_27 : i32 to vector<16xi32>
    %add3A_29 = arith.addi %add3A_28, %iota3A : vector<16xi32>
    tpu.vector_store_idx %arg9[%broadcast_in_dim3A_26, %add3A_29], %broadcast_in_dim3A_9 : memref<208x64xf32, #tpu.memory_space<vmem>>[vector<16xi32>, vector<16xi32>], vector<16xf32>,
    %broadcast_in_dim3A_30 = arith.constant 201 : i32
    %broadcast_in_dim3A_31 = vector.broadcast %broadcast_in_dim3A_30 : i32 to vector<16xi32>
    %add3A_32 = arith.constant 0 : i32
    %add3A_33 = vector.broadcast %add3A_32 : i32 to vector<16xi32>
    %add3A_34 = arith.addi %add3A_33, %iota3A : vector<16xi32>
    tpu.vector_store_idx %arg9[%broadcast_in_dim3A_31, %add3A_34], %broadcast_in_dim3A_9 : memref<208x64xf32, #tpu.memory_space<vmem>>[vector<16xi32>, vector<16xi32>], vector<16xf32>,
    %broadcast_in_dim3A_35 = arith.constant 201 : i32
    %broadcast_in_dim3A_36 = vector.broadcast %broadcast_in_dim3A_35 : i32 to vector<16xi32>
    %add3A_37 = arith.constant 16 : i32
    %add3A_38 = vector.broadcast %add3A_37 : i32 to vector<16xi32>
    %add3A_39 = arith.addi %add3A_38, %iota3A : vector<16xi32>
    tpu.vector_store_idx %arg9[%broadcast_in_dim3A_36, %add3A_39], %broadcast_in_dim3A_9 : memref<208x64xf32, #tpu.memory_space<vmem>>[vector<16xi32>, vector<16xi32>], vector<16xf32>,
    %broadcast_in_dim3A_40 = arith.constant 201 : i32
    %broadcast_in_dim3A_41 = vector.broadcast %broadcast_in_dim3A_40 : i32 to vector<16xi32>
    %add3A_42 = arith.constant 32 : i32
    %add3A_43 = vector.broadcast %add3A_42 : i32 to vector<16xi32>
    %add3A_44 = arith.addi %add3A_43, %iota3A : vector<16xi32>
    tpu.vector_store_idx %arg9[%broadcast_in_dim3A_41, %add3A_44], %broadcast_in_dim3A_9 : memref<208x64xf32, #tpu.memory_space<vmem>>[vector<16xi32>, vector<16xi32>], vector<16xf32>,
    %broadcast_in_dim3A_45 = arith.constant 201 : i32
    %broadcast_in_dim3A_46 = vector.broadcast %broadcast_in_dim3A_45 : i32 to vector<16xi32>
    %add3A_47 = arith.constant 48 : i32
    %add3A_48 = vector.broadcast %add3A_47 : i32 to vector<16xi32>
    %add3A_49 = arith.addi %add3A_48, %iota3A : vector<16xi32>
    tpu.vector_store_idx %arg9[%broadcast_in_dim3A_46, %add3A_49], %broadcast_in_dim3A_9 : memref<208x64xf32, #tpu.memory_space<vmem>>[vector<16xi32>, vector<16xi32>], vector<16xf32>,
    %broadcast_in_dim3A_50 = arith.constant 202 : i32
    %broadcast_in_dim3A_51 = vector.broadcast %broadcast_in_dim3A_50 : i32 to vector<16xi32>
    %add3A_52 = arith.constant 0 : i32
    %add3A_53 = vector.broadcast %add3A_52 : i32 to vector<16xi32>
    %add3A_54 = arith.addi %add3A_53, %iota3A : vector<16xi32>
    tpu.vector_store_idx %arg9[%broadcast_in_dim3A_51, %add3A_54], %broadcast_in_dim3A_9 : memref<208x64xf32, #tpu.memory_space<vmem>>[vector<16xi32>, vector<16xi32>], vector<16xf32>,
    %broadcast_in_dim3A_55 = arith.constant 202 : i32
    %broadcast_in_dim3A_56 = vector.broadcast %broadcast_in_dim3A_55 : i32 to vector<16xi32>
    %add3A_57 = arith.constant 16 : i32
    %add3A_58 = vector.broadcast %add3A_57 : i32 to vector<16xi32>
    %add3A_59 = arith.addi %add3A_58, %iota3A : vector<16xi32>
    tpu.vector_store_idx %arg9[%broadcast_in_dim3A_56, %add3A_59], %broadcast_in_dim3A_9 : memref<208x64xf32, #tpu.memory_space<vmem>>[vector<16xi32>, vector<16xi32>], vector<16xf32>,
    %broadcast_in_dim3A_60 = arith.constant 202 : i32
    %broadcast_in_dim3A_61 = vector.broadcast %broadcast_in_dim3A_60 : i32 to vector<16xi32>
    %add3A_62 = arith.constant 32 : i32
    %add3A_63 = vector.broadcast %add3A_62 : i32 to vector<16xi32>
    %add3A_64 = arith.addi %add3A_63, %iota3A : vector<16xi32>
    tpu.vector_store_idx %arg9[%broadcast_in_dim3A_61, %add3A_64], %broadcast_in_dim3A_9 : memref<208x64xf32, #tpu.memory_space<vmem>>[vector<16xi32>, vector<16xi32>], vector<16xf32>,
    %broadcast_in_dim3A_65 = arith.constant 202 : i32
    %broadcast_in_dim3A_66 = vector.broadcast %broadcast_in_dim3A_65 : i32 to vector<16xi32>
    %add3A_67 = arith.constant 48 : i32
    %add3A_68 = vector.broadcast %add3A_67 : i32 to vector<16xi32>
    %add3A_69 = arith.addi %add3A_68, %iota3A : vector<16xi32>
    tpu.vector_store_idx %arg9[%broadcast_in_dim3A_66, %add3A_69], %broadcast_in_dim3A_9 : memref<208x64xf32, #tpu.memory_space<vmem>>[vector<16xi32>, vector<16xi32>], vector<16xf32>,
    %broadcast_in_dim3A_70 = arith.constant 203 : i32
    %broadcast_in_dim3A_71 = vector.broadcast %broadcast_in_dim3A_70 : i32 to vector<16xi32>
    %add3A_72 = arith.constant 0 : i32
    %add3A_73 = vector.broadcast %add3A_72 : i32 to vector<16xi32>
    %add3A_74 = arith.addi %add3A_73, %iota3A : vector<16xi32>
    tpu.vector_store_idx %arg9[%broadcast_in_dim3A_71, %add3A_74], %broadcast_in_dim3A_9 : memref<208x64xf32, #tpu.memory_space<vmem>>[vector<16xi32>, vector<16xi32>], vector<16xf32>,
    %broadcast_in_dim3A_75 = arith.constant 203 : i32
    %broadcast_in_dim3A_76 = vector.broadcast %broadcast_in_dim3A_75 : i32 to vector<16xi32>
    %add3A_77 = arith.constant 16 : i32
    %add3A_78 = vector.broadcast %add3A_77 : i32 to vector<16xi32>
    %add3A_79 = arith.addi %add3A_78, %iota3A : vector<16xi32>
    tpu.vector_store_idx %arg9[%broadcast_in_dim3A_76, %add3A_79], %broadcast_in_dim3A_9 : memref<208x64xf32, #tpu.memory_space<vmem>>[vector<16xi32>, vector<16xi32>], vector<16xf32>,
    %broadcast_in_dim3A_80 = arith.constant 203 : i32
    %broadcast_in_dim3A_81 = vector.broadcast %broadcast_in_dim3A_80 : i32 to vector<16xi32>
    %add3A_82 = arith.constant 32 : i32
    %add3A_83 = vector.broadcast %add3A_82 : i32 to vector<16xi32>
    %add3A_84 = arith.addi %add3A_83, %iota3A : vector<16xi32>
    tpu.vector_store_idx %arg9[%broadcast_in_dim3A_81, %add3A_84], %broadcast_in_dim3A_9 : memref<208x64xf32, #tpu.memory_space<vmem>>[vector<16xi32>, vector<16xi32>], vector<16xf32>,
    %broadcast_in_dim3A_85 = arith.constant 203 : i32
    %broadcast_in_dim3A_86 = vector.broadcast %broadcast_in_dim3A_85 : i32 to vector<16xi32>
    %add3A_87 = arith.constant 48 : i32
    %add3A_88 = vector.broadcast %add3A_87 : i32 to vector<16xi32>
    %add3A_89 = arith.addi %add3A_88, %iota3A : vector<16xi32>
    tpu.vector_store_idx %arg9[%broadcast_in_dim3A_86, %add3A_89], %broadcast_in_dim3A_9 : memref<208x64xf32, #tpu.memory_space<vmem>>[vector<16xi32>, vector<16xi32>], vector<16xf32>,
    %broadcast_in_dim3A_90 = arith.constant 204 : i32
    %broadcast_in_dim3A_91 = vector.broadcast %broadcast_in_dim3A_90 : i32 to vector<16xi32>
    %add3A_92 = arith.constant 0 : i32
    %add3A_93 = vector.broadcast %add3A_92 : i32 to vector<16xi32>
    %add3A_94 = arith.addi %add3A_93, %iota3A : vector<16xi32>
    tpu.vector_store_idx %arg9[%broadcast_in_dim3A_91, %add3A_94], %broadcast_in_dim3A_9 : memref<208x64xf32, #tpu.memory_space<vmem>>[vector<16xi32>, vector<16xi32>], vector<16xf32>,
    %broadcast_in_dim3A_95 = arith.constant 204 : i32
    %broadcast_in_dim3A_96 = vector.broadcast %broadcast_in_dim3A_95 : i32 to vector<16xi32>
    %add3A_97 = arith.constant 16 : i32
    %add3A_98 = vector.broadcast %add3A_97 : i32 to vector<16xi32>
    %add3A_99 = arith.addi %add3A_98, %iota3A : vector<16xi32>
    tpu.vector_store_idx %arg9[%broadcast_in_dim3A_96, %add3A_99], %broadcast_in_dim3A_9 : memref<208x64xf32, #tpu.memory_space<vmem>>[vector<16xi32>, vector<16xi32>], vector<16xf32>,
    %broadcast_in_dim3A_100 = arith.constant 204 : i32
    %broadcast_in_dim3A_101 = vector.broadcast %broadcast_in_dim3A_100 : i32 to vector<16xi32>
    %add3A_102 = arith.constant 32 : i32
    %add3A_103 = vector.broadcast %add3A_102 : i32 to vector<16xi32>
    %add3A_104 = arith.addi %add3A_103, %iota3A : vector<16xi32>
    tpu.vector_store_idx %arg9[%broadcast_in_dim3A_101, %add3A_104], %broadcast_in_dim3A_9 : memref<208x64xf32, #tpu.memory_space<vmem>>[vector<16xi32>, vector<16xi32>], vector<16xf32>,
    %broadcast_in_dim3A_105 = arith.constant 204 : i32
    %broadcast_in_dim3A_106 = vector.broadcast %broadcast_in_dim3A_105 : i32 to vector<16xi32>
    %add3A_107 = arith.constant 48 : i32
    %add3A_108 = vector.broadcast %add3A_107 : i32 to vector<16xi32>
    %add3A_109 = arith.addi %add3A_108, %iota3A : vector<16xi32>
    tpu.vector_store_idx %arg9[%broadcast_in_dim3A_106, %add3A_109], %broadcast_in_dim3A_9 : memref<208x64xf32, #tpu.memory_space<vmem>>[vector<16xi32>, vector<16xi32>], vector<16xf32>,
    %broadcast_in_dim3A_110 = arith.constant 205 : i32
    %broadcast_in_dim3A_111 = vector.broadcast %broadcast_in_dim3A_110 : i32 to vector<16xi32>
    %add3A_112 = arith.constant 0 : i32
    %add3A_113 = vector.broadcast %add3A_112 : i32 to vector<16xi32>
    %add3A_114 = arith.addi %add3A_113, %iota3A : vector<16xi32>
    tpu.vector_store_idx %arg9[%broadcast_in_dim3A_111, %add3A_114], %broadcast_in_dim3A_9 : memref<208x64xf32, #tpu.memory_space<vmem>>[vector<16xi32>, vector<16xi32>], vector<16xf32>,
    %broadcast_in_dim3A_115 = arith.constant 205 : i32
    %broadcast_in_dim3A_116 = vector.broadcast %broadcast_in_dim3A_115 : i32 to vector<16xi32>
    %add3A_117 = arith.constant 16 : i32
    %add3A_118 = vector.broadcast %add3A_117 : i32 to vector<16xi32>
    %add3A_119 = arith.addi %add3A_118, %iota3A : vector<16xi32>
    tpu.vector_store_idx %arg9[%broadcast_in_dim3A_116, %add3A_119], %broadcast_in_dim3A_9 : memref<208x64xf32, #tpu.memory_space<vmem>>[vector<16xi32>, vector<16xi32>], vector<16xf32>,
    %broadcast_in_dim3A_120 = arith.constant 205 : i32
    %broadcast_in_dim3A_121 = vector.broadcast %broadcast_in_dim3A_120 : i32 to vector<16xi32>
    %add3A_122 = arith.constant 32 : i32
    %add3A_123 = vector.broadcast %add3A_122 : i32 to vector<16xi32>
    %add3A_124 = arith.addi %add3A_123, %iota3A : vector<16xi32>
    tpu.vector_store_idx %arg9[%broadcast_in_dim3A_121, %add3A_124], %broadcast_in_dim3A_9 : memref<208x64xf32, #tpu.memory_space<vmem>>[vector<16xi32>, vector<16xi32>], vector<16xf32>,
    %broadcast_in_dim3A_125 = arith.constant 205 : i32
    %broadcast_in_dim3A_126 = vector.broadcast %broadcast_in_dim3A_125 : i32 to vector<16xi32>
    %add3A_127 = arith.constant 48 : i32
    %add3A_128 = vector.broadcast %add3A_127 : i32 to vector<16xi32>
    %add3A_129 = arith.addi %add3A_128, %iota3A : vector<16xi32>
    tpu.vector_store_idx %arg9[%broadcast_in_dim3A_126, %add3A_129], %broadcast_in_dim3A_9 : memref<208x64xf32, #tpu.memory_space<vmem>>[vector<16xi32>, vector<16xi32>], vector<16xf32>,
    %broadcast_in_dim3A_130 = arith.constant 206 : i32
    %broadcast_in_dim3A_131 = vector.broadcast %broadcast_in_dim3A_130 : i32 to vector<16xi32>
    %add3A_132 = arith.constant 0 : i32
    %add3A_133 = vector.broadcast %add3A_132 : i32 to vector<16xi32>
    %add3A_134 = arith.addi %add3A_133, %iota3A : vector<16xi32>
    tpu.vector_store_idx %arg9[%broadcast_in_dim3A_131, %add3A_134], %broadcast_in_dim3A_9 : memref<208x64xf32, #tpu.memory_space<vmem>>[vector<16xi32>, vector<16xi32>], vector<16xf32>,
    %broadcast_in_dim3A_135 = arith.constant 206 : i32
    %broadcast_in_dim3A_136 = vector.broadcast %broadcast_in_dim3A_135 : i32 to vector<16xi32>
    %add3A_137 = arith.constant 16 : i32
    %add3A_138 = vector.broadcast %add3A_137 : i32 to vector<16xi32>
    %add3A_139 = arith.addi %add3A_138, %iota3A : vector<16xi32>
    tpu.vector_store_idx %arg9[%broadcast_in_dim3A_136, %add3A_139], %broadcast_in_dim3A_9 : memref<208x64xf32, #tpu.memory_space<vmem>>[vector<16xi32>, vector<16xi32>], vector<16xf32>,
    %broadcast_in_dim3A_140 = arith.constant 206 : i32
    %broadcast_in_dim3A_141 = vector.broadcast %broadcast_in_dim3A_140 : i32 to vector<16xi32>
    %add3A_142 = arith.constant 32 : i32
    %add3A_143 = vector.broadcast %add3A_142 : i32 to vector<16xi32>
    %add3A_144 = arith.addi %add3A_143, %iota3A : vector<16xi32>
    tpu.vector_store_idx %arg9[%broadcast_in_dim3A_141, %add3A_144], %broadcast_in_dim3A_9 : memref<208x64xf32, #tpu.memory_space<vmem>>[vector<16xi32>, vector<16xi32>], vector<16xf32>,
    %broadcast_in_dim3A_145 = arith.constant 206 : i32
    %broadcast_in_dim3A_146 = vector.broadcast %broadcast_in_dim3A_145 : i32 to vector<16xi32>
    %add3A_147 = arith.constant 48 : i32
    %add3A_148 = vector.broadcast %add3A_147 : i32 to vector<16xi32>
    %add3A_149 = arith.addi %add3A_148, %iota3A : vector<16xi32>
    tpu.vector_store_idx %arg9[%broadcast_in_dim3A_146, %add3A_149], %broadcast_in_dim3A_9 : memref<208x64xf32, #tpu.memory_space<vmem>>[vector<16xi32>, vector<16xi32>], vector<16xf32>,
    %broadcast_in_dim3A_150 = arith.constant 207 : i32
    %broadcast_in_dim3A_151 = vector.broadcast %broadcast_in_dim3A_150 : i32 to vector<16xi32>
    %add3A_152 = arith.constant 0 : i32
    %add3A_153 = vector.broadcast %add3A_152 : i32 to vector<16xi32>
    %add3A_154 = arith.addi %add3A_153, %iota3A : vector<16xi32>
    tpu.vector_store_idx %arg9[%broadcast_in_dim3A_151, %add3A_154], %broadcast_in_dim3A_9 : memref<208x64xf32, #tpu.memory_space<vmem>>[vector<16xi32>, vector<16xi32>], vector<16xf32>,
    %broadcast_in_dim3A_155 = arith.constant 207 : i32
    %broadcast_in_dim3A_156 = vector.broadcast %broadcast_in_dim3A_155 : i32 to vector<16xi32>
    %add3A_157 = arith.constant 16 : i32
    %add3A_158 = vector.broadcast %add3A_157 : i32 to vector<16xi32>
    %add3A_159 = arith.addi %add3A_158, %iota3A : vector<16xi32>
    tpu.vector_store_idx %arg9[%broadcast_in_dim3A_156, %add3A_159], %broadcast_in_dim3A_9 : memref<208x64xf32, #tpu.memory_space<vmem>>[vector<16xi32>, vector<16xi32>], vector<16xf32>,
    %broadcast_in_dim3A_160 = arith.constant 207 : i32
    %broadcast_in_dim3A_161 = vector.broadcast %broadcast_in_dim3A_160 : i32 to vector<16xi32>
    %add3A_162 = arith.constant 32 : i32
    %add3A_163 = vector.broadcast %add3A_162 : i32 to vector<16xi32>
    %add3A_164 = arith.addi %add3A_163, %iota3A : vector<16xi32>
    tpu.vector_store_idx %arg9[%broadcast_in_dim3A_161, %add3A_164], %broadcast_in_dim3A_9 : memref<208x64xf32, #tpu.memory_space<vmem>>[vector<16xi32>, vector<16xi32>], vector<16xf32>,
    %broadcast_in_dim3A_165 = arith.constant 207 : i32
    %broadcast_in_dim3A_166 = vector.broadcast %broadcast_in_dim3A_165 : i32 to vector<16xi32>
    %add3A_167 = arith.constant 48 : i32
    %add3A_168 = vector.broadcast %add3A_167 : i32 to vector<16xi32>
    %add3A_169 = arith.addi %add3A_168, %iota3A : vector<16xi32>
    tpu.vector_store_idx %arg9[%broadcast_in_dim3A_166, %add3A_169], %broadcast_in_dim3A_9 : memref<208x64xf32, #tpu.memory_space<vmem>>[vector<16xi32>, vector<16xi32>], vector<16xf32>,
    %broadcast_in_dim3A_170 = arith.constant 200 : i32
    %broadcast_in_dim3A_171 = vector.broadcast %broadcast_in_dim3A_170 : i32 to vector<16xi32>
    %add3A_172 = arith.constant 0 : i32
    %add3A_173 = vector.broadcast %add3A_172 : i32 to vector<16xi32>
    %add3A_174 = arith.addi %add3A_173, %iota3A : vector<16xi32>
    tpu.vector_store_idx %arg10[%broadcast_in_dim3A_171, %add3A_174], %broadcast_in_dim3A_9 : memref<208x64xf32, #tpu.memory_space<vmem>>[vector<16xi32>, vector<16xi32>], vector<16xf32>,
    %broadcast_in_dim3A_175 = arith.constant 200 : i32
    %broadcast_in_dim3A_176 = vector.broadcast %broadcast_in_dim3A_175 : i32 to vector<16xi32>
    %add3A_177 = arith.constant 16 : i32
    %add3A_178 = vector.broadcast %add3A_177 : i32 to vector<16xi32>
    %add3A_179 = arith.addi %add3A_178, %iota3A : vector<16xi32>
    tpu.vector_store_idx %arg10[%broadcast_in_dim3A_176, %add3A_179], %broadcast_in_dim3A_9 : memref<208x64xf32, #tpu.memory_space<vmem>>[vector<16xi32>, vector<16xi32>], vector<16xf32>,
    %broadcast_in_dim3A_180 = arith.constant 200 : i32
    %broadcast_in_dim3A_181 = vector.broadcast %broadcast_in_dim3A_180 : i32 to vector<16xi32>
    %add3A_182 = arith.constant 32 : i32
    %add3A_183 = vector.broadcast %add3A_182 : i32 to vector<16xi32>
    %add3A_184 = arith.addi %add3A_183, %iota3A : vector<16xi32>
    tpu.vector_store_idx %arg10[%broadcast_in_dim3A_181, %add3A_184], %broadcast_in_dim3A_9 : memref<208x64xf32, #tpu.memory_space<vmem>>[vector<16xi32>, vector<16xi32>], vector<16xf32>,
    %broadcast_in_dim3A_185 = arith.constant 200 : i32
    %broadcast_in_dim3A_186 = vector.broadcast %broadcast_in_dim3A_185 : i32 to vector<16xi32>
    %add3A_187 = arith.constant 48 : i32
    %add3A_188 = vector.broadcast %add3A_187 : i32 to vector<16xi32>
    %add3A_189 = arith.addi %add3A_188, %iota3A : vector<16xi32>
    tpu.vector_store_idx %arg10[%broadcast_in_dim3A_186, %add3A_189], %broadcast_in_dim3A_9 : memref<208x64xf32, #tpu.memory_space<vmem>>[vector<16xi32>, vector<16xi32>], vector<16xf32>,
    %broadcast_in_dim3A_190 = arith.constant 201 : i32
    %broadcast_in_dim3A_191 = vector.broadcast %broadcast_in_dim3A_190 : i32 to vector<16xi32>
    %add3A_192 = arith.constant 0 : i32
    %add3A_193 = vector.broadcast %add3A_192 : i32 to vector<16xi32>
    %add3A_194 = arith.addi %add3A_193, %iota3A : vector<16xi32>
    tpu.vector_store_idx %arg10[%broadcast_in_dim3A_191, %add3A_194], %broadcast_in_dim3A_9 : memref<208x64xf32, #tpu.memory_space<vmem>>[vector<16xi32>, vector<16xi32>], vector<16xf32>,
    %broadcast_in_dim3A_195 = arith.constant 201 : i32
    %broadcast_in_dim3A_196 = vector.broadcast %broadcast_in_dim3A_195 : i32 to vector<16xi32>
    %add3A_197 = arith.constant 16 : i32
    %add3A_198 = vector.broadcast %add3A_197 : i32 to vector<16xi32>
    %add3A_199 = arith.addi %add3A_198, %iota3A : vector<16xi32>
    tpu.vector_store_idx %arg10[%broadcast_in_dim3A_196, %add3A_199], %broadcast_in_dim3A_9 : memref<208x64xf32, #tpu.memory_space<vmem>>[vector<16xi32>, vector<16xi32>], vector<16xf32>,
    %broadcast_in_dim3A_200 = arith.constant 201 : i32
    %broadcast_in_dim3A_201 = vector.broadcast %broadcast_in_dim3A_200 : i32 to vector<16xi32>
    %add3A_202 = arith.constant 32 : i32
    %add3A_203 = vector.broadcast %add3A_202 : i32 to vector<16xi32>
    %add3A_204 = arith.addi %add3A_203, %iota3A : vector<16xi32>
    tpu.vector_store_idx %arg10[%broadcast_in_dim3A_201, %add3A_204], %broadcast_in_dim3A_9 : memref<208x64xf32, #tpu.memory_space<vmem>>[vector<16xi32>, vector<16xi32>], vector<16xf32>,
    %broadcast_in_dim3A_205 = arith.constant 201 : i32
    %broadcast_in_dim3A_206 = vector.broadcast %broadcast_in_dim3A_205 : i32 to vector<16xi32>
    %add3A_207 = arith.constant 48 : i32
    %add3A_208 = vector.broadcast %add3A_207 : i32 to vector<16xi32>
    %add3A_209 = arith.addi %add3A_208, %iota3A : vector<16xi32>
    tpu.vector_store_idx %arg10[%broadcast_in_dim3A_206, %add3A_209], %broadcast_in_dim3A_9 : memref<208x64xf32, #tpu.memory_space<vmem>>[vector<16xi32>, vector<16xi32>], vector<16xf32>,
    %broadcast_in_dim3A_210 = arith.constant 202 : i32
    %broadcast_in_dim3A_211 = vector.broadcast %broadcast_in_dim3A_210 : i32 to vector<16xi32>
    %add3A_212 = arith.constant 0 : i32
    %add3A_213 = vector.broadcast %add3A_212 : i32 to vector<16xi32>
    %add3A_214 = arith.addi %add3A_213, %iota3A : vector<16xi32>
    tpu.vector_store_idx %arg10[%broadcast_in_dim3A_211, %add3A_214], %broadcast_in_dim3A_9 : memref<208x64xf32, #tpu.memory_space<vmem>>[vector<16xi32>, vector<16xi32>], vector<16xf32>,
    %broadcast_in_dim3A_215 = arith.constant 202 : i32
    %broadcast_in_dim3A_216 = vector.broadcast %broadcast_in_dim3A_215 : i32 to vector<16xi32>
    %add3A_217 = arith.constant 16 : i32
    %add3A_218 = vector.broadcast %add3A_217 : i32 to vector<16xi32>
    %add3A_219 = arith.addi %add3A_218, %iota3A : vector<16xi32>
    tpu.vector_store_idx %arg10[%broadcast_in_dim3A_216, %add3A_219], %broadcast_in_dim3A_9 : memref<208x64xf32, #tpu.memory_space<vmem>>[vector<16xi32>, vector<16xi32>], vector<16xf32>,
    %broadcast_in_dim3A_220 = arith.constant 202 : i32
    %broadcast_in_dim3A_221 = vector.broadcast %broadcast_in_dim3A_220 : i32 to vector<16xi32>
    %add3A_222 = arith.constant 32 : i32
    %add3A_223 = vector.broadcast %add3A_222 : i32 to vector<16xi32>
    %add3A_224 = arith.addi %add3A_223, %iota3A : vector<16xi32>
    tpu.vector_store_idx %arg10[%broadcast_in_dim3A_221, %add3A_224], %broadcast_in_dim3A_9 : memref<208x64xf32, #tpu.memory_space<vmem>>[vector<16xi32>, vector<16xi32>], vector<16xf32>,
    %broadcast_in_dim3A_225 = arith.constant 202 : i32
    %broadcast_in_dim3A_226 = vector.broadcast %broadcast_in_dim3A_225 : i32 to vector<16xi32>
    %add3A_227 = arith.constant 48 : i32
    %add3A_228 = vector.broadcast %add3A_227 : i32 to vector<16xi32>
    %add3A_229 = arith.addi %add3A_228, %iota3A : vector<16xi32>
    tpu.vector_store_idx %arg10[%broadcast_in_dim3A_226, %add3A_229], %broadcast_in_dim3A_9 : memref<208x64xf32, #tpu.memory_space<vmem>>[vector<16xi32>, vector<16xi32>], vector<16xf32>,
    %broadcast_in_dim3A_230 = arith.constant 203 : i32
    %broadcast_in_dim3A_231 = vector.broadcast %broadcast_in_dim3A_230 : i32 to vector<16xi32>
    %add3A_232 = arith.constant 0 : i32
    %add3A_233 = vector.broadcast %add3A_232 : i32 to vector<16xi32>
    %add3A_234 = arith.addi %add3A_233, %iota3A : vector<16xi32>
    tpu.vector_store_idx %arg10[%broadcast_in_dim3A_231, %add3A_234], %broadcast_in_dim3A_9 : memref<208x64xf32, #tpu.memory_space<vmem>>[vector<16xi32>, vector<16xi32>], vector<16xf32>,
    %broadcast_in_dim3A_235 = arith.constant 203 : i32
    %broadcast_in_dim3A_236 = vector.broadcast %broadcast_in_dim3A_235 : i32 to vector<16xi32>
    %add3A_237 = arith.constant 16 : i32
    %add3A_238 = vector.broadcast %add3A_237 : i32 to vector<16xi32>
    %add3A_239 = arith.addi %add3A_238, %iota3A : vector<16xi32>
    tpu.vector_store_idx %arg10[%broadcast_in_dim3A_236, %add3A_239], %broadcast_in_dim3A_9 : memref<208x64xf32, #tpu.memory_space<vmem>>[vector<16xi32>, vector<16xi32>], vector<16xf32>,
    %broadcast_in_dim3A_240 = arith.constant 203 : i32
    %broadcast_in_dim3A_241 = vector.broadcast %broadcast_in_dim3A_240 : i32 to vector<16xi32>
    %add3A_242 = arith.constant 32 : i32
    %add3A_243 = vector.broadcast %add3A_242 : i32 to vector<16xi32>
    %add3A_244 = arith.addi %add3A_243, %iota3A : vector<16xi32>
    tpu.vector_store_idx %arg10[%broadcast_in_dim3A_241, %add3A_244], %broadcast_in_dim3A_9 : memref<208x64xf32, #tpu.memory_space<vmem>>[vector<16xi32>, vector<16xi32>], vector<16xf32>,
    %broadcast_in_dim3A_245 = arith.constant 203 : i32
    %broadcast_in_dim3A_246 = vector.broadcast %broadcast_in_dim3A_245 : i32 to vector<16xi32>
    %add3A_247 = arith.constant 48 : i32
    %add3A_248 = vector.broadcast %add3A_247 : i32 to vector<16xi32>
    %add3A_249 = arith.addi %add3A_248, %iota3A : vector<16xi32>
    tpu.vector_store_idx %arg10[%broadcast_in_dim3A_246, %add3A_249], %broadcast_in_dim3A_9 : memref<208x64xf32, #tpu.memory_space<vmem>>[vector<16xi32>, vector<16xi32>], vector<16xf32>,
    %broadcast_in_dim3A_250 = arith.constant 204 : i32
    %broadcast_in_dim3A_251 = vector.broadcast %broadcast_in_dim3A_250 : i32 to vector<16xi32>
    %add3A_252 = arith.constant 0 : i32
    %add3A_253 = vector.broadcast %add3A_252 : i32 to vector<16xi32>
    %add3A_254 = arith.addi %add3A_253, %iota3A : vector<16xi32>
    tpu.vector_store_idx %arg10[%broadcast_in_dim3A_251, %add3A_254], %broadcast_in_dim3A_9 : memref<208x64xf32, #tpu.memory_space<vmem>>[vector<16xi32>, vector<16xi32>], vector<16xf32>,
    %broadcast_in_dim3A_255 = arith.constant 204 : i32
    %broadcast_in_dim3A_256 = vector.broadcast %broadcast_in_dim3A_255 : i32 to vector<16xi32>
    %add3A_257 = arith.constant 16 : i32
    %add3A_258 = vector.broadcast %add3A_257 : i32 to vector<16xi32>
    %add3A_259 = arith.addi %add3A_258, %iota3A : vector<16xi32>
    tpu.vector_store_idx %arg10[%broadcast_in_dim3A_256, %add3A_259], %broadcast_in_dim3A_9 : memref<208x64xf32, #tpu.memory_space<vmem>>[vector<16xi32>, vector<16xi32>], vector<16xf32>,
    %broadcast_in_dim3A_260 = arith.constant 204 : i32
    %broadcast_in_dim3A_261 = vector.broadcast %broadcast_in_dim3A_260 : i32 to vector<16xi32>
    %add3A_262 = arith.constant 32 : i32
    %add3A_263 = vector.broadcast %add3A_262 : i32 to vector<16xi32>
    %add3A_264 = arith.addi %add3A_263, %iota3A : vector<16xi32>
    tpu.vector_store_idx %arg10[%broadcast_in_dim3A_261, %add3A_264], %broadcast_in_dim3A_9 : memref<208x64xf32, #tpu.memory_space<vmem>>[vector<16xi32>, vector<16xi32>], vector<16xf32>,
    %broadcast_in_dim3A_265 = arith.constant 204 : i32
    %broadcast_in_dim3A_266 = vector.broadcast %broadcast_in_dim3A_265 : i32 to vector<16xi32>
    %add3A_267 = arith.constant 48 : i32
    %add3A_268 = vector.broadcast %add3A_267 : i32 to vector<16xi32>
    %add3A_269 = arith.addi %add3A_268, %iota3A : vector<16xi32>
    tpu.vector_store_idx %arg10[%broadcast_in_dim3A_266, %add3A_269], %broadcast_in_dim3A_9 : memref<208x64xf32, #tpu.memory_space<vmem>>[vector<16xi32>, vector<16xi32>], vector<16xf32>,
    %broadcast_in_dim3A_270 = arith.constant 205 : i32
    %broadcast_in_dim3A_271 = vector.broadcast %broadcast_in_dim3A_270 : i32 to vector<16xi32>
    %add3A_272 = arith.constant 0 : i32
    %add3A_273 = vector.broadcast %add3A_272 : i32 to vector<16xi32>
    %add3A_274 = arith.addi %add3A_273, %iota3A : vector<16xi32>
    tpu.vector_store_idx %arg10[%broadcast_in_dim3A_271, %add3A_274], %broadcast_in_dim3A_9 : memref<208x64xf32, #tpu.memory_space<vmem>>[vector<16xi32>, vector<16xi32>], vector<16xf32>,
    %broadcast_in_dim3A_275 = arith.constant 205 : i32
    %broadcast_in_dim3A_276 = vector.broadcast %broadcast_in_dim3A_275 : i32 to vector<16xi32>
    %add3A_277 = arith.constant 16 : i32
    %add3A_278 = vector.broadcast %add3A_277 : i32 to vector<16xi32>
    %add3A_279 = arith.addi %add3A_278, %iota3A : vector<16xi32>
    tpu.vector_store_idx %arg10[%broadcast_in_dim3A_276, %add3A_279], %broadcast_in_dim3A_9 : memref<208x64xf32, #tpu.memory_space<vmem>>[vector<16xi32>, vector<16xi32>], vector<16xf32>,
    %broadcast_in_dim3A_280 = arith.constant 205 : i32
    %broadcast_in_dim3A_281 = vector.broadcast %broadcast_in_dim3A_280 : i32 to vector<16xi32>
    %add3A_282 = arith.constant 32 : i32
    %add3A_283 = vector.broadcast %add3A_282 : i32 to vector<16xi32>
    %add3A_284 = arith.addi %add3A_283, %iota3A : vector<16xi32>
    tpu.vector_store_idx %arg10[%broadcast_in_dim3A_281, %add3A_284], %broadcast_in_dim3A_9 : memref<208x64xf32, #tpu.memory_space<vmem>>[vector<16xi32>, vector<16xi32>], vector<16xf32>,
    %broadcast_in_dim3A_285 = arith.constant 205 : i32
    %broadcast_in_dim3A_286 = vector.broadcast %broadcast_in_dim3A_285 : i32 to vector<16xi32>
    %add3A_287 = arith.constant 48 : i32
    %add3A_288 = vector.broadcast %add3A_287 : i32 to vector<16xi32>
    %add3A_289 = arith.addi %add3A_288, %iota3A : vector<16xi32>
    tpu.vector_store_idx %arg10[%broadcast_in_dim3A_286, %add3A_289], %broadcast_in_dim3A_9 : memref<208x64xf32, #tpu.memory_space<vmem>>[vector<16xi32>, vector<16xi32>], vector<16xf32>,
    %broadcast_in_dim3A_290 = arith.constant 206 : i32
    %broadcast_in_dim3A_291 = vector.broadcast %broadcast_in_dim3A_290 : i32 to vector<16xi32>
    %add3A_292 = arith.constant 0 : i32
    %add3A_293 = vector.broadcast %add3A_292 : i32 to vector<16xi32>
    %add3A_294 = arith.addi %add3A_293, %iota3A : vector<16xi32>
    tpu.vector_store_idx %arg10[%broadcast_in_dim3A_291, %add3A_294], %broadcast_in_dim3A_9 : memref<208x64xf32, #tpu.memory_space<vmem>>[vector<16xi32>, vector<16xi32>], vector<16xf32>,
    %broadcast_in_dim3A_295 = arith.constant 206 : i32
    %broadcast_in_dim3A_296 = vector.broadcast %broadcast_in_dim3A_295 : i32 to vector<16xi32>
    %add3A_297 = arith.constant 16 : i32
    %add3A_298 = vector.broadcast %add3A_297 : i32 to vector<16xi32>
    %add3A_299 = arith.addi %add3A_298, %iota3A : vector<16xi32>
    tpu.vector_store_idx %arg10[%broadcast_in_dim3A_296, %add3A_299], %broadcast_in_dim3A_9 : memref<208x64xf32, #tpu.memory_space<vmem>>[vector<16xi32>, vector<16xi32>], vector<16xf32>,
    %broadcast_in_dim3A_300 = arith.constant 206 : i32
    %broadcast_in_dim3A_301 = vector.broadcast %broadcast_in_dim3A_300 : i32 to vector<16xi32>
    %add3A_302 = arith.constant 32 : i32
    %add3A_303 = vector.broadcast %add3A_302 : i32 to vector<16xi32>
    %add3A_304 = arith.addi %add3A_303, %iota3A : vector<16xi32>
    tpu.vector_store_idx %arg10[%broadcast_in_dim3A_301, %add3A_304], %broadcast_in_dim3A_9 : memref<208x64xf32, #tpu.memory_space<vmem>>[vector<16xi32>, vector<16xi32>], vector<16xf32>,
    %broadcast_in_dim3A_305 = arith.constant 206 : i32
    %broadcast_in_dim3A_306 = vector.broadcast %broadcast_in_dim3A_305 : i32 to vector<16xi32>
    %add3A_307 = arith.constant 48 : i32
    %add3A_308 = vector.broadcast %add3A_307 : i32 to vector<16xi32>
    %add3A_309 = arith.addi %add3A_308, %iota3A : vector<16xi32>
    tpu.vector_store_idx %arg10[%broadcast_in_dim3A_306, %add3A_309], %broadcast_in_dim3A_9 : memref<208x64xf32, #tpu.memory_space<vmem>>[vector<16xi32>, vector<16xi32>], vector<16xf32>,
    %broadcast_in_dim3A_310 = arith.constant 207 : i32
    %broadcast_in_dim3A_311 = vector.broadcast %broadcast_in_dim3A_310 : i32 to vector<16xi32>
    %add3A_312 = arith.constant 0 : i32
    %add3A_313 = vector.broadcast %add3A_312 : i32 to vector<16xi32>
    %add3A_314 = arith.addi %add3A_313, %iota3A : vector<16xi32>
    tpu.vector_store_idx %arg10[%broadcast_in_dim3A_311, %add3A_314], %broadcast_in_dim3A_9 : memref<208x64xf32, #tpu.memory_space<vmem>>[vector<16xi32>, vector<16xi32>], vector<16xf32>,
    %broadcast_in_dim3A_315 = arith.constant 207 : i32
    %broadcast_in_dim3A_316 = vector.broadcast %broadcast_in_dim3A_315 : i32 to vector<16xi32>
    %add3A_317 = arith.constant 16 : i32
    %add3A_318 = vector.broadcast %add3A_317 : i32 to vector<16xi32>
    %add3A_319 = arith.addi %add3A_318, %iota3A : vector<16xi32>
    tpu.vector_store_idx %arg10[%broadcast_in_dim3A_316, %add3A_319], %broadcast_in_dim3A_9 : memref<208x64xf32, #tpu.memory_space<vmem>>[vector<16xi32>, vector<16xi32>], vector<16xf32>,
    %broadcast_in_dim3A_320 = arith.constant 207 : i32
    %broadcast_in_dim3A_321 = vector.broadcast %broadcast_in_dim3A_320 : i32 to vector<16xi32>
    %add3A_322 = arith.constant 32 : i32
    %add3A_323 = vector.broadcast %add3A_322 : i32 to vector<16xi32>
    %add3A_324 = arith.addi %add3A_323, %iota3A : vector<16xi32>
    tpu.vector_store_idx %arg10[%broadcast_in_dim3A_321, %add3A_324], %broadcast_in_dim3A_9 : memref<208x64xf32, #tpu.memory_space<vmem>>[vector<16xi32>, vector<16xi32>], vector<16xf32>,
    %broadcast_in_dim3A_325 = arith.constant 207 : i32
    %broadcast_in_dim3A_326 = vector.broadcast %broadcast_in_dim3A_325 : i32 to vector<16xi32>
    %add3A_327 = arith.constant 48 : i32
    %add3A_328 = vector.broadcast %add3A_327 : i32 to vector<16xi32>
    %add3A_329 = arith.addi %add3A_328, %iota3A : vector<16xi32>
    tpu.vector_store_idx %arg10[%broadcast_in_dim3A_326, %add3A_329], %broadcast_in_dim3A_9 : memref<208x64xf32, #tpu.memory_space<vmem>>[vector<16xi32>, vector<16xi32>], vector<16xf32>,
    %multiple_of3A_330 = arith.constant 0 : i32
    %multiple_of3A_331 = tpu.assume_multiple %multiple_of3A_330, 8 : i32
    %add3A_332 = arith.constant 128 : i32
    %add3A_333 = arith.addi %multiple_of3A_331, %add3A_332 : i32
    %dma_start3A = arith.constant 0 : i32
    %dma_start3A_334 = arith.constant 0 : i32
    %dma_start3A_335 = tpu.memref_slice %arg9[%dma_start3A, %dma_start3A_334] : memref<208x64xf32, #tpu.memory_space<vmem>> -> memref<128x64xf32, #tpu.memory_space<vmem>>
    %dma_start3A_336 = tpu.memref_slice %arg7[%multiple_of3A_331] : memref<25600xi32, #tpu.memory_space<vmem>> -> memref<128xi32, #tpu.memory_space<vmem>>
    %dma_start3A_337 = arith.constant 0 : i32
    %dma_start3A_338 = arith.constant 0 : i32
    %dma_start3A_339 = tpu.memref_slice %arg2[%dma_start3A_337, %dma_start3A_338] : memref<100000x64xf32, #tpu.memory_space<hbm>> -> memref<100000x64xf32, #tpu.memory_space<hbm>>
    tpu.enqueue_indirect_dma source(%dma_start3A_339 : memref<100000x64xf32, #tpu.memory_space<hbm>>) target(%dma_start3A_335 : memref<128x64xf32, #tpu.memory_space<vmem>>) offsets(%dma_start3A_336 : memref<128xi32, #tpu.memory_space<vmem>>) semaphore(%arg13 : memref<!tpu.dma_semaphore, #tpu.memory_space<semaphore_mem>>)
    %dma_start3A_340 = arith.constant 128 : i32
    %dma_start3A_341 = arith.constant 0 : i32
    %dma_start3A_342 = tpu.memref_slice %arg9[%dma_start3A_340, %dma_start3A_341] : memref<208x64xf32, #tpu.memory_space<vmem>> -> memref<72x64xf32, #tpu.memory_space<vmem>>
    %dma_start3A_343 = tpu.memref_slice %arg7[%add3A_333] : memref<25600xi32, #tpu.memory_space<vmem>> -> memref<72xi32, #tpu.memory_space<vmem>>
    %dma_start3A_344 = arith.constant 0 : i32
    %dma_start3A_345 = arith.constant 0 : i32
    %dma_start3A_346 = tpu.memref_slice %arg2[%dma_start3A_344, %dma_start3A_345] : memref<100000x64xf32, #tpu.memory_space<hbm>> -> memref<100000x64xf32, #tpu.memory_space<hbm>>
    tpu.enqueue_indirect_dma source(%dma_start3A_346 : memref<100000x64xf32, #tpu.memory_space<hbm>>) target(%dma_start3A_342 : memref<72x64xf32, #tpu.memory_space<vmem>>) offsets(%dma_start3A_343 : memref<72xi32, #tpu.memory_space<vmem>>) semaphore(%arg13 : memref<!tpu.dma_semaphore, #tpu.memory_space<semaphore_mem>>)
    %scan3A = arith.constant 0 : i32
    %scan3A_347 = arith.constant 0 : i32
    %scan3A_348 = arith.constant 64 : i32
    %scan3A_349 = arith.addi %scan3A_347, %scan3A_348 : i32
    %scan3A_350 = arith.constant 1 : i32
    scf.for %scan3A_352 = %scan3A_347 to %scan3A_349 step %scan3A_350  : i32 {
      %mul3A_353 = arith.constant 2 : i32
      %mul3A_354 = arith.muli %scan3A_352, %mul3A_353 : i32
      %add3A_355 = arith.constant 0 : i32
      %add3A_356 = arith.addi %mul3A_354, %add3A_355 : i32
      %add3A_357 = arith.constant 1 : i32
      %add3A_358 = arith.addi %add3A_356, %add3A_357 : i32
      %lt3A = arith.constant 128 : i32
      %lt3A_359 = arith.cmpi slt, %add3A_358, %lt3A : i32
      %convert_element_type3A = arith.extui %lt3A_359 : i1 to i32
      %cond3A = arith.constant 0 : i32
      %cond3A_360 = arith.cmpi ne, %convert_element_type3A, %cond3A : i32
      scf.if %cond3A_360 {
        %add3A_760 = arith.constant 1 : i32
        %add3A_761 = arith.addi %add3A_356, %add3A_760 : i32
        %mul3A_762 = arith.constant 200 : i32
        %mul3A_763 = arith.muli %add3A_761, %mul3A_762 : i32
        %multiple_of3A_764 = tpu.assume_multiple %mul3A_763, 8 : i32
        %add3A_765 = arith.constant 128 : i32
        %add3A_766 = arith.addi %multiple_of3A_764, %add3A_765 : i32
        %dma_start3A_767 = arith.constant 0 : i32
        %dma_start3A_768 = arith.constant 0 : i32
        %dma_start3A_769 = tpu.memref_slice %arg10[%dma_start3A_767, %dma_start3A_768] : memref<208x64xf32, #tpu.memory_space<vmem>> -> memref<128x64xf32, #tpu.memory_space<vmem>>
        %dma_start3A_770 = tpu.memref_slice %arg7[%multiple_of3A_764] : memref<25600xi32, #tpu.memory_space<vmem>> -> memref<128xi32, #tpu.memory_space<vmem>>
        %dma_start3A_771 = arith.constant 0 : i32
        %dma_start3A_772 = arith.constant 0 : i32
        %dma_start3A_773 = tpu.memref_slice %arg2[%dma_start3A_771, %dma_start3A_772] : memref<100000x64xf32, #tpu.memory_space<hbm>> -> memref<100000x64xf32, #tpu.memory_space<hbm>>
        tpu.enqueue_indirect_dma source(%dma_start3A_773 : memref<100000x64xf32, #tpu.memory_space<hbm>>) target(%dma_start3A_769 : memref<128x64xf32, #tpu.memory_space<vmem>>) offsets(%dma_start3A_770 : memref<128xi32, #tpu.memory_space<vmem>>) semaphore(%arg14 : memref<!tpu.dma_semaphore, #tpu.memory_space<semaphore_mem>>)
        %dma_start3A_774 = arith.constant 128 : i32
        %dma_start3A_775 = arith.constant 0 : i32
        %dma_start3A_776 = tpu.memref_slice %arg10[%dma_start3A_774, %dma_start3A_775] : memref<208x64xf32, #tpu.memory_space<vmem>> -> memref<72x64xf32, #tpu.memory_space<vmem>>
        %dma_start3A_777 = tpu.memref_slice %arg7[%add3A_766] : memref<25600xi32, #tpu.memory_space<vmem>> -> memref<72xi32, #tpu.memory_space<vmem>>
        %dma_start3A_778 = arith.constant 0 : i32
        %dma_start3A_779 = arith.constant 0 : i32
        %dma_start3A_780 = tpu.memref_slice %arg2[%dma_start3A_778, %dma_start3A_779] : memref<100000x64xf32, #tpu.memory_space<hbm>> -> memref<100000x64xf32, #tpu.memory_space<hbm>>
        tpu.enqueue_indirect_dma source(%dma_start3A_780 : memref<100000x64xf32, #tpu.memory_space<hbm>>) target(%dma_start3A_776 : memref<72x64xf32, #tpu.memory_space<vmem>>) offsets(%dma_start3A_777 : memref<72xi32, #tpu.memory_space<vmem>>) semaphore(%arg14 : memref<!tpu.dma_semaphore, #tpu.memory_space<semaphore_mem>>)
      } else {
      }
      %mul3A_361 = arith.constant 200 : i32
      %mul3A_362 = arith.muli %add3A_356, %mul3A_361 : i32
      %multiple_of3A_363 = tpu.assume_multiple %mul3A_362, 8 : i32
      %add3A_364 = arith.constant 128 : i32
      %add3A_365 = arith.addi %multiple_of3A_363, %add3A_364 : i32
      %dma_wait3A = arith.constant 0 : i32
      %dma_wait3A_366 = arith.constant 0 : i32
      %dma_wait3A_367 = tpu.memref_slice %arg9[%dma_wait3A, %dma_wait3A_366] : memref<208x64xf32, #tpu.memory_space<vmem>> -> memref<128x64xf32, #tpu.memory_space<vmem>>
      %dma_wait3A_368 = tpu.memref_slice %arg7[%multiple_of3A_363] : memref<25600xi32, #tpu.memory_space<vmem>> -> memref<128xi32, #tpu.memory_space<vmem>>
      %dma_wait3A_369 = arith.constant 0 : i32
      %dma_wait3A_370 = arith.constant 0 : i32
      %dma_wait3A_371 = tpu.memref_slice %arg2[%dma_wait3A_369, %dma_wait3A_370] : memref<100000x64xf32, #tpu.memory_space<hbm>> -> memref<100000x64xf32, #tpu.memory_space<hbm>>
      tpu.wait_indirect_dma semaphore(%arg13 : memref<!tpu.dma_semaphore, #tpu.memory_space<semaphore_mem>>) src(%dma_wait3A_371 : memref<100000x64xf32, #tpu.memory_space<hbm>>) dst(%dma_wait3A_367 : memref<128x64xf32, #tpu.memory_space<vmem>>)
      %dma_wait3A_372 = arith.constant 128 : i32
      %dma_wait3A_373 = arith.constant 0 : i32
      %dma_wait3A_374 = tpu.memref_slice %arg9[%dma_wait3A_372, %dma_wait3A_373] : memref<208x64xf32, #tpu.memory_space<vmem>> -> memref<72x64xf32, #tpu.memory_space<vmem>>
      %dma_wait3A_375 = tpu.memref_slice %arg7[%add3A_365] : memref<25600xi32, #tpu.memory_space<vmem>> -> memref<72xi32, #tpu.memory_space<vmem>>
      %dma_wait3A_376 = arith.constant 0 : i32
      %dma_wait3A_377 = arith.constant 0 : i32
      %dma_wait3A_378 = tpu.memref_slice %arg2[%dma_wait3A_376, %dma_wait3A_377] : memref<100000x64xf32, #tpu.memory_space<hbm>> -> memref<100000x64xf32, #tpu.memory_space<hbm>>
      tpu.wait_indirect_dma semaphore(%arg13 : memref<!tpu.dma_semaphore, #tpu.memory_space<semaphore_mem>>) src(%dma_wait3A_378 : memref<100000x64xf32, #tpu.memory_space<hbm>>) dst(%dma_wait3A_374 : memref<72x64xf32, #tpu.memory_space<vmem>>)
      %broadcast_in_dim3A_379 = vector.broadcast %add3A_356 : i32 to vector<16xi32>
      %broadcast_in_dim3A_380 = arith.constant 0.000000e+00 : f32
      %broadcast_in_dim3A_381 = vector.broadcast %broadcast_in_dim3A_380 : f32 to vector<16xf32>
      %broadcast_in_dim3A_382 = arith.constant 0.000000e+00 : f32
      %broadcast_in_dim3A_383 = vector.broadcast %broadcast_in_dim3A_382 : f32 to vector<16xf32>
      %broadcast_in_dim3A_384 = arith.constant 0.000000e+00 : f32
      %broadcast_in_dim3A_385 = vector.broadcast %broadcast_in_dim3A_384 : f32 to vector<16xf32>
      %broadcast_in_dim3A_386 = arith.constant 0.000000e+00 : f32
      %broadcast_in_dim3A_387 = vector.broadcast %broadcast_in_dim3A_386 : f32 to vector<16xf32>
      %broadcast_in_dim3A_388 = arith.constant 0.000000e+00 : f32
      %broadcast_in_dim3A_389 = vector.broadcast %broadcast_in_dim3A_388 : f32 to vector<16xf32>
      %broadcast_in_dim3A_390 = arith.constant 0.000000e+00 : f32
      %broadcast_in_dim3A_391 = vector.broadcast %broadcast_in_dim3A_390 : f32 to vector<16xf32>
      %broadcast_in_dim3A_392 = arith.constant 0.000000e+00 : f32
      %broadcast_in_dim3A_393 = vector.broadcast %broadcast_in_dim3A_392 : f32 to vector<16xf32>
      %broadcast_in_dim3A_394 = arith.constant 0.000000e+00 : f32
      %broadcast_in_dim3A_395 = vector.broadcast %broadcast_in_dim3A_394 : f32 to vector<16xf32>
      %broadcast_in_dim3A_396 = arith.constant 0.000000e+00 : f32
      %broadcast_in_dim3A_397 = vector.broadcast %broadcast_in_dim3A_396 : f32 to vector<16xf32>
      %broadcast_in_dim3A_398 = arith.constant 0.000000e+00 : f32
      %broadcast_in_dim3A_399 = vector.broadcast %broadcast_in_dim3A_398 : f32 to vector<16xf32>
      %broadcast_in_dim3A_400 = arith.constant 0.000000e+00 : f32
      %broadcast_in_dim3A_401 = vector.broadcast %broadcast_in_dim3A_400 : f32 to vector<16xf32>
      %broadcast_in_dim3A_402 = arith.constant 0.000000e+00 : f32
      %broadcast_in_dim3A_403 = vector.broadcast %broadcast_in_dim3A_402 : f32 to vector<16xf32>
      %broadcast_in_dim3A_404 = arith.constant 0.000000e+00 : f32
      %broadcast_in_dim3A_405 = vector.broadcast %broadcast_in_dim3A_404 : f32 to vector<16xf32>
      %broadcast_in_dim3A_406 = arith.constant 0.000000e+00 : f32
      %broadcast_in_dim3A_407 = vector.broadcast %broadcast_in_dim3A_406 : f32 to vector<16xf32>
      %broadcast_in_dim3A_408 = arith.constant 0.000000e+00 : f32
      %broadcast_in_dim3A_409 = vector.broadcast %broadcast_in_dim3A_408 : f32 to vector<16xf32>
      %broadcast_in_dim3A_410 = arith.constant 0.000000e+00 : f32
      %broadcast_in_dim3A_411 = vector.broadcast %broadcast_in_dim3A_410 : f32 to vector<16xf32>
      %broadcast_in_dim3A_412 = arith.constant 0.000000e+00 : f32
      %broadcast_in_dim3A_413 = vector.broadcast %broadcast_in_dim3A_412 : f32 to vector<16xf32>
      %broadcast_in_dim3A_414 = arith.constant 0.000000e+00 : f32
      %broadcast_in_dim3A_415 = vector.broadcast %broadcast_in_dim3A_414 : f32 to vector<16xf32>
      %broadcast_in_dim3A_416 = arith.constant 0.000000e+00 : f32
      %broadcast_in_dim3A_417 = vector.broadcast %broadcast_in_dim3A_416 : f32 to vector<16xf32>
      %broadcast_in_dim3A_418 = arith.constant 0.000000e+00 : f32
      %broadcast_in_dim3A_419 = vector.broadcast %broadcast_in_dim3A_418 : f32 to vector<16xf32>
      %broadcast_in_dim3A_420 = arith.constant 0.000000e+00 : f32
      %broadcast_in_dim3A_421 = vector.broadcast %broadcast_in_dim3A_420 : f32 to vector<16xf32>
      %broadcast_in_dim3A_422 = arith.constant 0.000000e+00 : f32
      %broadcast_in_dim3A_423 = vector.broadcast %broadcast_in_dim3A_422 : f32 to vector<16xf32>
      %broadcast_in_dim3A_424 = arith.constant 0.000000e+00 : f32
      %broadcast_in_dim3A_425 = vector.broadcast %broadcast_in_dim3A_424 : f32 to vector<16xf32>
      %broadcast_in_dim3A_426 = arith.constant 0.000000e+00 : f32
      %broadcast_in_dim3A_427 = vector.broadcast %broadcast_in_dim3A_426 : f32 to vector<16xf32>
      %broadcast_in_dim3A_428 = arith.constant 0.000000e+00 : f32
      %broadcast_in_dim3A_429 = vector.broadcast %broadcast_in_dim3A_428 : f32 to vector<16xf32>
      %broadcast_in_dim3A_430 = arith.constant 0.000000e+00 : f32
      %broadcast_in_dim3A_431 = vector.broadcast %broadcast_in_dim3A_430 : f32 to vector<16xf32>
      %scan3A_432 = arith.constant 0 : i32
      %scan3A_433 = arith.constant 64 : i32
      %scan3A_434 = arith.addi %scan3A_432, %scan3A_433 : i32
      %scan3A_435 = arith.constant 1 : i32
      %scan3A_436:26 = scf.for %scan3A_760 = %scan3A_432 to %scan3A_434 step %scan3A_435 iter_args(%scan3A_761 = %broadcast_in_dim3A_381, %scan3A_762 = %broadcast_in_dim3A_383, %scan3A_763 = %broadcast_in_dim3A_385, %scan3A_764 = %broadcast_in_dim3A_387, %scan3A_765 = %broadcast_in_dim3A_389, %scan3A_766 = %broadcast_in_dim3A_391, %scan3A_767 = %broadcast_in_dim3A_393, %scan3A_768 = %broadcast_in_dim3A_395, %scan3A_769 = %broadcast_in_dim3A_397, %scan3A_770 = %broadcast_in_dim3A_399, %scan3A_771 = %broadcast_in_dim3A_401, %scan3A_772 = %broadcast_in_dim3A_403, %scan3A_773 = %broadcast_in_dim3A_405, %scan3A_774 = %broadcast_in_dim3A_407, %scan3A_775 = %broadcast_in_dim3A_409, %scan3A_776 = %broadcast_in_dim3A_411, %scan3A_777 = %broadcast_in_dim3A_413, %scan3A_778 = %broadcast_in_dim3A_415, %scan3A_779 = %broadcast_in_dim3A_417, %scan3A_780 = %broadcast_in_dim3A_419, %scan3A_781 = %broadcast_in_dim3A_421, %scan3A_782 = %broadcast_in_dim3A_423, %scan3A_783 = %broadcast_in_dim3A_425, %scan3A_784 = %broadcast_in_dim3A_427, %scan3A_785 = %broadcast_in_dim3A_429, %scan3A_786 = %broadcast_in_dim3A_431) -> (vector<16xf32>, vector<16xf32>, vector<16xf32>, vector<16xf32>, vector<16xf32>, vector<16xf32>, vector<16xf32>, vector<16xf32>, vector<16xf32>, vector<16xf32>, vector<16xf32>, vector<16xf32>, vector<16xf32>, vector<16xf32>, vector<16xf32>, vector<16xf32>, vector<16xf32>, vector<16xf32>, vector<16xf32>, vector<16xf32>, vector<16xf32>, vector<16xf32>, vector<16xf32>, vector<16xf32>, vector<16xf32>, vector<16xf32>)  : i32 {
        %add3A_787 = vector.broadcast %scan3A_760 : i32 to vector<16xi32>
        %add3A_788 = arith.addi %add3A_787, %iota3A : vector<16xi32>
        %and3A = arith.constant 63 : i32
        %and3A_789 = vector.broadcast %and3A : i32 to vector<16xi32>
        %and3A_790 = arith.andi %add3A_788, %and3A_789 : vector<16xi32>
        %gather3A = tpu.vector_load_idx %arg8[%broadcast_in_dim3A_379, %and3A_790] : memref<128x64xf32, #tpu.memory_space<vmem>>[vector<16xi32>, vector<16xi32>], vector<16xf32>,
        %add3A_791 = arith.constant 0 : i32
        %add3A_792 = vector.broadcast %add3A_791 : i32 to vector<16xi32>
        %add3A_793 = arith.addi %add3A_792, %iota3A : vector<16xi32>
        %gather3A_794 = tpu.vector_load_idx %arg9[%add3A_793, %and3A_790] : memref<208x64xf32, #tpu.memory_space<vmem>>[vector<16xi32>, vector<16xi32>], vector<16xf32>,
        %sub3A = arith.subf %gather3A_794, %gather3A : vector<16xf32>
        %mul3A_795 = arith.mulf %sub3A, %sub3A : vector<16xf32>
        %add3A_796 = arith.addf %scan3A_761, %mul3A_795 : vector<16xf32>
        %mul3A_797 = arith.mulf %gather3A_794, %gather3A_794 : vector<16xf32>
        %add3A_798 = arith.addf %scan3A_774, %mul3A_797 : vector<16xf32>
        %add3A_799 = arith.constant 16 : i32
        %add3A_800 = vector.broadcast %add3A_799 : i32 to vector<16xi32>
        %add3A_801 = arith.addi %add3A_800, %iota3A : vector<16xi32>
        %gather3A_802 = tpu.vector_load_idx %arg9[%add3A_801, %and3A_790] : memref<208x64xf32, #tpu.memory_space<vmem>>[vector<16xi32>, vector<16xi32>], vector<16xf32>,
        %sub3A_803 = arith.subf %gather3A_802, %gather3A : vector<16xf32>
        %mul3A_804 = arith.mulf %sub3A_803, %sub3A_803 : vector<16xf32>
        %add3A_805 = arith.addf %scan3A_762, %mul3A_804 : vector<16xf32>
        %mul3A_806 = arith.mulf %gather3A_802, %gather3A_802 : vector<16xf32>
        %add3A_807 = arith.addf %scan3A_775, %mul3A_806 : vector<16xf32>
        %add3A_808 = arith.constant 32 : i32
        %add3A_809 = vector.broadcast %add3A_808 : i32 to vector<16xi32>
        %add3A_810 = arith.addi %add3A_809, %iota3A : vector<16xi32>
        %gather3A_811 = tpu.vector_load_idx %arg9[%add3A_810, %and3A_790] : memref<208x64xf32, #tpu.memory_space<vmem>>[vector<16xi32>, vector<16xi32>], vector<16xf32>,
        %sub3A_812 = arith.subf %gather3A_811, %gather3A : vector<16xf32>
        %mul3A_813 = arith.mulf %sub3A_812, %sub3A_812 : vector<16xf32>
        %add3A_814 = arith.addf %scan3A_763, %mul3A_813 : vector<16xf32>
        %mul3A_815 = arith.mulf %gather3A_811, %gather3A_811 : vector<16xf32>
        %add3A_816 = arith.addf %scan3A_776, %mul3A_815 : vector<16xf32>
        %add3A_817 = arith.constant 48 : i32
        %add3A_818 = vector.broadcast %add3A_817 : i32 to vector<16xi32>
        %add3A_819 = arith.addi %add3A_818, %iota3A : vector<16xi32>
        %gather3A_820 = tpu.vector_load_idx %arg9[%add3A_819, %and3A_790] : memref<208x64xf32, #tpu.memory_space<vmem>>[vector<16xi32>, vector<16xi32>], vector<16xf32>,
        %sub3A_821 = arith.subf %gather3A_820, %gather3A : vector<16xf32>
        %mul3A_822 = arith.mulf %sub3A_821, %sub3A_821 : vector<16xf32>
        %add3A_823 = arith.addf %scan3A_764, %mul3A_822 : vector<16xf32>
        %mul3A_824 = arith.mulf %gather3A_820, %gather3A_820 : vector<16xf32>
        %add3A_825 = arith.addf %scan3A_777, %mul3A_824 : vector<16xf32>
        %add3A_826 = arith.constant 64 : i32
        %add3A_827 = vector.broadcast %add3A_826 : i32 to vector<16xi32>
        %add3A_828 = arith.addi %add3A_827, %iota3A : vector<16xi32>
        %gather3A_829 = tpu.vector_load_idx %arg9[%add3A_828, %and3A_790] : memref<208x64xf32, #tpu.memory_space<vmem>>[vector<16xi32>, vector<16xi32>], vector<16xf32>,
        %sub3A_830 = arith.subf %gather3A_829, %gather3A : vector<16xf32>
        %mul3A_831 = arith.mulf %sub3A_830, %sub3A_830 : vector<16xf32>
        %add3A_832 = arith.addf %scan3A_765, %mul3A_831 : vector<16xf32>
        %mul3A_833 = arith.mulf %gather3A_829, %gather3A_829 : vector<16xf32>
        %add3A_834 = arith.addf %scan3A_778, %mul3A_833 : vector<16xf32>
        %add3A_835 = arith.constant 80 : i32
        %add3A_836 = vector.broadcast %add3A_835 : i32 to vector<16xi32>
        %add3A_837 = arith.addi %add3A_836, %iota3A : vector<16xi32>
        %gather3A_838 = tpu.vector_load_idx %arg9[%add3A_837, %and3A_790] : memref<208x64xf32, #tpu.memory_space<vmem>>[vector<16xi32>, vector<16xi32>], vector<16xf32>,
        %sub3A_839 = arith.subf %gather3A_838, %gather3A : vector<16xf32>
        %mul3A_840 = arith.mulf %sub3A_839, %sub3A_839 : vector<16xf32>
        %add3A_841 = arith.addf %scan3A_766, %mul3A_840 : vector<16xf32>
        %mul3A_842 = arith.mulf %gather3A_838, %gather3A_838 : vector<16xf32>
        %add3A_843 = arith.addf %scan3A_779, %mul3A_842 : vector<16xf32>
        %add3A_844 = arith.constant 96 : i32
        %add3A_845 = vector.broadcast %add3A_844 : i32 to vector<16xi32>
        %add3A_846 = arith.addi %add3A_845, %iota3A : vector<16xi32>
        %gather3A_847 = tpu.vector_load_idx %arg9[%add3A_846, %and3A_790] : memref<208x64xf32, #tpu.memory_space<vmem>>[vector<16xi32>, vector<16xi32>], vector<16xf32>,
        %sub3A_848 = arith.subf %gather3A_847, %gather3A : vector<16xf32>
        %mul3A_849 = arith.mulf %sub3A_848, %sub3A_848 : vector<16xf32>
        %add3A_850 = arith.addf %scan3A_767, %mul3A_849 : vector<16xf32>
        %mul3A_851 = arith.mulf %gather3A_847, %gather3A_847 : vector<16xf32>
        %add3A_852 = arith.addf %scan3A_780, %mul3A_851 : vector<16xf32>
        %add3A_853 = arith.constant 112 : i32
        %add3A_854 = vector.broadcast %add3A_853 : i32 to vector<16xi32>
        %add3A_855 = arith.addi %add3A_854, %iota3A : vector<16xi32>
        %gather3A_856 = tpu.vector_load_idx %arg9[%add3A_855, %and3A_790] : memref<208x64xf32, #tpu.memory_space<vmem>>[vector<16xi32>, vector<16xi32>], vector<16xf32>,
        %sub3A_857 = arith.subf %gather3A_856, %gather3A : vector<16xf32>
        %mul3A_858 = arith.mulf %sub3A_857, %sub3A_857 : vector<16xf32>
        %add3A_859 = arith.addf %scan3A_768, %mul3A_858 : vector<16xf32>
        %mul3A_860 = arith.mulf %gather3A_856, %gather3A_856 : vector<16xf32>
        %add3A_861 = arith.addf %scan3A_781, %mul3A_860 : vector<16xf32>
        %add3A_862 = arith.constant 128 : i32
        %add3A_863 = vector.broadcast %add3A_862 : i32 to vector<16xi32>
        %add3A_864 = arith.addi %add3A_863, %iota3A : vector<16xi32>
        %gather3A_865 = tpu.vector_load_idx %arg9[%add3A_864, %and3A_790] : memref<208x64xf32, #tpu.memory_space<vmem>>[vector<16xi32>, vector<16xi32>], vector<16xf32>,
        %sub3A_866 = arith.subf %gather3A_865, %gather3A : vector<16xf32>
        %mul3A_867 = arith.mulf %sub3A_866, %sub3A_866 : vector<16xf32>
        %add3A_868 = arith.addf %scan3A_769, %mul3A_867 : vector<16xf32>
        %mul3A_869 = arith.mulf %gather3A_865, %gather3A_865 : vector<16xf32>
        %add3A_870 = arith.addf %scan3A_782, %mul3A_869 : vector<16xf32>
        %add3A_871 = arith.constant 144 : i32
        %add3A_872 = vector.broadcast %add3A_871 : i32 to vector<16xi32>
        %add3A_873 = arith.addi %add3A_872, %iota3A : vector<16xi32>
        %gather3A_874 = tpu.vector_load_idx %arg9[%add3A_873, %and3A_790] : memref<208x64xf32, #tpu.memory_space<vmem>>[vector<16xi32>, vector<16xi32>], vector<16xf32>,
        %sub3A_875 = arith.subf %gather3A_874, %gather3A : vector<16xf32>
        %mul3A_876 = arith.mulf %sub3A_875, %sub3A_875 : vector<16xf32>
        %add3A_877 = arith.addf %scan3A_770, %mul3A_876 : vector<16xf32>
        %mul3A_878 = arith.mulf %gather3A_874, %gather3A_874 : vector<16xf32>
        %add3A_879 = arith.addf %scan3A_783, %mul3A_878 : vector<16xf32>
        %add3A_880 = arith.constant 160 : i32
        %add3A_881 = vector.broadcast %add3A_880 : i32 to vector<16xi32>
        %add3A_882 = arith.addi %add3A_881, %iota3A : vector<16xi32>
        %gather3A_883 = tpu.vector_load_idx %arg9[%add3A_882, %and3A_790] : memref<208x64xf32, #tpu.memory_space<vmem>>[vector<16xi32>, vector<16xi32>], vector<16xf32>,
        %sub3A_884 = arith.subf %gather3A_883, %gather3A : vector<16xf32>
        %mul3A_885 = arith.mulf %sub3A_884, %sub3A_884 : vector<16xf32>
        %add3A_886 = arith.addf %scan3A_771, %mul3A_885 : vector<16xf32>
        %mul3A_887 = arith.mulf %gather3A_883, %gather3A_883 : vector<16xf32>
        %add3A_888 = arith.addf %scan3A_784, %mul3A_887 : vector<16xf32>
        %add3A_889 = arith.constant 176 : i32
        %add3A_890 = vector.broadcast %add3A_889 : i32 to vector<16xi32>
        %add3A_891 = arith.addi %add3A_890, %iota3A : vector<16xi32>
        %gather3A_892 = tpu.vector_load_idx %arg9[%add3A_891, %and3A_790] : memref<208x64xf32, #tpu.memory_space<vmem>>[vector<16xi32>, vector<16xi32>], vector<16xf32>,
        %sub3A_893 = arith.subf %gather3A_892, %gather3A : vector<16xf32>
        %mul3A_894 = arith.mulf %sub3A_893, %sub3A_893 : vector<16xf32>
        %add3A_895 = arith.addf %scan3A_772, %mul3A_894 : vector<16xf32>
        %mul3A_896 = arith.mulf %gather3A_892, %gather3A_892 : vector<16xf32>
        %add3A_897 = arith.addf %scan3A_785, %mul3A_896 : vector<16xf32>
        %add3A_898 = arith.constant 192 : i32
        %add3A_899 = vector.broadcast %add3A_898 : i32 to vector<16xi32>
        %add3A_900 = arith.addi %add3A_899, %iota3A : vector<16xi32>
        %gather3A_901 = tpu.vector_load_idx %arg9[%add3A_900, %and3A_790] : memref<208x64xf32, #tpu.memory_space<vmem>>[vector<16xi32>, vector<16xi32>], vector<16xf32>,
        %sub3A_902 = arith.subf %gather3A_901, %gather3A : vector<16xf32>
        %mul3A_903 = arith.mulf %sub3A_902, %sub3A_902 : vector<16xf32>
        %add3A_904 = arith.addf %scan3A_773, %mul3A_903 : vector<16xf32>
        %mul3A_905 = arith.mulf %gather3A_901, %gather3A_901 : vector<16xf32>
        %add3A_906 = arith.addf %scan3A_786, %mul3A_905 : vector<16xf32>
        scf.yield %add3A_796, %add3A_805, %add3A_814, %add3A_823, %add3A_832, %add3A_841, %add3A_850, %add3A_859, %add3A_868, %add3A_877, %add3A_886, %add3A_895, %add3A_904, %add3A_798, %add3A_807, %add3A_816, %add3A_825, %add3A_834, %add3A_843, %add3A_852, %add3A_861, %add3A_870, %add3A_879, %add3A_888, %add3A_897, %add3A_906 : vector<16xf32>, vector<16xf32>, vector<16xf32>, vector<16xf32>, vector<16xf32>, vector<16xf32>, vector<16xf32>, vector<16xf32>, vector<16xf32>, vector<16xf32>, vector<16xf32>, vector<16xf32>, vector<16xf32>, vector<16xf32>, vector<16xf32>, vector<16xf32>, vector<16xf32>, vector<16xf32>, vector<16xf32>, vector<16xf32>, vector<16xf32>, vector<16xf32>, vector<16xf32>, vector<16xf32>, vector<16xf32>, vector<16xf32>
      }
      %scan3A_437 = arith.constant 64 : i32
      %mul3A_438 = arith.constant 208 : i32
      %mul3A_439 = arith.muli %add3A_356, %mul3A_438 : i32
      %add3A_440 = arith.constant 0 : i32
      %add3A_441 = arith.addi %mul3A_439, %add3A_440 : i32
      %multiple_of3A_442 = tpu.assume_multiple %add3A_441, 8 : i32
      %swap3A = arith.index_cast %multiple_of3A_442 : i32 to index
      %swap3A_443 = tpu.vector_load %arg11[%swap3A] {strides = array<i32>} : memref<26624xf32, #tpu.memory_space<vmem>>, vector<16xf32>,
      tpu.vector_store %arg11[%swap3A], %scan3A_436#0 {strides = array<i32>} : memref<26624xf32, #tpu.memory_space<vmem>>, vector<16xf32>,
      %swap3A_444 = arith.index_cast %multiple_of3A_442 : i32 to index
      %swap3A_445 = tpu.vector_load %arg12[%swap3A_444] {strides = array<i32>} : memref<26624xf32, #tpu.memory_space<vmem>>, vector<16xf32>,
      tpu.vector_store %arg12[%swap3A_444], %scan3A_436#13 {strides = array<i32>} : memref<26624xf32, #tpu.memory_space<vmem>>, vector<16xf32>,
      %mul3A_446 = arith.constant 208 : i32
      %mul3A_447 = arith.muli %add3A_356, %mul3A_446 : i32
      %add3A_448 = arith.constant 16 : i32
      %add3A_449 = arith.addi %mul3A_447, %add3A_448 : i32
      %multiple_of3A_450 = tpu.assume_multiple %add3A_449, 8 : i32
      %swap3A_451 = arith.index_cast %multiple_of3A_450 : i32 to index
      %swap3A_452 = tpu.vector_load %arg11[%swap3A_451] {strides = array<i32>} : memref<26624xf32, #tpu.memory_space<vmem>>, vector<16xf32>,
      tpu.vector_store %arg11[%swap3A_451], %scan3A_436#1 {strides = array<i32>} : memref<26624xf32, #tpu.memory_space<vmem>>, vector<16xf32>,
      %swap3A_453 = arith.index_cast %multiple_of3A_450 : i32 to index
      %swap3A_454 = tpu.vector_load %arg12[%swap3A_453] {strides = array<i32>} : memref<26624xf32, #tpu.memory_space<vmem>>, vector<16xf32>,
      tpu.vector_store %arg12[%swap3A_453], %scan3A_436#14 {strides = array<i32>} : memref<26624xf32, #tpu.memory_space<vmem>>, vector<16xf32>,
      %mul3A_455 = arith.constant 208 : i32
      %mul3A_456 = arith.muli %add3A_356, %mul3A_455 : i32
      %add3A_457 = arith.constant 32 : i32
      %add3A_458 = arith.addi %mul3A_456, %add3A_457 : i32
      %multiple_of3A_459 = tpu.assume_multiple %add3A_458, 8 : i32
      %swap3A_460 = arith.index_cast %multiple_of3A_459 : i32 to index
      %swap3A_461 = tpu.vector_load %arg11[%swap3A_460] {strides = array<i32>} : memref<26624xf32, #tpu.memory_space<vmem>>, vector<16xf32>,
      tpu.vector_store %arg11[%swap3A_460], %scan3A_436#2 {strides = array<i32>} : memref<26624xf32, #tpu.memory_space<vmem>>, vector<16xf32>,
      %swap3A_462 = arith.index_cast %multiple_of3A_459 : i32 to index
      %swap3A_463 = tpu.vector_load %arg12[%swap3A_462] {strides = array<i32>} : memref<26624xf32, #tpu.memory_space<vmem>>, vector<16xf32>,
      tpu.vector_store %arg12[%swap3A_462], %scan3A_436#15 {strides = array<i32>} : memref<26624xf32, #tpu.memory_space<vmem>>, vector<16xf32>,
      %mul3A_464 = arith.constant 208 : i32
      %mul3A_465 = arith.muli %add3A_356, %mul3A_464 : i32
      %add3A_466 = arith.constant 48 : i32
      %add3A_467 = arith.addi %mul3A_465, %add3A_466 : i32
      %multiple_of3A_468 = tpu.assume_multiple %add3A_467, 8 : i32
      %swap3A_469 = arith.index_cast %multiple_of3A_468 : i32 to index
      %swap3A_470 = tpu.vector_load %arg11[%swap3A_469] {strides = array<i32>} : memref<26624xf32, #tpu.memory_space<vmem>>, vector<16xf32>,
      tpu.vector_store %arg11[%swap3A_469], %scan3A_436#3 {strides = array<i32>} : memref<26624xf32, #tpu.memory_space<vmem>>, vector<16xf32>,
      %swap3A_471 = arith.index_cast %multiple_of3A_468 : i32 to index
      %swap3A_472 = tpu.vector_load %arg12[%swap3A_471] {strides = array<i32>} : memref<26624xf32, #tpu.memory_space<vmem>>, vector<16xf32>,
      tpu.vector_store %arg12[%swap3A_471], %scan3A_436#16 {strides = array<i32>} : memref<26624xf32, #tpu.memory_space<vmem>>, vector<16xf32>,
      %mul3A_473 = arith.constant 208 : i32
      %mul3A_474 = arith.muli %add3A_356, %mul3A_473 : i32
      %add3A_475 = arith.constant 64 : i32
      %add3A_476 = arith.addi %mul3A_474, %add3A_475 : i32
      %multiple_of3A_477 = tpu.assume_multiple %add3A_476, 8 : i32
      %swap3A_478 = arith.index_cast %multiple_of3A_477 : i32 to index
      %swap3A_479 = tpu.vector_load %arg11[%swap3A_478] {strides = array<i32>} : memref<26624xf32, #tpu.memory_space<vmem>>, vector<16xf32>,
      tpu.vector_store %arg11[%swap3A_478], %scan3A_436#4 {strides = array<i32>} : memref<26624xf32, #tpu.memory_space<vmem>>, vector<16xf32>,
      %swap3A_480 = arith.index_cast %multiple_of3A_477 : i32 to index
      %swap3A_481 = tpu.vector_load %arg12[%swap3A_480] {strides = array<i32>} : memref<26624xf32, #tpu.memory_space<vmem>>, vector<16xf32>,
      tpu.vector_store %arg12[%swap3A_480], %scan3A_436#17 {strides = array<i32>} : memref<26624xf32, #tpu.memory_space<vmem>>, vector<16xf32>,
      %mul3A_482 = arith.constant 208 : i32
      %mul3A_483 = arith.muli %add3A_356, %mul3A_482 : i32
      %add3A_484 = arith.constant 80 : i32
      %add3A_485 = arith.addi %mul3A_483, %add3A_484 : i32
      %multiple_of3A_486 = tpu.assume_multiple %add3A_485, 8 : i32
      %swap3A_487 = arith.index_cast %multiple_of3A_486 : i32 to index
      %swap3A_488 = tpu.vector_load %arg11[%swap3A_487] {strides = array<i32>} : memref<26624xf32, #tpu.memory_space<vmem>>, vector<16xf32>,
      tpu.vector_store %arg11[%swap3A_487], %scan3A_436#5 {strides = array<i32>} : memref<26624xf32, #tpu.memory_space<vmem>>, vector<16xf32>,
      %swap3A_489 = arith.index_cast %multiple_of3A_486 : i32 to index
      %swap3A_490 = tpu.vector_load %arg12[%swap3A_489] {strides = array<i32>} : memref<26624xf32, #tpu.memory_space<vmem>>, vector<16xf32>,
      tpu.vector_store %arg12[%swap3A_489], %scan3A_436#18 {strides = array<i32>} : memref<26624xf32, #tpu.memory_space<vmem>>, vector<16xf32>,
      %mul3A_491 = arith.constant 208 : i32
      %mul3A_492 = arith.muli %add3A_356, %mul3A_491 : i32
      %add3A_493 = arith.constant 96 : i32
      %add3A_494 = arith.addi %mul3A_492, %add3A_493 : i32
      %multiple_of3A_495 = tpu.assume_multiple %add3A_494, 8 : i32
      %swap3A_496 = arith.index_cast %multiple_of3A_495 : i32 to index
      %swap3A_497 = tpu.vector_load %arg11[%swap3A_496] {strides = array<i32>} : memref<26624xf32, #tpu.memory_space<vmem>>, vector<16xf32>,
      tpu.vector_store %arg11[%swap3A_496], %scan3A_436#6 {strides = array<i32>} : memref<26624xf32, #tpu.memory_space<vmem>>, vector<16xf32>,
      %swap3A_498 = arith.index_cast %multiple_of3A_495 : i32 to index
      %swap3A_499 = tpu.vector_load %arg12[%swap3A_498] {strides = array<i32>} : memref<26624xf32, #tpu.memory_space<vmem>>, vector<16xf32>,
      tpu.vector_store %arg12[%swap3A_498], %scan3A_436#19 {strides = array<i32>} : memref<26624xf32, #tpu.memory_space<vmem>>, vector<16xf32>,
      %mul3A_500 = arith.constant 208 : i32
      %mul3A_501 = arith.muli %add3A_356, %mul3A_500 : i32
      %add3A_502 = arith.constant 112 : i32
      %add3A_503 = arith.addi %mul3A_501, %add3A_502 : i32
      %multiple_of3A_504 = tpu.assume_multiple %add3A_503, 8 : i32
      %swap3A_505 = arith.index_cast %multiple_of3A_504 : i32 to index
      %swap3A_506 = tpu.vector_load %arg11[%swap3A_505] {strides = array<i32>} : memref<26624xf32, #tpu.memory_space<vmem>>, vector<16xf32>,
      tpu.vector_store %arg11[%swap3A_505], %scan3A_436#7 {strides = array<i32>} : memref<26624xf32, #tpu.memory_space<vmem>>, vector<16xf32>,
      %swap3A_507 = arith.index_cast %multiple_of3A_504 : i32 to index
      %swap3A_508 = tpu.vector_load %arg12[%swap3A_507] {strides = array<i32>} : memref<26624xf32, #tpu.memory_space<vmem>>, vector<16xf32>,
      tpu.vector_store %arg12[%swap3A_507], %scan3A_436#20 {strides = array<i32>} : memref<26624xf32, #tpu.memory_space<vmem>>, vector<16xf32>,
      %mul3A_509 = arith.constant 208 : i32
      %mul3A_510 = arith.muli %add3A_356, %mul3A_509 : i32
      %add3A_511 = arith.constant 128 : i32
      %add3A_512 = arith.addi %mul3A_510, %add3A_511 : i32
      %multiple_of3A_513 = tpu.assume_multiple %add3A_512, 8 : i32
      %swap3A_514 = arith.index_cast %multiple_of3A_513 : i32 to index
      %swap3A_515 = tpu.vector_load %arg11[%swap3A_514] {strides = array<i32>} : memref<26624xf32, #tpu.memory_space<vmem>>, vector<16xf32>,
      tpu.vector_store %arg11[%swap3A_514], %scan3A_436#8 {strides = array<i32>} : memref<26624xf32, #tpu.memory_space<vmem>>, vector<16xf32>,
      %swap3A_516 = arith.index_cast %multiple_of3A_513 : i32 to index
      %swap3A_517 = tpu.vector_load %arg12[%swap3A_516] {strides = array<i32>} : memref<26624xf32, #tpu.memory_space<vmem>>, vector<16xf32>,
      tpu.vector_store %arg12[%swap3A_516], %scan3A_436#21 {strides = array<i32>} : memref<26624xf32, #tpu.memory_space<vmem>>, vector<16xf32>,
      %mul3A_518 = arith.constant 208 : i32
      %mul3A_519 = arith.muli %add3A_356, %mul3A_518 : i32
      %add3A_520 = arith.constant 144 : i32
      %add3A_521 = arith.addi %mul3A_519, %add3A_520 : i32
      %multiple_of3A_522 = tpu.assume_multiple %add3A_521, 8 : i32
      %swap3A_523 = arith.index_cast %multiple_of3A_522 : i32 to index
      %swap3A_524 = tpu.vector_load %arg11[%swap3A_523] {strides = array<i32>} : memref<26624xf32, #tpu.memory_space<vmem>>, vector<16xf32>,
      tpu.vector_store %arg11[%swap3A_523], %scan3A_436#9 {strides = array<i32>} : memref<26624xf32, #tpu.memory_space<vmem>>, vector<16xf32>,
      %swap3A_525 = arith.index_cast %multiple_of3A_522 : i32 to index
      %swap3A_526 = tpu.vector_load %arg12[%swap3A_525] {strides = array<i32>} : memref<26624xf32, #tpu.memory_space<vmem>>, vector<16xf32>,
      tpu.vector_store %arg12[%swap3A_525], %scan3A_436#22 {strides = array<i32>} : memref<26624xf32, #tpu.memory_space<vmem>>, vector<16xf32>,
      %mul3A_527 = arith.constant 208 : i32
      %mul3A_528 = arith.muli %add3A_356, %mul3A_527 : i32
      %add3A_529 = arith.constant 160 : i32
      %add3A_530 = arith.addi %mul3A_528, %add3A_529 : i32
      %multiple_of3A_531 = tpu.assume_multiple %add3A_530, 8 : i32
      %swap3A_532 = arith.index_cast %multiple_of3A_531 : i32 to index
      %swap3A_533 = tpu.vector_load %arg11[%swap3A_532] {strides = array<i32>} : memref<26624xf32, #tpu.memory_space<vmem>>, vector<16xf32>,
      tpu.vector_store %arg11[%swap3A_532], %scan3A_436#10 {strides = array<i32>} : memref<26624xf32, #tpu.memory_space<vmem>>, vector<16xf32>,
      %swap3A_534 = arith.index_cast %multiple_of3A_531 : i32 to index
      %swap3A_535 = tpu.vector_load %arg12[%swap3A_534] {strides = array<i32>} : memref<26624xf32, #tpu.memory_space<vmem>>, vector<16xf32>,
      tpu.vector_store %arg12[%swap3A_534], %scan3A_436#23 {strides = array<i32>} : memref<26624xf32, #tpu.memory_space<vmem>>, vector<16xf32>,
      %mul3A_536 = arith.constant 208 : i32
      %mul3A_537 = arith.muli %add3A_356, %mul3A_536 : i32
      %add3A_538 = arith.constant 176 : i32
      %add3A_539 = arith.addi %mul3A_537, %add3A_538 : i32
      %multiple_of3A_540 = tpu.assume_multiple %add3A_539, 8 : i32
      %swap3A_541 = arith.index_cast %multiple_of3A_540 : i32 to index
      %swap3A_542 = tpu.vector_load %arg11[%swap3A_541] {strides = array<i32>} : memref<26624xf32, #tpu.memory_space<vmem>>, vector<16xf32>,
      tpu.vector_store %arg11[%swap3A_541], %scan3A_436#11 {strides = array<i32>} : memref<26624xf32, #tpu.memory_space<vmem>>, vector<16xf32>,
      %swap3A_543 = arith.index_cast %multiple_of3A_540 : i32 to index
      %swap3A_544 = tpu.vector_load %arg12[%swap3A_543] {strides = array<i32>} : memref<26624xf32, #tpu.memory_space<vmem>>, vector<16xf32>,
      tpu.vector_store %arg12[%swap3A_543], %scan3A_436#24 {strides = array<i32>} : memref<26624xf32, #tpu.memory_space<vmem>>, vector<16xf32>,
      %mul3A_545 = arith.constant 208 : i32
      %mul3A_546 = arith.muli %add3A_356, %mul3A_545 : i32
      %add3A_547 = arith.constant 192 : i32
      %add3A_548 = arith.addi %mul3A_546, %add3A_547 : i32
      %multiple_of3A_549 = tpu.assume_multiple %add3A_548, 8 : i32
      %swap3A_550 = arith.index_cast %multiple_of3A_549 : i32 to index
      %swap3A_551 = tpu.vector_load %arg11[%swap3A_550] {strides = array<i32>} : memref<26624xf32, #tpu.memory_space<vmem>>, vector<16xf32>,
      tpu.vector_store %arg11[%swap3A_550], %scan3A_436#12 {strides = array<i32>} : memref<26624xf32, #tpu.memory_space<vmem>>, vector<16xf32>,
      %swap3A_552 = arith.index_cast %multiple_of3A_549 : i32 to index
      %swap3A_553 = tpu.vector_load %arg12[%swap3A_552] {strides = array<i32>} : memref<26624xf32, #tpu.memory_space<vmem>>, vector<16xf32>,
      tpu.vector_store %arg12[%swap3A_552], %scan3A_436#25 {strides = array<i32>} : memref<26624xf32, #tpu.memory_space<vmem>>, vector<16xf32>,
      %mul3A_554 = arith.constant 2 : i32
      %mul3A_555 = arith.muli %scan3A_352, %mul3A_554 : i32
      %add3A_556 = arith.constant 1 : i32
      %add3A_557 = arith.addi %mul3A_555, %add3A_556 : i32
      %add3A_558 = arith.constant 1 : i32
      %add3A_559 = arith.addi %add3A_557, %add3A_558 : i32
      %lt3A_560 = arith.constant 128 : i32
      %lt3A_561 = arith.cmpi slt, %add3A_559, %lt3A_560 : i32
      %convert_element_type3A_562 = arith.extui %lt3A_561 : i1 to i32
      %cond3A_563 = arith.constant 0 : i32
      %cond3A_564 = arith.cmpi ne, %convert_element_type3A_562, %cond3A_563 : i32
      scf.if %cond3A_564 {
        %add3A_760 = arith.constant 1 : i32
        %add3A_761 = arith.addi %add3A_557, %add3A_760 : i32
        %mul3A_762 = arith.constant 200 : i32
        %mul3A_763 = arith.muli %add3A_761, %mul3A_762 : i32
        %multiple_of3A_764 = tpu.assume_multiple %mul3A_763, 8 : i32
        %add3A_765 = arith.constant 128 : i32
        %add3A_766 = arith.addi %multiple_of3A_764, %add3A_765 : i32
        %dma_start3A_767 = arith.constant 0 : i32
        %dma_start3A_768 = arith.constant 0 : i32
        %dma_start3A_769 = tpu.memref_slice %arg9[%dma_start3A_767, %dma_start3A_768] : memref<208x64xf32, #tpu.memory_space<vmem>> -> memref<128x64xf32, #tpu.memory_space<vmem>>
        %dma_start3A_770 = tpu.memref_slice %arg7[%multiple_of3A_764] : memref<25600xi32, #tpu.memory_space<vmem>> -> memref<128xi32, #tpu.memory_space<vmem>>
        %dma_start3A_771 = arith.constant 0 : i32
        %dma_start3A_772 = arith.constant 0 : i32
        %dma_start3A_773 = tpu.memref_slice %arg2[%dma_start3A_771, %dma_start3A_772] : memref<100000x64xf32, #tpu.memory_space<hbm>> -> memref<100000x64xf32, #tpu.memory_space<hbm>>
        tpu.enqueue_indirect_dma source(%dma_start3A_773 : memref<100000x64xf32, #tpu.memory_space<hbm>>) target(%dma_start3A_769 : memref<128x64xf32, #tpu.memory_space<vmem>>) offsets(%dma_start3A_770 : memref<128xi32, #tpu.memory_space<vmem>>) semaphore(%arg13 : memref<!tpu.dma_semaphore, #tpu.memory_space<semaphore_mem>>)
        %dma_start3A_774 = arith.constant 128 : i32
        %dma_start3A_775 = arith.constant 0 : i32
        %dma_start3A_776 = tpu.memref_slice %arg9[%dma_start3A_774, %dma_start3A_775] : memref<208x64xf32, #tpu.memory_space<vmem>> -> memref<72x64xf32, #tpu.memory_space<vmem>>
        %dma_start3A_777 = tpu.memref_slice %arg7[%add3A_766] : memref<25600xi32, #tpu.memory_space<vmem>> -> memref<72xi32, #tpu.memory_space<vmem>>
        %dma_start3A_778 = arith.constant 0 : i32
        %dma_start3A_779 = arith.constant 0 : i32
        %dma_start3A_780 = tpu.memref_slice %arg2[%dma_start3A_778, %dma_start3A_779] : memref<100000x64xf32, #tpu.memory_space<hbm>> -> memref<100000x64xf32, #tpu.memory_space<hbm>>
        tpu.enqueue_indirect_dma source(%dma_start3A_780 : memref<100000x64xf32, #tpu.memory_space<hbm>>) target(%dma_start3A_776 : memref<72x64xf32, #tpu.memory_space<vmem>>) offsets(%dma_start3A_777 : memref<72xi32, #tpu.memory_space<vmem>>) semaphore(%arg13 : memref<!tpu.dma_semaphore, #tpu.memory_space<semaphore_mem>>)
      } else {
      }
      %mul3A_565 = arith.constant 200 : i32
      %mul3A_566 = arith.muli %add3A_557, %mul3A_565 : i32
      %multiple_of3A_567 = tpu.assume_multiple %mul3A_566, 8 : i32
      %add3A_568 = arith.constant 128 : i32
      %add3A_569 = arith.addi %multiple_of3A_567, %add3A_568 : i32
      %dma_wait3A_570 = arith.constant 0 : i32
      %dma_wait3A_571 = arith.constant 0 : i32
      %dma_wait3A_572 = tpu.memref_slice %arg10[%dma_wait3A_570, %dma_wait3A_571] : memref<208x64xf32, #tpu.memory_space<vmem>> -> memref<128x64xf32, #tpu.memory_space<vmem>>
      %dma_wait3A_573 = tpu.memref_slice %arg7[%multiple_of3A_567] : memref<25600xi32, #tpu.memory_space<vmem>> -> memref<128xi32, #tpu.memory_space<vmem>>
      %dma_wait3A_574 = arith.constant 0 : i32
      %dma_wait3A_575 = arith.constant 0 : i32
      %dma_wait3A_576 = tpu.memref_slice %arg2[%dma_wait3A_574, %dma_wait3A_575] : memref<100000x64xf32, #tpu.memory_space<hbm>> -> memref<100000x64xf32, #tpu.memory_space<hbm>>
      tpu.wait_indirect_dma semaphore(%arg14 : memref<!tpu.dma_semaphore, #tpu.memory_space<semaphore_mem>>) src(%dma_wait3A_576 : memref<100000x64xf32, #tpu.memory_space<hbm>>) dst(%dma_wait3A_572 : memref<128x64xf32, #tpu.memory_space<vmem>>)
      %dma_wait3A_577 = arith.constant 128 : i32
      %dma_wait3A_578 = arith.constant 0 : i32
      %dma_wait3A_579 = tpu.memref_slice %arg10[%dma_wait3A_577, %dma_wait3A_578] : memref<208x64xf32, #tpu.memory_space<vmem>> -> memref<72x64xf32, #tpu.memory_space<vmem>>
      %dma_wait3A_580 = tpu.memref_slice %arg7[%add3A_569] : memref<25600xi32, #tpu.memory_space<vmem>> -> memref<72xi32, #tpu.memory_space<vmem>>
      %dma_wait3A_581 = arith.constant 0 : i32
      %dma_wait3A_582 = arith.constant 0 : i32
      %dma_wait3A_583 = tpu.memref_slice %arg2[%dma_wait3A_581, %dma_wait3A_582] : memref<100000x64xf32, #tpu.memory_space<hbm>> -> memref<100000x64xf32, #tpu.memory_space<hbm>>
      tpu.wait_indirect_dma semaphore(%arg14 : memref<!tpu.dma_semaphore, #tpu.memory_space<semaphore_mem>>) src(%dma_wait3A_583 : memref<100000x64xf32, #tpu.memory_space<hbm>>) dst(%dma_wait3A_579 : memref<72x64xf32, #tpu.memory_space<vmem>>)
      %broadcast_in_dim3A_584 = vector.broadcast %add3A_557 : i32 to vector<16xi32>
      %broadcast_in_dim3A_585 = arith.constant 0.000000e+00 : f32
      %broadcast_in_dim3A_586 = vector.broadcast %broadcast_in_dim3A_585 : f32 to vector<16xf32>
      %broadcast_in_dim3A_587 = arith.constant 0.000000e+00 : f32
      %broadcast_in_dim3A_588 = vector.broadcast %broadcast_in_dim3A_587 : f32 to vector<16xf32>
      %broadcast_in_dim3A_589 = arith.constant 0.000000e+00 : f32
      %broadcast_in_dim3A_590 = vector.broadcast %broadcast_in_dim3A_589 : f32 to vector<16xf32>
      %broadcast_in_dim3A_591 = arith.constant 0.000000e+00 : f32
      %broadcast_in_dim3A_592 = vector.broadcast %broadcast_in_dim3A_591 : f32 to vector<16xf32>
      %broadcast_in_dim3A_593 = arith.constant 0.000000e+00 : f32
      %broadcast_in_dim3A_594 = vector.broadcast %broadcast_in_dim3A_593 : f32 to vector<16xf32>
      %broadcast_in_dim3A_595 = arith.constant 0.000000e+00 : f32
      %broadcast_in_dim3A_596 = vector.broadcast %broadcast_in_dim3A_595 : f32 to vector<16xf32>
      %broadcast_in_dim3A_597 = arith.constant 0.000000e+00 : f32
      %broadcast_in_dim3A_598 = vector.broadcast %broadcast_in_dim3A_597 : f32 to vector<16xf32>
      %broadcast_in_dim3A_599 = arith.constant 0.000000e+00 : f32
      %broadcast_in_dim3A_600 = vector.broadcast %broadcast_in_dim3A_599 : f32 to vector<16xf32>
      %broadcast_in_dim3A_601 = arith.constant 0.000000e+00 : f32
      %broadcast_in_dim3A_602 = vector.broadcast %broadcast_in_dim3A_601 : f32 to vector<16xf32>
      %broadcast_in_dim3A_603 = arith.constant 0.000000e+00 : f32
      %broadcast_in_dim3A_604 = vector.broadcast %broadcast_in_dim3A_603 : f32 to vector<16xf32>
      %broadcast_in_dim3A_605 = arith.constant 0.000000e+00 : f32
      %broadcast_in_dim3A_606 = vector.broadcast %broadcast_in_dim3A_605 : f32 to vector<16xf32>
      %broadcast_in_dim3A_607 = arith.constant 0.000000e+00 : f32
      %broadcast_in_dim3A_608 = vector.broadcast %broadcast_in_dim3A_607 : f32 to vector<16xf32>
      %broadcast_in_dim3A_609 = arith.constant 0.000000e+00 : f32
      %broadcast_in_dim3A_610 = vector.broadcast %broadcast_in_dim3A_609 : f32 to vector<16xf32>
      %broadcast_in_dim3A_611 = arith.constant 0.000000e+00 : f32
      %broadcast_in_dim3A_612 = vector.broadcast %broadcast_in_dim3A_611 : f32 to vector<16xf32>
      %broadcast_in_dim3A_613 = arith.constant 0.000000e+00 : f32
      %broadcast_in_dim3A_614 = vector.broadcast %broadcast_in_dim3A_613 : f32 to vector<16xf32>
      %broadcast_in_dim3A_615 = arith.constant 0.000000e+00 : f32
      %broadcast_in_dim3A_616 = vector.broadcast %broadcast_in_dim3A_615 : f32 to vector<16xf32>
      %broadcast_in_dim3A_617 = arith.constant 0.000000e+00 : f32
      %broadcast_in_dim3A_618 = vector.broadcast %broadcast_in_dim3A_617 : f32 to vector<16xf32>
      %broadcast_in_dim3A_619 = arith.constant 0.000000e+00 : f32
      %broadcast_in_dim3A_620 = vector.broadcast %broadcast_in_dim3A_619 : f32 to vector<16xf32>
      %broadcast_in_dim3A_621 = arith.constant 0.000000e+00 : f32
      %broadcast_in_dim3A_622 = vector.broadcast %broadcast_in_dim3A_621 : f32 to vector<16xf32>
      %broadcast_in_dim3A_623 = arith.constant 0.000000e+00 : f32
      %broadcast_in_dim3A_624 = vector.broadcast %broadcast_in_dim3A_623 : f32 to vector<16xf32>
      %broadcast_in_dim3A_625 = arith.constant 0.000000e+00 : f32
      %broadcast_in_dim3A_626 = vector.broadcast %broadcast_in_dim3A_625 : f32 to vector<16xf32>
      %broadcast_in_dim3A_627 = arith.constant 0.000000e+00 : f32
      %broadcast_in_dim3A_628 = vector.broadcast %broadcast_in_dim3A_627 : f32 to vector<16xf32>
      %broadcast_in_dim3A_629 = arith.constant 0.000000e+00 : f32
      %broadcast_in_dim3A_630 = vector.broadcast %broadcast_in_dim3A_629 : f32 to vector<16xf32>
      %broadcast_in_dim3A_631 = arith.constant 0.000000e+00 : f32
      %broadcast_in_dim3A_632 = vector.broadcast %broadcast_in_dim3A_631 : f32 to vector<16xf32>
      %broadcast_in_dim3A_633 = arith.constant 0.000000e+00 : f32
      %broadcast_in_dim3A_634 = vector.broadcast %broadcast_in_dim3A_633 : f32 to vector<16xf32>
      %broadcast_in_dim3A_635 = arith.constant 0.000000e+00 : f32
      %broadcast_in_dim3A_636 = vector.broadcast %broadcast_in_dim3A_635 : f32 to vector<16xf32>
      %scan3A_637 = arith.constant 0 : i32
      %scan3A_638 = arith.constant 64 : i32
      %scan3A_639 = arith.addi %scan3A_637, %scan3A_638 : i32
      %scan3A_640 = arith.constant 1 : i32
      %scan3A_641:26 = scf.for %scan3A_760 = %scan3A_637 to %scan3A_639 step %scan3A_640 iter_args(%scan3A_761 = %broadcast_in_dim3A_586, %scan3A_762 = %broadcast_in_dim3A_588, %scan3A_763 = %broadcast_in_dim3A_590, %scan3A_764 = %broadcast_in_dim3A_592, %scan3A_765 = %broadcast_in_dim3A_594, %scan3A_766 = %broadcast_in_dim3A_596, %scan3A_767 = %broadcast_in_dim3A_598, %scan3A_768 = %broadcast_in_dim3A_600, %scan3A_769 = %broadcast_in_dim3A_602, %scan3A_770 = %broadcast_in_dim3A_604, %scan3A_771 = %broadcast_in_dim3A_606, %scan3A_772 = %broadcast_in_dim3A_608, %scan3A_773 = %broadcast_in_dim3A_610, %scan3A_774 = %broadcast_in_dim3A_612, %scan3A_775 = %broadcast_in_dim3A_614, %scan3A_776 = %broadcast_in_dim3A_616, %scan3A_777 = %broadcast_in_dim3A_618, %scan3A_778 = %broadcast_in_dim3A_620, %scan3A_779 = %broadcast_in_dim3A_622, %scan3A_780 = %broadcast_in_dim3A_624, %scan3A_781 = %broadcast_in_dim3A_626, %scan3A_782 = %broadcast_in_dim3A_628, %scan3A_783 = %broadcast_in_dim3A_630, %scan3A_784 = %broadcast_in_dim3A_632, %scan3A_785 = %broadcast_in_dim3A_634, %scan3A_786 = %broadcast_in_dim3A_636) -> (vector<16xf32>, vector<16xf32>, vector<16xf32>, vector<16xf32>, vector<16xf32>, vector<16xf32>, vector<16xf32>, vector<16xf32>, vector<16xf32>, vector<16xf32>, vector<16xf32>, vector<16xf32>, vector<16xf32>, vector<16xf32>, vector<16xf32>, vector<16xf32>, vector<16xf32>, vector<16xf32>, vector<16xf32>, vector<16xf32>, vector<16xf32>, vector<16xf32>, vector<16xf32>, vector<16xf32>, vector<16xf32>, vector<16xf32>)  : i32 {
        %add3A_787 = vector.broadcast %scan3A_760 : i32 to vector<16xi32>
        %add3A_788 = arith.addi %add3A_787, %iota3A : vector<16xi32>
        %and3A = arith.constant 63 : i32
        %and3A_789 = vector.broadcast %and3A : i32 to vector<16xi32>
        %and3A_790 = arith.andi %add3A_788, %and3A_789 : vector<16xi32>
        %gather3A = tpu.vector_load_idx %arg8[%broadcast_in_dim3A_584, %and3A_790] : memref<128x64xf32, #tpu.memory_space<vmem>>[vector<16xi32>, vector<16xi32>], vector<16xf32>,
        %add3A_791 = arith.constant 0 : i32
        %add3A_792 = vector.broadcast %add3A_791 : i32 to vector<16xi32>
        %add3A_793 = arith.addi %add3A_792, %iota3A : vector<16xi32>
        %gather3A_794 = tpu.vector_load_idx %arg10[%add3A_793, %and3A_790] : memref<208x64xf32, #tpu.memory_space<vmem>>[vector<16xi32>, vector<16xi32>], vector<16xf32>,
        %sub3A = arith.subf %gather3A_794, %gather3A : vector<16xf32>
        %mul3A_795 = arith.mulf %sub3A, %sub3A : vector<16xf32>
        %add3A_796 = arith.addf %scan3A_761, %mul3A_795 : vector<16xf32>
        %mul3A_797 = arith.mulf %gather3A_794, %gather3A_794 : vector<16xf32>
        %add3A_798 = arith.addf %scan3A_774, %mul3A_797 : vector<16xf32>
        %add3A_799 = arith.constant 16 : i32
        %add3A_800 = vector.broadcast %add3A_799 : i32 to vector<16xi32>
        %add3A_801 = arith.addi %add3A_800, %iota3A : vector<16xi32>
        %gather3A_802 = tpu.vector_load_idx %arg10[%add3A_801, %and3A_790] : memref<208x64xf32, #tpu.memory_space<vmem>>[vector<16xi32>, vector<16xi32>], vector<16xf32>,
        %sub3A_803 = arith.subf %gather3A_802, %gather3A : vector<16xf32>
        %mul3A_804 = arith.mulf %sub3A_803, %sub3A_803 : vector<16xf32>
        %add3A_805 = arith.addf %scan3A_762, %mul3A_804 : vector<16xf32>
        %mul3A_806 = arith.mulf %gather3A_802, %gather3A_802 : vector<16xf32>
        %add3A_807 = arith.addf %scan3A_775, %mul3A_806 : vector<16xf32>
        %add3A_808 = arith.constant 32 : i32
        %add3A_809 = vector.broadcast %add3A_808 : i32 to vector<16xi32>
        %add3A_810 = arith.addi %add3A_809, %iota3A : vector<16xi32>
        %gather3A_811 = tpu.vector_load_idx %arg10[%add3A_810, %and3A_790] : memref<208x64xf32, #tpu.memory_space<vmem>>[vector<16xi32>, vector<16xi32>], vector<16xf32>,
        %sub3A_812 = arith.subf %gather3A_811, %gather3A : vector<16xf32>
        %mul3A_813 = arith.mulf %sub3A_812, %sub3A_812 : vector<16xf32>
        %add3A_814 = arith.addf %scan3A_763, %mul3A_813 : vector<16xf32>
        %mul3A_815 = arith.mulf %gather3A_811, %gather3A_811 : vector<16xf32>
        %add3A_816 = arith.addf %scan3A_776, %mul3A_815 : vector<16xf32>
        %add3A_817 = arith.constant 48 : i32
        %add3A_818 = vector.broadcast %add3A_817 : i32 to vector<16xi32>
        %add3A_819 = arith.addi %add3A_818, %iota3A : vector<16xi32>
        %gather3A_820 = tpu.vector_load_idx %arg10[%add3A_819, %and3A_790] : memref<208x64xf32, #tpu.memory_space<vmem>>[vector<16xi32>, vector<16xi32>], vector<16xf32>,
        %sub3A_821 = arith.subf %gather3A_820, %gather3A : vector<16xf32>
        %mul3A_822 = arith.mulf %sub3A_821, %sub3A_821 : vector<16xf32>
        %add3A_823 = arith.addf %scan3A_764, %mul3A_822 : vector<16xf32>
        %mul3A_824 = arith.mulf %gather3A_820, %gather3A_820 : vector<16xf32>
        %add3A_825 = arith.addf %scan3A_777, %mul3A_824 : vector<16xf32>
        %add3A_826 = arith.constant 64 : i32
        %add3A_827 = vector.broadcast %add3A_826 : i32 to vector<16xi32>
        %add3A_828 = arith.addi %add3A_827, %iota3A : vector<16xi32>
        %gather3A_829 = tpu.vector_load_idx %arg10[%add3A_828, %and3A_790] : memref<208x64xf32, #tpu.memory_space<vmem>>[vector<16xi32>, vector<16xi32>], vector<16xf32>,
        %sub3A_830 = arith.subf %gather3A_829, %gather3A : vector<16xf32>
        %mul3A_831 = arith.mulf %sub3A_830, %sub3A_830 : vector<16xf32>
        %add3A_832 = arith.addf %scan3A_765, %mul3A_831 : vector<16xf32>
        %mul3A_833 = arith.mulf %gather3A_829, %gather3A_829 : vector<16xf32>
        %add3A_834 = arith.addf %scan3A_778, %mul3A_833 : vector<16xf32>
        %add3A_835 = arith.constant 80 : i32
        %add3A_836 = vector.broadcast %add3A_835 : i32 to vector<16xi32>
        %add3A_837 = arith.addi %add3A_836, %iota3A : vector<16xi32>
        %gather3A_838 = tpu.vector_load_idx %arg10[%add3A_837, %and3A_790] : memref<208x64xf32, #tpu.memory_space<vmem>>[vector<16xi32>, vector<16xi32>], vector<16xf32>,
        %sub3A_839 = arith.subf %gather3A_838, %gather3A : vector<16xf32>
        %mul3A_840 = arith.mulf %sub3A_839, %sub3A_839 : vector<16xf32>
        %add3A_841 = arith.addf %scan3A_766, %mul3A_840 : vector<16xf32>
        %mul3A_842 = arith.mulf %gather3A_838, %gather3A_838 : vector<16xf32>
        %add3A_843 = arith.addf %scan3A_779, %mul3A_842 : vector<16xf32>
        %add3A_844 = arith.constant 96 : i32
        %add3A_845 = vector.broadcast %add3A_844 : i32 to vector<16xi32>
        %add3A_846 = arith.addi %add3A_845, %iota3A : vector<16xi32>
        %gather3A_847 = tpu.vector_load_idx %arg10[%add3A_846, %and3A_790] : memref<208x64xf32, #tpu.memory_space<vmem>>[vector<16xi32>, vector<16xi32>], vector<16xf32>,
        %sub3A_848 = arith.subf %gather3A_847, %gather3A : vector<16xf32>
        %mul3A_849 = arith.mulf %sub3A_848, %sub3A_848 : vector<16xf32>
        %add3A_850 = arith.addf %scan3A_767, %mul3A_849 : vector<16xf32>
        %mul3A_851 = arith.mulf %gather3A_847, %gather3A_847 : vector<16xf32>
        %add3A_852 = arith.addf %scan3A_780, %mul3A_851 : vector<16xf32>
        %add3A_853 = arith.constant 112 : i32
        %add3A_854 = vector.broadcast %add3A_853 : i32 to vector<16xi32>
        %add3A_855 = arith.addi %add3A_854, %iota3A : vector<16xi32>
        %gather3A_856 = tpu.vector_load_idx %arg10[%add3A_855, %and3A_790] : memref<208x64xf32, #tpu.memory_space<vmem>>[vector<16xi32>, vector<16xi32>], vector<16xf32>,
        %sub3A_857 = arith.subf %gather3A_856, %gather3A : vector<16xf32>
        %mul3A_858 = arith.mulf %sub3A_857, %sub3A_857 : vector<16xf32>
        %add3A_859 = arith.addf %scan3A_768, %mul3A_858 : vector<16xf32>
        %mul3A_860 = arith.mulf %gather3A_856, %gather3A_856 : vector<16xf32>
        %add3A_861 = arith.addf %scan3A_781, %mul3A_860 : vector<16xf32>
        %add3A_862 = arith.constant 128 : i32
        %add3A_863 = vector.broadcast %add3A_862 : i32 to vector<16xi32>
        %add3A_864 = arith.addi %add3A_863, %iota3A : vector<16xi32>
        %gather3A_865 = tpu.vector_load_idx %arg10[%add3A_864, %and3A_790] : memref<208x64xf32, #tpu.memory_space<vmem>>[vector<16xi32>, vector<16xi32>], vector<16xf32>,
        %sub3A_866 = arith.subf %gather3A_865, %gather3A : vector<16xf32>
        %mul3A_867 = arith.mulf %sub3A_866, %sub3A_866 : vector<16xf32>
        %add3A_868 = arith.addf %scan3A_769, %mul3A_867 : vector<16xf32>
        %mul3A_869 = arith.mulf %gather3A_865, %gather3A_865 : vector<16xf32>
        %add3A_870 = arith.addf %scan3A_782, %mul3A_869 : vector<16xf32>
        %add3A_871 = arith.constant 144 : i32
        %add3A_872 = vector.broadcast %add3A_871 : i32 to vector<16xi32>
        %add3A_873 = arith.addi %add3A_872, %iota3A : vector<16xi32>
        %gather3A_874 = tpu.vector_load_idx %arg10[%add3A_873, %and3A_790] : memref<208x64xf32, #tpu.memory_space<vmem>>[vector<16xi32>, vector<16xi32>], vector<16xf32>,
        %sub3A_875 = arith.subf %gather3A_874, %gather3A : vector<16xf32>
        %mul3A_876 = arith.mulf %sub3A_875, %sub3A_875 : vector<16xf32>
        %add3A_877 = arith.addf %scan3A_770, %mul3A_876 : vector<16xf32>
        %mul3A_878 = arith.mulf %gather3A_874, %gather3A_874 : vector<16xf32>
        %add3A_879 = arith.addf %scan3A_783, %mul3A_878 : vector<16xf32>
        %add3A_880 = arith.constant 160 : i32
        %add3A_881 = vector.broadcast %add3A_880 : i32 to vector<16xi32>
        %add3A_882 = arith.addi %add3A_881, %iota3A : vector<16xi32>
        %gather3A_883 = tpu.vector_load_idx %arg10[%add3A_882, %and3A_790] : memref<208x64xf32, #tpu.memory_space<vmem>>[vector<16xi32>, vector<16xi32>], vector<16xf32>,
        %sub3A_884 = arith.subf %gather3A_883, %gather3A : vector<16xf32>
        %mul3A_885 = arith.mulf %sub3A_884, %sub3A_884 : vector<16xf32>
        %add3A_886 = arith.addf %scan3A_771, %mul3A_885 : vector<16xf32>
        %mul3A_887 = arith.mulf %gather3A_883, %gather3A_883 : vector<16xf32>
        %add3A_888 = arith.addf %scan3A_784, %mul3A_887 : vector<16xf32>
        %add3A_889 = arith.constant 176 : i32
        %add3A_890 = vector.broadcast %add3A_889 : i32 to vector<16xi32>
        %add3A_891 = arith.addi %add3A_890, %iota3A : vector<16xi32>
        %gather3A_892 = tpu.vector_load_idx %arg10[%add3A_891, %and3A_790] : memref<208x64xf32, #tpu.memory_space<vmem>>[vector<16xi32>, vector<16xi32>], vector<16xf32>,
        %sub3A_893 = arith.subf %gather3A_892, %gather3A : vector<16xf32>
        %mul3A_894 = arith.mulf %sub3A_893, %sub3A_893 : vector<16xf32>
        %add3A_895 = arith.addf %scan3A_772, %mul3A_894 : vector<16xf32>
        %mul3A_896 = arith.mulf %gather3A_892, %gather3A_892 : vector<16xf32>
        %add3A_897 = arith.addf %scan3A_785, %mul3A_896 : vector<16xf32>
        %add3A_898 = arith.constant 192 : i32
        %add3A_899 = vector.broadcast %add3A_898 : i32 to vector<16xi32>
        %add3A_900 = arith.addi %add3A_899, %iota3A : vector<16xi32>
        %gather3A_901 = tpu.vector_load_idx %arg10[%add3A_900, %and3A_790] : memref<208x64xf32, #tpu.memory_space<vmem>>[vector<16xi32>, vector<16xi32>], vector<16xf32>,
        %sub3A_902 = arith.subf %gather3A_901, %gather3A : vector<16xf32>
        %mul3A_903 = arith.mulf %sub3A_902, %sub3A_902 : vector<16xf32>
        %add3A_904 = arith.addf %scan3A_773, %mul3A_903 : vector<16xf32>
        %mul3A_905 = arith.mulf %gather3A_901, %gather3A_901 : vector<16xf32>
        %add3A_906 = arith.addf %scan3A_786, %mul3A_905 : vector<16xf32>
        scf.yield %add3A_796, %add3A_805, %add3A_814, %add3A_823, %add3A_832, %add3A_841, %add3A_850, %add3A_859, %add3A_868, %add3A_877, %add3A_886, %add3A_895, %add3A_904, %add3A_798, %add3A_807, %add3A_816, %add3A_825, %add3A_834, %add3A_843, %add3A_852, %add3A_861, %add3A_870, %add3A_879, %add3A_888, %add3A_897, %add3A_906 : vector<16xf32>, vector<16xf32>, vector<16xf32>, vector<16xf32>, vector<16xf32>, vector<16xf32>, vector<16xf32>, vector<16xf32>, vector<16xf32>, vector<16xf32>, vector<16xf32>, vector<16xf32>, vector<16xf32>, vector<16xf32>, vector<16xf32>, vector<16xf32>, vector<16xf32>, vector<16xf32>, vector<16xf32>, vector<16xf32>, vector<16xf32>, vector<16xf32>, vector<16xf32>, vector<16xf32>, vector<16xf32>, vector<16xf32>
      }
      %scan3A_642 = arith.constant 64 : i32
      %mul3A_643 = arith.constant 208 : i32
      %mul3A_644 = arith.muli %add3A_557, %mul3A_643 : i32
      %add3A_645 = arith.constant 0 : i32
      %add3A_646 = arith.addi %mul3A_644, %add3A_645 : i32
      %multiple_of3A_647 = tpu.assume_multiple %add3A_646, 8 : i32
      %swap3A_648 = arith.index_cast %multiple_of3A_647 : i32 to index
      %swap3A_649 = tpu.vector_load %arg11[%swap3A_648] {strides = array<i32>} : memref<26624xf32, #tpu.memory_space<vmem>>, vector<16xf32>,
      tpu.vector_store %arg11[%swap3A_648], %scan3A_641#0 {strides = array<i32>} : memref<26624xf32, #tpu.memory_space<vmem>>, vector<16xf32>,
      %swap3A_650 = arith.index_cast %multiple_of3A_647 : i32 to index
      %swap3A_651 = tpu.vector_load %arg12[%swap3A_650] {strides = array<i32>} : memref<26624xf32, #tpu.memory_space<vmem>>, vector<16xf32>,
      tpu.vector_store %arg12[%swap3A_650], %scan3A_641#13 {strides = array<i32>} : memref<26624xf32, #tpu.memory_space<vmem>>, vector<16xf32>,
      %mul3A_652 = arith.constant 208 : i32
      %mul3A_653 = arith.muli %add3A_557, %mul3A_652 : i32
      %add3A_654 = arith.constant 16 : i32
      %add3A_655 = arith.addi %mul3A_653, %add3A_654 : i32
      %multiple_of3A_656 = tpu.assume_multiple %add3A_655, 8 : i32
      %swap3A_657 = arith.index_cast %multiple_of3A_656 : i32 to index
      %swap3A_658 = tpu.vector_load %arg11[%swap3A_657] {strides = array<i32>} : memref<26624xf32, #tpu.memory_space<vmem>>, vector<16xf32>,
      tpu.vector_store %arg11[%swap3A_657], %scan3A_641#1 {strides = array<i32>} : memref<26624xf32, #tpu.memory_space<vmem>>, vector<16xf32>,
      %swap3A_659 = arith.index_cast %multiple_of3A_656 : i32 to index
      %swap3A_660 = tpu.vector_load %arg12[%swap3A_659] {strides = array<i32>} : memref<26624xf32, #tpu.memory_space<vmem>>, vector<16xf32>,
      tpu.vector_store %arg12[%swap3A_659], %scan3A_641#14 {strides = array<i32>} : memref<26624xf32, #tpu.memory_space<vmem>>, vector<16xf32>,
      %mul3A_661 = arith.constant 208 : i32
      %mul3A_662 = arith.muli %add3A_557, %mul3A_661 : i32
      %add3A_663 = arith.constant 32 : i32
      %add3A_664 = arith.addi %mul3A_662, %add3A_663 : i32
      %multiple_of3A_665 = tpu.assume_multiple %add3A_664, 8 : i32
      %swap3A_666 = arith.index_cast %multiple_of3A_665 : i32 to index
      %swap3A_667 = tpu.vector_load %arg11[%swap3A_666] {strides = array<i32>} : memref<26624xf32, #tpu.memory_space<vmem>>, vector<16xf32>,
      tpu.vector_store %arg11[%swap3A_666], %scan3A_641#2 {strides = array<i32>} : memref<26624xf32, #tpu.memory_space<vmem>>, vector<16xf32>,
      %swap3A_668 = arith.index_cast %multiple_of3A_665 : i32 to index
      %swap3A_669 = tpu.vector_load %arg12[%swap3A_668] {strides = array<i32>} : memref<26624xf32, #tpu.memory_space<vmem>>, vector<16xf32>,
      tpu.vector_store %arg12[%swap3A_668], %scan3A_641#15 {strides = array<i32>} : memref<26624xf32, #tpu.memory_space<vmem>>, vector<16xf32>,
      %mul3A_670 = arith.constant 208 : i32
      %mul3A_671 = arith.muli %add3A_557, %mul3A_670 : i32
      %add3A_672 = arith.constant 48 : i32
      %add3A_673 = arith.addi %mul3A_671, %add3A_672 : i32
      %multiple_of3A_674 = tpu.assume_multiple %add3A_673, 8 : i32
      %swap3A_675 = arith.index_cast %multiple_of3A_674 : i32 to index
      %swap3A_676 = tpu.vector_load %arg11[%swap3A_675] {strides = array<i32>} : memref<26624xf32, #tpu.memory_space<vmem>>, vector<16xf32>,
      tpu.vector_store %arg11[%swap3A_675], %scan3A_641#3 {strides = array<i32>} : memref<26624xf32, #tpu.memory_space<vmem>>, vector<16xf32>,
      %swap3A_677 = arith.index_cast %multiple_of3A_674 : i32 to index
      %swap3A_678 = tpu.vector_load %arg12[%swap3A_677] {strides = array<i32>} : memref<26624xf32, #tpu.memory_space<vmem>>, vector<16xf32>,
      tpu.vector_store %arg12[%swap3A_677], %scan3A_641#16 {strides = array<i32>} : memref<26624xf32, #tpu.memory_space<vmem>>, vector<16xf32>,
      %mul3A_679 = arith.constant 208 : i32
      %mul3A_680 = arith.muli %add3A_557, %mul3A_679 : i32
      %add3A_681 = arith.constant 64 : i32
      %add3A_682 = arith.addi %mul3A_680, %add3A_681 : i32
      %multiple_of3A_683 = tpu.assume_multiple %add3A_682, 8 : i32
      %swap3A_684 = arith.index_cast %multiple_of3A_683 : i32 to index
      %swap3A_685 = tpu.vector_load %arg11[%swap3A_684] {strides = array<i32>} : memref<26624xf32, #tpu.memory_space<vmem>>, vector<16xf32>,
      tpu.vector_store %arg11[%swap3A_684], %scan3A_641#4 {strides = array<i32>} : memref<26624xf32, #tpu.memory_space<vmem>>, vector<16xf32>,
      %swap3A_686 = arith.index_cast %multiple_of3A_683 : i32 to index
      %swap3A_687 = tpu.vector_load %arg12[%swap3A_686] {strides = array<i32>} : memref<26624xf32, #tpu.memory_space<vmem>>, vector<16xf32>,
      tpu.vector_store %arg12[%swap3A_686], %scan3A_641#17 {strides = array<i32>} : memref<26624xf32, #tpu.memory_space<vmem>>, vector<16xf32>,
      %mul3A_688 = arith.constant 208 : i32
      %mul3A_689 = arith.muli %add3A_557, %mul3A_688 : i32
      %add3A_690 = arith.constant 80 : i32
      %add3A_691 = arith.addi %mul3A_689, %add3A_690 : i32
      %multiple_of3A_692 = tpu.assume_multiple %add3A_691, 8 : i32
      %swap3A_693 = arith.index_cast %multiple_of3A_692 : i32 to index
      %swap3A_694 = tpu.vector_load %arg11[%swap3A_693] {strides = array<i32>} : memref<26624xf32, #tpu.memory_space<vmem>>, vector<16xf32>,
      tpu.vector_store %arg11[%swap3A_693], %scan3A_641#5 {strides = array<i32>} : memref<26624xf32, #tpu.memory_space<vmem>>, vector<16xf32>,
      %swap3A_695 = arith.index_cast %multiple_of3A_692 : i32 to index
      %swap3A_696 = tpu.vector_load %arg12[%swap3A_695] {strides = array<i32>} : memref<26624xf32, #tpu.memory_space<vmem>>, vector<16xf32>,
      tpu.vector_store %arg12[%swap3A_695], %scan3A_641#18 {strides = array<i32>} : memref<26624xf32, #tpu.memory_space<vmem>>, vector<16xf32>,
      %mul3A_697 = arith.constant 208 : i32
      %mul3A_698 = arith.muli %add3A_557, %mul3A_697 : i32
      %add3A_699 = arith.constant 96 : i32
      %add3A_700 = arith.addi %mul3A_698, %add3A_699 : i32
      %multiple_of3A_701 = tpu.assume_multiple %add3A_700, 8 : i32
      %swap3A_702 = arith.index_cast %multiple_of3A_701 : i32 to index
      %swap3A_703 = tpu.vector_load %arg11[%swap3A_702] {strides = array<i32>} : memref<26624xf32, #tpu.memory_space<vmem>>, vector<16xf32>,
      tpu.vector_store %arg11[%swap3A_702], %scan3A_641#6 {strides = array<i32>} : memref<26624xf32, #tpu.memory_space<vmem>>, vector<16xf32>,
      %swap3A_704 = arith.index_cast %multiple_of3A_701 : i32 to index
      %swap3A_705 = tpu.vector_load %arg12[%swap3A_704] {strides = array<i32>} : memref<26624xf32, #tpu.memory_space<vmem>>, vector<16xf32>,
      tpu.vector_store %arg12[%swap3A_704], %scan3A_641#19 {strides = array<i32>} : memref<26624xf32, #tpu.memory_space<vmem>>, vector<16xf32>,
      %mul3A_706 = arith.constant 208 : i32
      %mul3A_707 = arith.muli %add3A_557, %mul3A_706 : i32
      %add3A_708 = arith.constant 112 : i32
      %add3A_709 = arith.addi %mul3A_707, %add3A_708 : i32
      %multiple_of3A_710 = tpu.assume_multiple %add3A_709, 8 : i32
      %swap3A_711 = arith.index_cast %multiple_of3A_710 : i32 to index
      %swap3A_712 = tpu.vector_load %arg11[%swap3A_711] {strides = array<i32>} : memref<26624xf32, #tpu.memory_space<vmem>>, vector<16xf32>,
      tpu.vector_store %arg11[%swap3A_711], %scan3A_641#7 {strides = array<i32>} : memref<26624xf32, #tpu.memory_space<vmem>>, vector<16xf32>,
      %swap3A_713 = arith.index_cast %multiple_of3A_710 : i32 to index
      %swap3A_714 = tpu.vector_load %arg12[%swap3A_713] {strides = array<i32>} : memref<26624xf32, #tpu.memory_space<vmem>>, vector<16xf32>,
      tpu.vector_store %arg12[%swap3A_713], %scan3A_641#20 {strides = array<i32>} : memref<26624xf32, #tpu.memory_space<vmem>>, vector<16xf32>,
      %mul3A_715 = arith.constant 208 : i32
      %mul3A_716 = arith.muli %add3A_557, %mul3A_715 : i32
      %add3A_717 = arith.constant 128 : i32
      %add3A_718 = arith.addi %mul3A_716, %add3A_717 : i32
      %multiple_of3A_719 = tpu.assume_multiple %add3A_718, 8 : i32
      %swap3A_720 = arith.index_cast %multiple_of3A_719 : i32 to index
      %swap3A_721 = tpu.vector_load %arg11[%swap3A_720] {strides = array<i32>} : memref<26624xf32, #tpu.memory_space<vmem>>, vector<16xf32>,
      tpu.vector_store %arg11[%swap3A_720], %scan3A_641#8 {strides = array<i32>} : memref<26624xf32, #tpu.memory_space<vmem>>, vector<16xf32>,
      %swap3A_722 = arith.index_cast %multiple_of3A_719 : i32 to index
      %swap3A_723 = tpu.vector_load %arg12[%swap3A_722] {strides = array<i32>} : memref<26624xf32, #tpu.memory_space<vmem>>, vector<16xf32>,
      tpu.vector_store %arg12[%swap3A_722], %scan3A_641#21 {strides = array<i32>} : memref<26624xf32, #tpu.memory_space<vmem>>, vector<16xf32>,
      %mul3A_724 = arith.constant 208 : i32
      %mul3A_725 = arith.muli %add3A_557, %mul3A_724 : i32
      %add3A_726 = arith.constant 144 : i32
      %add3A_727 = arith.addi %mul3A_725, %add3A_726 : i32
      %multiple_of3A_728 = tpu.assume_multiple %add3A_727, 8 : i32
      %swap3A_729 = arith.index_cast %multiple_of3A_728 : i32 to index
      %swap3A_730 = tpu.vector_load %arg11[%swap3A_729] {strides = array<i32>} : memref<26624xf32, #tpu.memory_space<vmem>>, vector<16xf32>,
      tpu.vector_store %arg11[%swap3A_729], %scan3A_641#9 {strides = array<i32>} : memref<26624xf32, #tpu.memory_space<vmem>>, vector<16xf32>,
      %swap3A_731 = arith.index_cast %multiple_of3A_728 : i32 to index
      %swap3A_732 = tpu.vector_load %arg12[%swap3A_731] {strides = array<i32>} : memref<26624xf32, #tpu.memory_space<vmem>>, vector<16xf32>,
      tpu.vector_store %arg12[%swap3A_731], %scan3A_641#22 {strides = array<i32>} : memref<26624xf32, #tpu.memory_space<vmem>>, vector<16xf32>,
      %mul3A_733 = arith.constant 208 : i32
      %mul3A_734 = arith.muli %add3A_557, %mul3A_733 : i32
      %add3A_735 = arith.constant 160 : i32
      %add3A_736 = arith.addi %mul3A_734, %add3A_735 : i32
      %multiple_of3A_737 = tpu.assume_multiple %add3A_736, 8 : i32
      %swap3A_738 = arith.index_cast %multiple_of3A_737 : i32 to index
      %swap3A_739 = tpu.vector_load %arg11[%swap3A_738] {strides = array<i32>} : memref<26624xf32, #tpu.memory_space<vmem>>, vector<16xf32>,
      tpu.vector_store %arg11[%swap3A_738], %scan3A_641#10 {strides = array<i32>} : memref<26624xf32, #tpu.memory_space<vmem>>, vector<16xf32>,
      %swap3A_740 = arith.index_cast %multiple_of3A_737 : i32 to index
      %swap3A_741 = tpu.vector_load %arg12[%swap3A_740] {strides = array<i32>} : memref<26624xf32, #tpu.memory_space<vmem>>, vector<16xf32>,
      tpu.vector_store %arg12[%swap3A_740], %scan3A_641#23 {strides = array<i32>} : memref<26624xf32, #tpu.memory_space<vmem>>, vector<16xf32>,
      %mul3A_742 = arith.constant 208 : i32
      %mul3A_743 = arith.muli %add3A_557, %mul3A_742 : i32
      %add3A_744 = arith.constant 176 : i32
      %add3A_745 = arith.addi %mul3A_743, %add3A_744 : i32
      %multiple_of3A_746 = tpu.assume_multiple %add3A_745, 8 : i32
      %swap3A_747 = arith.index_cast %multiple_of3A_746 : i32 to index
      %swap3A_748 = tpu.vector_load %arg11[%swap3A_747] {strides = array<i32>} : memref<26624xf32, #tpu.memory_space<vmem>>, vector<16xf32>,
      tpu.vector_store %arg11[%swap3A_747], %scan3A_641#11 {strides = array<i32>} : memref<26624xf32, #tpu.memory_space<vmem>>, vector<16xf32>,
      %swap3A_749 = arith.index_cast %multiple_of3A_746 : i32 to index
      %swap3A_750 = tpu.vector_load %arg12[%swap3A_749] {strides = array<i32>} : memref<26624xf32, #tpu.memory_space<vmem>>, vector<16xf32>,
      tpu.vector_store %arg12[%swap3A_749], %scan3A_641#24 {strides = array<i32>} : memref<26624xf32, #tpu.memory_space<vmem>>, vector<16xf32>,
      %mul3A_751 = arith.constant 208 : i32
      %mul3A_752 = arith.muli %add3A_557, %mul3A_751 : i32
      %add3A_753 = arith.constant 192 : i32
      %add3A_754 = arith.addi %mul3A_752, %add3A_753 : i32
      %multiple_of3A_755 = tpu.assume_multiple %add3A_754, 8 : i32
      %swap3A_756 = arith.index_cast %multiple_of3A_755 : i32 to index
      %swap3A_757 = tpu.vector_load %arg11[%swap3A_756] {strides = array<i32>} : memref<26624xf32, #tpu.memory_space<vmem>>, vector<16xf32>,
      tpu.vector_store %arg11[%swap3A_756], %scan3A_641#12 {strides = array<i32>} : memref<26624xf32, #tpu.memory_space<vmem>>, vector<16xf32>,
      %swap3A_758 = arith.index_cast %multiple_of3A_755 : i32 to index
      %swap3A_759 = tpu.vector_load %arg12[%swap3A_758] {strides = array<i32>} : memref<26624xf32, #tpu.memory_space<vmem>>, vector<16xf32>,
      tpu.vector_store %arg12[%swap3A_758], %scan3A_641#25 {strides = array<i32>} : memref<26624xf32, #tpu.memory_space<vmem>>, vector<16xf32>,
    }
    %scan3A_351 = arith.constant 64 : i32
    "tpu.region"() ({
      %run_scoped3A = tpu.sem_alloc : memref<!tpu.dma_semaphore, #tpu.memory_space<semaphore_mem>>
      %dma_start3A_352 = tpu.memref_slice %arg5[%multiple_of3A_8] : memref<851968xf32, #tpu.memory_space<hbm>> -> memref<26624xf32, #tpu.memory_space<hbm>>
      %dma_start3A_353 = tpu.memref_slice %arg5[%multiple_of3A_8] : memref<851968xf32, #tpu.memory_space<hbm>> -> memref<26624xf32, #tpu.memory_space<hbm>>
      tpu.enqueue_dma source(%arg11 : memref<26624xf32, #tpu.memory_space<vmem>>) target(%dma_start3A_353 : memref<26624xf32, #tpu.memory_space<hbm>>) target_semaphore(%run_scoped3A : memref<!tpu.dma_semaphore, #tpu.memory_space<semaphore_mem>>)
      %dma_wait3A = tpu.memref_slice %arg5[%multiple_of3A_8] : memref<851968xf32, #tpu.memory_space<hbm>> -> memref<26624xf32, #tpu.memory_space<hbm>>
      %dma_wait3A_354 = tpu.memref_slice %arg5[%multiple_of3A_8] : memref<851968xf32, #tpu.memory_space<hbm>> -> memref<26624xf32, #tpu.memory_space<hbm>>
      tpu.wait_dma2 semaphore(%run_scoped3A : memref<!tpu.dma_semaphore, #tpu.memory_space<semaphore_mem>>) src(%arg11 : memref<26624xf32, #tpu.memory_space<vmem>>) dst(%dma_wait3A_354 : memref<26624xf32, #tpu.memory_space<hbm>>)
      tpu.yield
    }) : () -> ()
    "tpu.region"() ({
      %run_scoped3A = tpu.sem_alloc : memref<!tpu.dma_semaphore, #tpu.memory_space<semaphore_mem>>
      %dma_start3A_352 = tpu.memref_slice %arg6[%multiple_of3A_8] : memref<851968xf32, #tpu.memory_space<hbm>> -> memref<26624xf32, #tpu.memory_space<hbm>>
      %dma_start3A_353 = tpu.memref_slice %arg6[%multiple_of3A_8] : memref<851968xf32, #tpu.memory_space<hbm>> -> memref<26624xf32, #tpu.memory_space<hbm>>
      tpu.enqueue_dma source(%arg12 : memref<26624xf32, #tpu.memory_space<vmem>>) target(%dma_start3A_353 : memref<26624xf32, #tpu.memory_space<hbm>>) target_semaphore(%run_scoped3A : memref<!tpu.dma_semaphore, #tpu.memory_space<semaphore_mem>>)
      %dma_wait3A = tpu.memref_slice %arg6[%multiple_of3A_8] : memref<851968xf32, #tpu.memory_space<hbm>> -> memref<26624xf32, #tpu.memory_space<hbm>>
      %dma_wait3A_354 = tpu.memref_slice %arg6[%multiple_of3A_8] : memref<851968xf32, #tpu.memory_space<hbm>> -> memref<26624xf32, #tpu.memory_space<hbm>>
      tpu.wait_dma2 semaphore(%run_scoped3A : memref<!tpu.dma_semaphore, #tpu.memory_space<semaphore_mem>>) src(%arg12 : memref<26624xf32, #tpu.memory_space<vmem>>) dst(%dma_wait3A_354 : memref<26624xf32, #tpu.memory_space<hbm>>)
      tpu.yield
    }) : () -> ()
    return
  }
}

module attributes {stable_mosaic.version = 14 : i64} {
  func.func @_transform_body(%arg0: i32, %arg1: memref<2000x64xf32, #tpu.memory_space<vmem>>, %arg2: memref<64x64xf32, #tpu.memory_space<vmem>>, %arg3: memref<1x64xf32, #tpu.memory_space<vmem>>, %arg4: memref<2000x64xf32, #tpu.memory_space<vmem>>) attributes {dimension_semantics = [#tpu.dimension_semantics<arbitrary>], iteration_bounds = array<i64: 50>, scalar_prefetch = 0 : i64, scratch_operands = 0 : i64, tpu.core_type = #tpu.core_type<tc>, window_params = [{transform_indices = @transform_0, window_bounds = array<i64: 2000, 64>}, {pipeline_mode = #tpu.pipeline_mode<synchronous>, transform_indices = @transform_1, window_bounds = array<i64: 64, 64>}, {pipeline_mode = #tpu.pipeline_mode<synchronous>, transform_indices = @transform_2, window_bounds = array<i64: 1, 64>}, {transform_indices = @transform_3, window_bounds = array<i64: 2000, 64>}]} {
    %get3A = arith.constant 0 : index
    %get3A_0 = arith.constant 0 : index
    %get3A_1 = vector.load %arg1[%get3A, %get3A_0] : memref<2000x64xf32, #tpu.memory_space<vmem>>, vector<2000x64xf32>
    %get3A_2 = arith.constant 0 : index
    %get3A_3 = arith.constant 0 : index
    %get3A_4 = vector.load %arg2[%get3A_2, %get3A_3] : memref<64x64xf32, #tpu.memory_space<vmem>>, vector<64x64xf32>
    %dot_general3A = arith.constant dense<0.000000e+00> : vector<2000x64xf32>
    %dot_general3A_5 = tpu.matmul %get3A_1, %get3A_4, %dot_general3A {dimension_numbers = #tpu.dot_dimension_numbers<[1], [1], [0], [0], [0, 0, 1, 0], [], []>, transpose_lhs_hint = false} : vector<2000x64xf32>, vector<64x64xf32>, vector<2000x64xf32> -> vector<2000x64xf32>
    %get3A_6 = arith.constant 0 : index
    %get3A_7 = arith.constant 0 : index
    %get3A_8 = vector.load %arg3[%get3A_6, %get3A_7] : memref<1x64xf32, #tpu.memory_space<vmem>>, vector<1x64xf32>
    %add3A = vector.broadcast %get3A_8 : vector<1x64xf32> to vector<2000x64xf32>
    %add3A_9 = arith.addf %dot_general3A_5, %add3A : vector<2000x64xf32>
    %swap3A = arith.constant 0 : index
    %swap3A_10 = arith.constant 0 : index
    %swap3A_11 = vector.load %arg4[%swap3A, %swap3A_10] : memref<2000x64xf32, #tpu.memory_space<vmem>>, vector<2000x64xf32>
    tpu.vector_store %arg4[%swap3A, %swap3A_10], %add3A_9 {strides = array<i32>} : memref<2000x64xf32, #tpu.memory_space<vmem>>, vector<2000x64xf32>,
    return
  }
  func.func @transform_0(%arg0: i32) -> (i32, i32) {
    %c0_i32 = arith.constant 0 : i32
    %c0_i32_0 = arith.constant 0 : i32
    return %arg0, %c0_i32 : i32, i32
  }
  func.func @transform_1(%arg0: i32) -> (i32, i32) {
    %c0_i32 = arith.constant 0 : i32
    %c0_i32_0 = arith.constant 0 : i32
    %c0_i32_1 = arith.constant 0 : i32
    return %c0_i32, %c0_i32_0 : i32, i32
  }
  func.func @transform_2(%arg0: i32) -> (i32, i32) {
    %c0_i32 = arith.constant 0 : i32
    %c0_i32_0 = arith.constant 0 : i32
    %c0_i32_1 = arith.constant 0 : i32
    return %c0_i32, %c0_i32_0 : i32, i32
  }
  func.func @transform_3(%arg0: i32) -> (i32, i32) {
    %c0_i32 = arith.constant 0 : i32
    %c0_i32_0 = arith.constant 0 : i32
    return %arg0, %c0_i32 : i32, i32
  }
}

module attributes {stable_mosaic.version = 14 : i64} {
  func.func @_umlp_body(%arg0: memref<4096x64xf32, #tpu.memory_space<vmem>>, %arg1: memref<64x64xf32, #tpu.memory_space<vmem>>, %arg2: memref<1x64xf32, #tpu.memory_space<vmem>>, %arg3: memref<4096x64xf32, #tpu.memory_space<vmem>>) attributes {dimension_semantics = [], scalar_prefetch = 0 : i64, scratch_operands = 0 : i64, tpu.core_type = #tpu.core_type<tc>} {
    %get3A = arith.constant 0 : index
    %get3A_0 = arith.constant 0 : index
    %get3A_1 = vector.load %arg0[%get3A, %get3A_0] : memref<4096x64xf32, #tpu.memory_space<vmem>>, vector<4096x64xf32>
    %get3A_2 = arith.constant 0 : index
    %get3A_3 = arith.constant 0 : index
    %get3A_4 = vector.load %arg1[%get3A_2, %get3A_3] : memref<64x64xf32, #tpu.memory_space<vmem>>, vector<64x64xf32>
    %dot_general3A = arith.constant dense<0.000000e+00> : vector<4096x64xf32>
    %dot_general3A_5 = tpu.matmul %get3A_1, %get3A_4, %dot_general3A {dimension_numbers = #tpu.dot_dimension_numbers<[1], [1], [0], [0], [0, 0, 1, 0], [], []>, transpose_lhs_hint = false} : vector<4096x64xf32>, vector<64x64xf32>, vector<4096x64xf32> -> vector<4096x64xf32>
    %get3A_6 = arith.constant 0 : index
    %get3A_7 = arith.constant 0 : index
    %get3A_8 = vector.load %arg2[%get3A_6, %get3A_7] : memref<1x64xf32, #tpu.memory_space<vmem>>, vector<1x64xf32>
    %add3A = vector.broadcast %get3A_8 : vector<1x64xf32> to vector<4096x64xf32>
    %add3A_9 = arith.addf %dot_general3A_5, %add3A : vector<4096x64xf32>
    %swap3A = arith.constant 0 : index
    %swap3A_10 = arith.constant 0 : index
    %swap3A_11 = vector.load %arg3[%swap3A, %swap3A_10] : memref<4096x64xf32, #tpu.memory_space<vmem>>, vector<4096x64xf32>
    tpu.vector_store %arg3[%swap3A, %swap3A_10], %add3A_9 {strides = array<i32>} : memref<4096x64xf32, #tpu.memory_space<vmem>>, vector<4096x64xf32>,
    return
  }
}

module attributes {stable_mosaic.version = 14 : i64} {
  func.func @_loss_body(%arg0: i32, %arg1: memref<512x208xf32, #tpu.memory_space<vmem>>, %arg2: memref<512x208xf32, #tpu.memory_space<vmem>>, %arg3: memref<512x200xf32, #tpu.memory_space<vmem>>, %arg4: memref<512x208xf32, #tpu.memory_space<vmem>>, %arg5: memref<512x64xf32, #tpu.memory_space<vmem>>, %arg6: memref<1x1xf32, #tpu.memory_space<vmem>>, %arg7: memref<1x1xf32, #tpu.memory_space<vmem>>) attributes {dimension_semantics = [#tpu.dimension_semantics<arbitrary>], iteration_bounds = array<i64: 8>, scalar_prefetch = 0 : i64, scratch_operands = 0 : i64, tpu.core_type = #tpu.core_type<tc>, window_params = [{transform_indices = @transform_0, window_bounds = array<i64: 512, 208>}, {transform_indices = @transform_1, window_bounds = array<i64: 512, 208>}, {transform_indices = @transform_2, window_bounds = array<i64: 512, 200>}, {transform_indices = @transform_3, window_bounds = array<i64: 512, 208>}, {transform_indices = @transform_4, window_bounds = array<i64: 512, 64>}, {pipeline_mode = #tpu.pipeline_mode<synchronous>, transform_indices = @transform_5, window_bounds = array<i64: 1, 1>}, {pipeline_mode = #tpu.pipeline_mode<synchronous>, transform_indices = @transform_6, window_bounds = array<i64: 1, 1>}]} {
    %iota3A = tpu.iota {dimensions = array<i32: 1>} : vector<512x208xi32>
    %lt3A = arith.constant 200 : i32
    %lt3A_0 = vector.broadcast %lt3A : i32 to vector<512x208xi32>
    %lt3A_1 = arith.cmpi slt, %iota3A, %lt3A_0 : vector<512x208xi32>
    %get3A = arith.constant 0 : index
    %get3A_2 = arith.constant 0 : index
    %get3A_3 = vector.load %arg1[%get3A, %get3A_2] : memref<512x208xf32, #tpu.memory_space<vmem>>, vector<512x208xf32>
    %add3A = arith.constant 9.99999996E-13 : f32
    %add3A_4 = vector.broadcast %add3A : f32 to vector<512x208xf32>
    %add3A_5 = arith.addf %get3A_3, %add3A_4 : vector<512x208xf32>
    %sqrt3A = math.sqrt %add3A_5 : vector<512x208xf32>
    %jit3A = arith.constant 0xFF800000 : f32
    %broadcast_in_dim3A = vector.broadcast %jit3A : f32 to vector<512x208xf32>
    %select_n3A = arith.select %lt3A_1, %sqrt3A, %broadcast_in_dim3A : vector<512x208xi1>, vector<512x208xf32>
    %reduce_max3A = arith.constant dense<0xFF800000> : vector<512xf32>
    %reduce_max3A_6 = vector.multi_reduction <maximumf>, %select_n3A, %reduce_max3A [1] : vector<512x208xf32> to vector<512xf32>
    %broadcast_in_dim3A_7 = vector.shape_cast %reduce_max3A_6 : vector<512xf32> to vector<512x1xf32>
    %sub3A = vector.broadcast %broadcast_in_dim3A_7 : vector<512x1xf32> to vector<512x208xf32>
    %sub3A_8 = arith.subf %sqrt3A, %sub3A : vector<512x208xf32>
    %exp3A = math.exp %sub3A_8 : vector<512x208xf32>
    %jit3A_9 = arith.constant 0.000000e+00 : f32
    %broadcast_in_dim3A_10 = vector.broadcast %jit3A_9 : f32 to vector<512x208xf32>
    %select_n3A_11 = arith.select %lt3A_1, %exp3A, %broadcast_in_dim3A_10 : vector<512x208xi1>, vector<512x208xf32>
    %reduce_sum3A = arith.constant dense<0.000000e+00> : vector<512xf32>
    %reduce_sum3A_12 = vector.multi_reduction <add>, %select_n3A_11, %reduce_sum3A [1] : vector<512x208xf32> to vector<512xf32>
    %broadcast_in_dim3A_13 = vector.shape_cast %reduce_sum3A_12 : vector<512xf32> to vector<512x1xf32>
    %div3A = vector.broadcast %broadcast_in_dim3A_13 : vector<512x1xf32> to vector<512x208xf32>
    %div3A_14 = arith.divf %select_n3A_11, %div3A : vector<512x208xf32>
    %log3A = math.log %broadcast_in_dim3A_13 : vector<512x1xf32>
    %sub3A_15 = vector.broadcast %log3A : vector<512x1xf32> to vector<512x208xf32>
    %sub3A_16 = arith.subf %sub3A_8, %sub3A_15 : vector<512x208xf32>
    %add3A_17 = arith.constant 9.99999996E-13 : f32
    %add3A_18 = vector.broadcast %add3A_17 : f32 to vector<512x208xf32>
    %add3A_19 = arith.addf %div3A_14, %add3A_18 : vector<512x208xf32>
    %log3A_20 = math.log %add3A_19 : vector<512x208xf32>
    %get3A_21 = arith.constant 0 : index
    %get3A_22 = arith.constant 0 : index
    %get3A_23 = vector.load %arg4[%get3A_21, %get3A_22] : memref<512x208xf32, #tpu.memory_space<vmem>>, vector<512x208xf32>
    %add3A_24 = arith.addf %log3A_20, %get3A_23 : vector<512x208xf32>
    %jit3A_25 = arith.constant 0xFF800000 : f32
    %broadcast_in_dim3A_26 = vector.broadcast %jit3A_25 : f32 to vector<512x208xf32>
    %select_n3A_27 = arith.select %lt3A_1, %add3A_24, %broadcast_in_dim3A_26 : vector<512x208xi1>, vector<512x208xf32>
    %reduce_max3A_28 = arith.constant dense<0xFF800000> : vector<512xf32>
    %reduce_max3A_29 = vector.multi_reduction <maximumf>, %select_n3A_27, %reduce_max3A_28 [1] : vector<512x208xf32> to vector<512xf32>
    %broadcast_in_dim3A_30 = vector.shape_cast %reduce_max3A_29 : vector<512xf32> to vector<512x1xf32>
    %eq3A = vector.broadcast %broadcast_in_dim3A_30 : vector<512x1xf32> to vector<512x208xf32>
    %eq3A_31 = arith.cmpf oeq, %select_n3A_27, %eq3A : vector<512x208xf32>
    %jit3A_32 = arith.constant 208 : i32
    %broadcast_in_dim3A_33 = vector.broadcast %jit3A_32 : i32 to vector<512x208xi32>
    %select_n3A_34 = arith.select %eq3A_31, %iota3A, %broadcast_in_dim3A_33 : vector<512x208xi1>, vector<512x208xi32>
    %reduce_min3A = arith.constant dense<2147483647> : vector<512xi32>
    %reduce_min3A_35 = vector.multi_reduction <minsi>, %select_n3A_34, %reduce_min3A [1] : vector<512x208xi32> to vector<512xi32>
    %broadcast_in_dim3A_36 = vector.shape_cast %reduce_min3A_35 : vector<512xi32> to vector<512x1xi32>
    %eq3A_37 = vector.broadcast %broadcast_in_dim3A_36 : vector<512x1xi32> to vector<512x208xi32>
    %eq3A_38 = arith.cmpi eq, %iota3A, %eq3A_37 : vector<512x208xi32>
    %jit3A_39 = arith.constant 0.000000e+00 : f32
    %broadcast_in_dim3A_40 = vector.broadcast %jit3A_39 : f32 to vector<512x208xf32>
    %select_n3A_41 = arith.select %eq3A_38, %sub3A_16, %broadcast_in_dim3A_40 : vector<512x208xi1>, vector<512x208xf32>
    %reduce_sum3A_42 = arith.constant dense<0.000000e+00> : vector<512xf32>
    %reduce_sum3A_43 = vector.multi_reduction <add>, %select_n3A_41, %reduce_sum3A_42 [1] : vector<512x208xf32> to vector<512xf32>
    %iota3A_44 = tpu.iota {dimensions = array<i32: 1>} : vector<512x200xi32>
    %eq3A_45 = vector.broadcast %broadcast_in_dim3A_36 : vector<512x1xi32> to vector<512x200xi32>
    %eq3A_46 = arith.cmpi eq, %iota3A_44, %eq3A_45 : vector<512x200xi32>
    %get3A_47 = arith.constant 0 : index
    %get3A_48 = arith.constant 0 : index
    %get3A_49 = vector.load %arg3[%get3A_47, %get3A_48] : memref<512x200xf32, #tpu.memory_space<vmem>>, vector<512x200xf32>
    %jit3A_50 = arith.constant 0.000000e+00 : f32
    %broadcast_in_dim3A_51 = vector.broadcast %jit3A_50 : f32 to vector<512x200xf32>
    %select_n3A_52 = arith.select %eq3A_46, %get3A_49, %broadcast_in_dim3A_51 : vector<512x200xi1>, vector<512x200xf32>
    %reduce_sum3A_53 = arith.constant dense<0.000000e+00> : vector<512xf32>
    %reduce_sum3A_54 = vector.multi_reduction <add>, %select_n3A_52, %reduce_sum3A_53 [1] : vector<512x200xf32> to vector<512xf32>
    %get3A_55 = arith.constant 0 : index
    %get3A_56 = arith.constant 0 : index
    %get3A_57 = vector.load %arg5[%get3A_55, %get3A_56] : memref<512x64xf32, #tpu.memory_space<vmem>>, vector<512x64xf32>
    %mul3A = arith.mulf %reduce_sum3A_43, %reduce_sum3A_54 : vector<512xf32>
    %reduce_sum3A_58 = vector.shape_cast %mul3A : vector<512xf32> to vector<1x512xf32>
    %reduce_sum3A_59 = arith.constant dense<0.000000e+00> : vector<1xf32>
    %reduce_sum3A_60 = vector.multi_reduction <add>, %reduce_sum3A_58, %reduce_sum3A_59 [1] : vector<1x512xf32> to vector<1xf32>
    %reduce_sum3A_61 = vector.shape_cast %reduce_sum3A_60 : vector<1xf32> to vector<1x1xf32>
    %reduce_sum3A_62 = vector.extract %reduce_sum3A_61[0, 0] : f32 from vector<1x1xf32>
    %reshape3A = vector.broadcast %reduce_sum3A_62 : f32 to vector<1x1xf32>
    %get3A_63 = arith.constant 0 : index
    %get3A_64 = arith.constant 0 : index
    %get3A_65 = vector.load %arg2[%get3A_63, %get3A_64] : memref<512x208xf32, #tpu.memory_space<vmem>>, vector<512x208xf32>
    %jit3A_66 = arith.constant 0.000000e+00 : f32
    %broadcast_in_dim3A_67 = vector.broadcast %jit3A_66 : f32 to vector<512x208xf32>
    %select_n3A_68 = arith.select %lt3A_1, %get3A_65, %broadcast_in_dim3A_67 : vector<512x208xi1>, vector<512x208xf32>
    %reduce_sum3A_69 = vector.shape_cast %select_n3A_68 : vector<512x208xf32> to vector<1x512x208xf32>
    %reduce_sum3A_70 = arith.constant dense<0.000000e+00> : vector<1xf32>
    %reduce_sum3A_71 = vector.multi_reduction <add>, %reduce_sum3A_69, %reduce_sum3A_70 [1, 2] : vector<1x512x208xf32> to vector<1xf32>
    %reduce_sum3A_72 = vector.shape_cast %reduce_sum3A_71 : vector<1xf32> to vector<1x1x1xf32>
    %reduce_sum3A_73 = vector.extract %reduce_sum3A_72[0, 0, 0] : f32 from vector<1x1x1xf32>
    %mul3A_74 = arith.mulf %get3A_57, %get3A_57 : vector<512x64xf32>
    %reduce_sum3A_75 = vector.shape_cast %mul3A_74 : vector<512x64xf32> to vector<1x512x64xf32>
    %reduce_sum3A_76 = arith.constant dense<0.000000e+00> : vector<1xf32>
    %reduce_sum3A_77 = vector.multi_reduction <add>, %reduce_sum3A_75, %reduce_sum3A_76 [1, 2] : vector<1x512x64xf32> to vector<1xf32>
    %reduce_sum3A_78 = vector.shape_cast %reduce_sum3A_77 : vector<1xf32> to vector<1x1x1xf32>
    %reduce_sum3A_79 = vector.extract %reduce_sum3A_78[0, 0, 0] : f32 from vector<1x1x1xf32>
    %add3A_80 = arith.addf %reduce_sum3A_73, %reduce_sum3A_79 : f32
    %reshape3A_81 = vector.broadcast %add3A_80 : f32 to vector<1x1xf32>
    %eq3A_82 = arith.constant 0 : i32
    %eq3A_83 = arith.cmpi eq, %arg0, %eq3A_82 : i32
    %convert_element_type3A = arith.extui %eq3A_83 : i1 to i32
    %cond3A = arith.constant 0 : i32
    %cond3A_84 = arith.cmpi ne, %convert_element_type3A, %cond3A : i32
    scf.if %cond3A_84 {
      %broadcast_in_dim3A_103 = arith.constant 0.000000e+00 : f32
      %broadcast_in_dim3A_104 = vector.broadcast %broadcast_in_dim3A_103 : f32 to vector<1x1xf32>
      %swap3A_105 = arith.constant 0 : index
      %swap3A_106 = arith.constant 0 : index
      %swap3A_107 = vector.load %arg6[%swap3A_105, %swap3A_106] : memref<1x1xf32, #tpu.memory_space<vmem>>, vector<1x1xf32>
      tpu.vector_store %arg6[%swap3A_105, %swap3A_106], %broadcast_in_dim3A_104 {strides = array<i32>} : memref<1x1xf32, #tpu.memory_space<vmem>>, vector<1x1xf32>,
      %broadcast_in_dim3A_108 = arith.constant 0.000000e+00 : f32
      %broadcast_in_dim3A_109 = vector.broadcast %broadcast_in_dim3A_108 : f32 to vector<1x1xf32>
      %swap3A_110 = arith.constant 0 : index
      %swap3A_111 = arith.constant 0 : index
      %swap3A_112 = vector.load %arg7[%swap3A_110, %swap3A_111] : memref<1x1xf32, #tpu.memory_space<vmem>>, vector<1x1xf32>
      tpu.vector_store %arg7[%swap3A_110, %swap3A_111], %broadcast_in_dim3A_109 {strides = array<i32>} : memref<1x1xf32, #tpu.memory_space<vmem>>, vector<1x1xf32>,
    } else {
    }
    %get3A_85 = arith.constant 0 : index
    %get3A_86 = arith.constant 0 : index
    %get3A_87 = vector.load %arg6[%get3A_85, %get3A_86] : memref<1x1xf32, #tpu.memory_space<vmem>>, vector<1x1xf32>
    %add3A_88 = arith.addf %get3A_87, %reshape3A : vector<1x1xf32>
    %swap3A = arith.constant 0 : index
    %swap3A_89 = arith.constant 0 : index
    %swap3A_90 = vector.load %arg6[%swap3A, %swap3A_89] : memref<1x1xf32, #tpu.memory_space<vmem>>, vector<1x1xf32>
    tpu.vector_store %arg6[%swap3A, %swap3A_89], %add3A_88 {strides = array<i32>} : memref<1x1xf32, #tpu.memory_space<vmem>>, vector<1x1xf32>,
    %get3A_91 = arith.constant 0 : index
    %get3A_92 = arith.constant 0 : index
    %get3A_93 = vector.load %arg7[%get3A_91, %get3A_92] : memref<1x1xf32, #tpu.memory_space<vmem>>, vector<1x1xf32>
    %add3A_94 = arith.addf %get3A_93, %reshape3A_81 : vector<1x1xf32>
    %swap3A_95 = arith.constant 0 : index
    %swap3A_96 = arith.constant 0 : index
    %swap3A_97 = vector.load %arg7[%swap3A_95, %swap3A_96] : memref<1x1xf32, #tpu.memory_space<vmem>>, vector<1x1xf32>
    tpu.vector_store %arg7[%swap3A_95, %swap3A_96], %add3A_94 {strides = array<i32>} : memref<1x1xf32, #tpu.memory_space<vmem>>, vector<1x1xf32>,
    %eq3A_98 = arith.constant 7 : i32
    %eq3A_99 = arith.cmpi eq, %arg0, %eq3A_98 : i32
    %convert_element_type3A_100 = arith.extui %eq3A_99 : i1 to i32
    %cond3A_101 = arith.constant 0 : i32
    %cond3A_102 = arith.cmpi ne, %convert_element_type3A_100, %cond3A_101 : i32
    scf.if %cond3A_102 {
      %get3A_103 = arith.constant 0 : index
      %get3A_104 = arith.constant 0 : index
      %get3A_105 = vector.load %arg6[%get3A_103, %get3A_104] : memref<1x1xf32, #tpu.memory_space<vmem>>, vector<1x1xf32>
      %neg3A = arith.constant 0.000000e+00 : f32
      %neg3A_106 = vector.broadcast %neg3A : f32 to vector<1x1xf32>
      %neg3A_107 = arith.subf %neg3A_106, %get3A_105 : vector<1x1xf32>
      %div3A_108 = arith.constant 4.096000e+03 : f32
      %div3A_109 = vector.broadcast %div3A_108 : f32 to vector<1x1xf32>
      %div3A_110 = arith.divf %neg3A_107, %div3A_109 : vector<1x1xf32>
      %swap3A_111 = arith.constant 0 : index
      %swap3A_112 = arith.constant 0 : index
      %swap3A_113 = vector.load %arg6[%swap3A_111, %swap3A_112] : memref<1x1xf32, #tpu.memory_space<vmem>>, vector<1x1xf32>
      tpu.vector_store %arg6[%swap3A_111, %swap3A_112], %div3A_110 {strides = array<i32>} : memref<1x1xf32, #tpu.memory_space<vmem>>, vector<1x1xf32>,
      %get3A_114 = arith.constant 0 : index
      %get3A_115 = arith.constant 0 : index
      %get3A_116 = vector.load %arg7[%get3A_114, %get3A_115] : memref<1x1xf32, #tpu.memory_space<vmem>>, vector<1x1xf32>
      %mul3A_117 = arith.constant 5.000000e-06 : f32
      %mul3A_118 = vector.broadcast %mul3A_117 : f32 to vector<1x1xf32>
      %mul3A_119 = arith.mulf %mul3A_118, %get3A_116 : vector<1x1xf32>
      %swap3A_120 = arith.constant 0 : index
      %swap3A_121 = arith.constant 0 : index
      %swap3A_122 = vector.load %arg7[%swap3A_120, %swap3A_121] : memref<1x1xf32, #tpu.memory_space<vmem>>, vector<1x1xf32>
      tpu.vector_store %arg7[%swap3A_120, %swap3A_121], %mul3A_119 {strides = array<i32>} : memref<1x1xf32, #tpu.memory_space<vmem>>, vector<1x1xf32>,
    } else {
    }
    return
  }
  func.func @transform_0(%arg0: i32) -> (i32, i32) {
    %c0_i32 = arith.constant 0 : i32
    %c0_i32_0 = arith.constant 0 : i32
    return %arg0, %c0_i32 : i32, i32
  }
  func.func @transform_1(%arg0: i32) -> (i32, i32) {
    %c0_i32 = arith.constant 0 : i32
    %c0_i32_0 = arith.constant 0 : i32
    return %arg0, %c0_i32 : i32, i32
  }
  func.func @transform_2(%arg0: i32) -> (i32, i32) {
    %c0_i32 = arith.constant 0 : i32
    %c0_i32_0 = arith.constant 0 : i32
    return %arg0, %c0_i32 : i32, i32
  }
  func.func @transform_3(%arg0: i32) -> (i32, i32) {
    %c0_i32 = arith.constant 0 : i32
    %c0_i32_0 = arith.constant 0 : i32
    return %arg0, %c0_i32 : i32, i32
  }
  func.func @transform_4(%arg0: i32) -> (i32, i32) {
    %c0_i32 = arith.constant 0 : i32
    %c0_i32_0 = arith.constant 0 : i32
    return %arg0, %c0_i32 : i32, i32
  }
  func.func @transform_5(%arg0: i32) -> (i32, i32) {
    %c0_i32 = arith.constant 0 : i32
    %c0_i32_0 = arith.constant 0 : i32
    %c0_i32_1 = arith.constant 0 : i32
    return %c0_i32, %c0_i32_0 : i32, i32
  }
  func.func @transform_6(%arg0: i32) -> (i32, i32) {
    %c0_i32 = arith.constant 0 : i32
    %c0_i32_0 = arith.constant 0 : i32
    %c0_i32_1 = arith.constant 0 : i32
    return %c0_i32, %c0_i32_0 : i32, i32
  }
}

</mosaic_0001>

<sc_bundles>
// kernel: kernel.10.cloned.1.call-start
scs
__scs_entry_jumppad:
0x0: {  	(pc) =	sbr.rel $0x88, $3  }
0x1: {  	(tag) =	ssettag $0x0;
	lr =	simm.s32 $0x1  }
0x2: {  	[smem:$0x3F98] =	sst lr;
	_ =	strace $0xD0000000  }
0x3: {  	_ = 	snop  }
0x4: {  	_ = 	snop  }
0x5: {  	_ = 	snop  }
0x6: {  	_ = 	snop  }
0x7: {  	_ = 	snop  }
__scs_overlays_trampoline_lowered:
0x8: {  	[smem:$0x3FA7] =	sst s0  }
0x9: {  	[smem:$0x3FA8] =	sst s1  }
0xa: {  	[smem:$0x3FA9] =	sst s2  }
0xb: {  	[smem:$0x3FAA] =	sst s3  }
0xc: {  	[smem:$0x3FAB] =	sst s4  }
0xd: {  	[smem:$0x3FAC] =	sst s5  }
0xe: {  	[smem:$0x3FAD] =	sst s6  }
0xf: {  	[smem:$0x3FAE] =	sst s7  }
0x10: {  	[smem:$0x3FAF] =	sst s8  }
0x11: {  	[smem:$0x3FB0] =	sst s9;
	s0 =	simm.s32 @!p0 $0x0  }
0x12: {  	s1 =	sld [smem:$0x3F96];
	s0 =	simm.s32 @p0 $0x1  }
0x13: {  	[smem:$0x3FB1] =	sst s0;
	s0 =	simm.s32 @!p1 $0x0  }
0x14: {  	s2 =	sld [smem:$0x3F95];
	s0 =	simm.s32 @p1 $0x1  }
0x15: {  	[smem:$0x3FB2] =	sst s0;
	s0 =	simm.s32 @!p2 $0x0  }
0x16: {  	s3 =	sld [smem:$0x3FDB];
	s0 =	simm.s32 @p2 $0x1  }
0x17: {  	s4 =	simm.s32 $0x1BF5;
	[smem:$0x3FB4] =	sst s0  }
0x18: {  	s0 =	sld [smem:$0x3F97];
	_ =	swait.ge [sflag:s4], $0x0  }
0x19: {  	s7 =	sld [smem:$0x3F98]  }
0x1a: {  	s8 =	sadd.s32 $0xFFFFE003, lr  }
0x1b: {  	s9 =	sadd.s32 $0xFFFFFEF7, lr;
	s5 =	simm.s32 $0xFFFFFFFF;
	p2 =	slt.u32 s8, $0xFFFFF086  }
0x1c: {  	p1 =	slt.u32 s9, $0xF7A;
	s5 =	simm.s32 @!p2 $0x0  }
0x1d: {  	s5 =	simm.s32 @p1 $0x1;
	p0 =	seq.s32 s7, s2  }
0x1e: {  	s7 =	smul.u32 @!p0 $0xF7A, s2;
	p2 =	seq.s32 @!p0 s5, $0x0  }
0x1f: {  	s9 =	smul.u32 $0xF7A, s1;
	s8 =	simm.s32 @!p0 $0x1BF5;
	p2 =	por !p2, p0  }
0x20: {  	[sflag:s8] =	ssyncset.s32 @!p0 $0xFFFFF086;
	s6 =	sadd.s32 @!p0 s3, s7;
	s7 =	simm.s32 @!p0 $0x108  }
0x21: {  	s3 =	sadd.s32 s3, s9;
	s6 =	sadd.s32 @!p0 $0x88, s6;
	s7 =	simm.s32 @p2 $0x1082  }
0x22: {  	[simem:s7], [sflag:s8] =	dma.local @!p0 [hbm:s6], $0xF7A  }
0x23: {  	s9 =	sor.u32 $0xD0000000, s2;
	s6 =	simm.s32 $0x108;
	_ =	swait.ge @!p0 [sflag:s8], $0x0  }
0x24: {  	s3 =	sadd.s32 $0x88, s3;
	s6 =	simm.s32 @!p1 $0x1082;
	[sflag:s4] =	ssyncset.s32 $0xFFFFF086  }
0x25: {  	[simem:s6], [sflag:s4] =	dma.local [hbm:s3], $0xF7A  }
0x26: {  	[smem:$0x3F98] =	sst s1;
	(tag) =	ssettag s2;
	_ =	strace s9  }
0x27: {  	s1 =	sld [smem:$0x3FA8]  }
0x28: {  	s2 =	sld [smem:$0x3FA9]  }
0x29: {  	s4 =	sld [smem:$0x3FAB]  }
0x2a: {  	p0 =	seq.s32 s5, $0x0;
	s5 =	sld [smem:$0x3FAC]  }
0x2b: {  	s6 =	sld [smem:$0x3FAD]  }
0x2c: {  	s7 =	sld [smem:$0x3FAE]  }
0x2d: {  	s3 =	simm.s32 $0x108;
	s8 =	sld [smem:$0x3FAF]  }
0x2e: {  	s3 =	simm.s32 @!p0 $0x1082;
	s9 =	sld [smem:$0x3FB0]  }
0x2f: {  	lr =	sadd.s32 s0, s3;
	s0 =	sld [smem:$0x3FA7]  }
0x30: {  	s3 =	sld [smem:$0x3FAA]  }
0x31: {  	[smem:$0x3FB3] =	sst s10  }
0x32: {  	s10 =	sld [smem:$0x3FB1];
	_ =	sdelay $0x3  }
0x33: {  	p0 =	seq.s32 s10, $0x1;
	s10 =	sld [smem:$0x3FB3];
	_ =	sdelay $0x3  }
0x34: {  	[smem:$0x3FB3] =	sst s10  }
0x35: {  	s10 =	sld [smem:$0x3FB2];
	_ =	sdelay $0x3  }
0x36: {  	p1 =	seq.s32 s10, $0x1;
	s10 =	sld [smem:$0x3FB3];
	_ =	sdelay $0x3  }
0x37: {  	[smem:$0x3FB3] =	sst s10  }
0x38: {  	s10 =	sld [smem:$0x3FB4]  }
0x39: {  	_ = 	snop;
	(pc) =	sbr.ind lr, $3  }
0x3a: {  	_ = 	snop  }
0x3b: {  	_ = 	snop  }
0x3c: {  	p2 =	seq.s32 s10, $0x1;
	s10 =	sld [smem:$0x3FB3]  }
0x3d: {  	_ =	shalt  }
0x3e: {  	_ =	shalt  }
0x3f: {  	_ =	shalt  }
0x40: {  	_ =	shalt  }
0x41: {  	_ =	shalt  }
0x42: {  	_ =	shalt  }
0x43: {  	_ =	shalt  }
0x44: {  	_ =	shalt  }
0x45: {  	_ =	shalt  }
0x46: {  	_ =	shalt  }
0x47: {  	_ =	shalt  }
0x48: {  	_ =	shalt  }
0x49: {  	_ =	shalt  }
0x4a: {  	_ =	shalt  }
0x4b: {  	_ =	shalt  }
0x4c: {  	_ =	shalt  }
0x4d: {  	_ =	shalt  }
0x4e: {  	_ =	shalt  }
0x4f: {  	_ =	shalt  }
0x50: {  	_ =	shalt  }
0x51: {  	_ =	shalt  }
0x52: {  	_ =	shalt  }
0x53: {  	_ =	shalt  }
0x54: {  	_ =	shalt  }
0x55: {  	_ =	shalt  }
0x56: {  	_ =	shalt  }
0x57: {  	_ =	shalt  }
0x58: {  	_ =	shalt  }
0x59: {  	_ =	shalt  }
0x5a: {  	_ =	shalt  }
0x5b: {  	_ =	shalt  }
0x5c: {  	_ =	shalt  }
0x5d: {  	_ =	shalt  }
0x5e: {  	_ =	shalt  }
0x5f: {  	_ =	shalt  }
0x60: {  	_ =	shalt  }
0x61: {  	_ =	shalt  }
0x62: {  	_ =	shalt  }
0x63: {  	_ =	shalt  }
0x64: {  	_ =	shalt  }
0x65: {  	_ =	shalt  }
0x66: {  	_ =	shalt  }
0x67: {  	_ =	shalt  }
0x68: {  	_ =	shalt  }
0x69: {  	_ =	shalt  }
0x6a: {  	_ =	shalt  }
0x6b: {  	_ =	shalt  }
0x6c: {  	_ =	shalt  }
0x6d: {  	_ =	shalt  }
0x6e: {  	_ =	shalt  }
0x6f: {  	_ =	shalt  }
0x70: {  	_ =	shalt  }
0x71: {  	_ =	shalt  }
0x72: {  	_ =	shalt  }
0x73: {  	_ =	shalt  }
0x74: {  	_ =	shalt  }
0x75: {  	_ =	shalt  }
0x76: {  	_ =	shalt  }
0x77: {  	_ =	shalt  }
0x78: {  	_ =	shalt  }
0x79: {  	_ =	shalt  }
0x7a: {  	_ =	shalt  }
0x7b: {  	_ =	shalt  }
0x7c: {  	_ =	shalt  }
0x7d: {  	_ =	shalt  }
0x7e: {  	_ =	shalt  }
0x7f: {  	_ =	shalt  }
0x80: {  	_ =	shalt  }
0x81: {  	_ =	shalt  }
0x82: {  	_ =	shalt  }
0x83: {  	_ =	shalt  }
0x84: {  	_ =	shalt  }
0x85: {  	_ =	shalt  }
0x86: {  	_ =	shalt  }
0x87: {  	_ =	shalt  }
.Lfunc_end0:
.L_simem_size_0:
called_computation.1_lowered:
.L_overlay_start_0:
0x88: {  	s2 =	sld [smem:$0x3FD9]  }
0x89: {  	s3 =	sld [smem:$0x3FFE];
	_ =	sdelay $0x1  }
0x8a: {  	s1 =	srdreg.scid  }
0x8b: {  	s0 =	sand.u32 $0x1, s1  }
0x8c: {  	s16 =	sshll.u32 s0, $0xA;
	s2 =	sadd.s32 s3, s2  }
0x8d: {  	s2 =	sadd.s32 s2, s16  }
0x8e: {  	[smem:$0x3FBF] =	sst s2  }
0x8f: {  	_ = 	snop  }
0x90: {  	(tm) =	ssettm $0x1  }
0x91: {  	s17 =	sld [smem:$0x3FFB];
	_ =	sdelay $0x3  }
0x92: {  	_ =	strace s17  }
0x93: {  	s2 =	sld [smem:$0x3FFC];
	_ =	sdelay $0x3  }
0x94: {  	_ =	strace s2  }
0x95: {  	s2 =	sld [smem:$0x3FFD];
	_ =	sdelay $0x3  }
0x96: {  	_ =	strace s2  }
0x97: {  	_ =	strace $0x8FFFFFFF  }
0x98: {  	s18 =	sld [smem:$0x3FDB];
	_ =	sdelay $0x1  }
0x99: {  	s19 =	simm.s32 $_scs_section_size  }
0x9a: {  	s4 =	simm.s32 $_size__tile_overlayer_lowered;
	s5 =	simm.s32 $_tile_overlayer_lowered  }
0x9b: {  	s22 =	simm.s32 $0x1BFF;
	s21 =	sshll.u32 s5, $0x1;
	s2 =	sadd.s32 s19, s18  }
0x9c: {  	s6 =	simm.s32 $0x0;
	s20 =	sshll.u32 s4, $0x1;
	s4 =	sadd.s32 s21, s2  }
0x9d: {  	[timem:s6], [sflag:s22] =	dma.local [hbm:s4], s20  }
0x9e: {  	_ =	swait.ge [sflag:s22], s20  }
0x9f: {  	s3 =	ssub.s32 $0x0, s20;
	[sflag:s22] =	ssyncset.done $0x0  }
0xa0: {  	[sflag:s22] =	ssyncadd.s32 s3;
	_ =	sdelay $0x1  }
0xa1: {  	s23 =	simm.s32 $0x1B8B  }
0xa2: {  	_ =	swait.ge [sflag:s23], $0x1  }
0xa3: {  	[sflag:s23] =	ssyncset.done $0x0  }
0xa4: {  	s25 =	simm.s32 $0x1B8E;
	s24 =	sld [smem:$0x3FFE];
	[sflag:s23] =	ssyncadd.s32 $0xFFFFFFFF  }
0xa5: {  	s26 =	simm.s32 $execute0_lowered;
	[smem:$0x3FD2] =	sst s25  }
0xa6: {  	s4 =	sshll.u32 s26, $0x1;
	_ =	strace $0x80000049;
	[dreg:$0x1] =	wrdreg $0xFFFFFFFF  }
0xa7: {  	s28 =	simm.s32 $_size_execute0_lowered;
	s2 =	sadd.s32 s2, s4;
	[dreg:$0x0] =	wrdreg $0x0  }
0xa8: {  	s4 =	sshll.u32 s28, $0x1;
	[dreg:$0x2] =	wrdreg s2  }
0xa9: {  	[dreg:$0x3] =	wrdreg s4  }
0xaa: {  	[dreg:$0x4] =	wrdreg $0xC0  }
0xab: {  	_ =	task [dreg:s6], $0x5FFFF  }
0xac: {  	[dreg:$0x1] =	wrdreg $0xFFFFFFFF  }
0xad: {  	[dreg:$0x0] =	wrdreg $0x60  }
0xae: {  	[dreg:$0x2] =	wrdreg s24  }
0xaf: {  	[dreg:$0x3] =	wrdreg $0x9  }
0xb0: {  	_ =	task.clear_ibuf [dreg:s6], $0x4FFFF;
	_ =	strace $0x90000049  }
0xb1: {  	s29 =	simm.s32 $0x9;
	_ =	strace $0x8000004B  }
0xb2: {  	_ =	swait.ge [sflag:s29], $0x1  }
0xb3: {  	[sflag:s29] =	ssyncadd.s32 $0xFFFFFFFF  }
0xb4: {  	_ =	strace $0x9000004B  }
0xb5: {  	_ =	sfence  }
0xb6: {  	s30 =	sld [smem:$0x0];
	_ =	sdelay $0x2  }
0xb7: {  	s31 =	sshll.u32 s1, $0xD;
	s1 =	sshrl.u32 s1, $0x2  }
0xb8: {  	s3 =	sand.u32 $0x4000, s31;
	s1 =	sadd.s32 s1, s30  }
0xb9: {  	s0 =	sor.u32 s3, s0;
	s1 =	sshll.u32 s1, $0x11  }
0xba: {  	s0 =	sor.u32 s1, s0  }
0xbb: {  	s0 =	sadd.s32 $0x8F2B, s0  }
0xbc: {  	[sflag:s0] =	ssyncadd.remote.s32 $0x1  }
0xbd: {  	_ =	sfence.sel $0xFFFF  }
0xbe: {  	[dreg:$0x0] =	wrdreg $0xFFFFFFFF;
	(pc) =	sbr.abs _section_cstart, $3  }
0xbf: {  	[dreg:$0x1] =	wrdreg $0xFFFFFFFF  }
0xc0: {  	_ =	task.clear_ibuf [dreg:s6], $0x2FFFF;
	_ =	strace $0x9FFFFFFF  }
0xc1: {  	(tm) =	ssettm $0x7FFFFFFF  }
tec
execute0_lowered:
.L_overlay_start_1:
0x0: {  	(tag) =	ssettag $0x1  }
0x1: {  	v35 =	vlaneseq.u32  }
0x2: {  	v0 =	vor.u32 $0x3200, v35  }
0x3: {  	v32 =	vor.u32 $0x3210, v35;
	[tilespmem:$0x1FDA0] =	vst v0  }
0x4: {  	v33 =	vor.u32 $0x3220, v35;
	[tilespmem:$0x1FDB0] =	vst v32  }
0x5: {  	v34 =	vor.u32 $0x3230, v35;
	[tilespmem:$0x1FDC0] =	vst v33  }
0x6: {  	v36 =	vor.u32 $0x3240, v35;
	[tilespmem:$0x1FDD0] =	vst v34  }
0x7: {  	v37 =	vor.u32 $0x3250, v35;
	[tilespmem:$0x1FDE0] =	vst v36  }
0x8: {  	v38 =	vor.u32 $0x3260, v35;
	[tilespmem:$0x1FDF0] =	vst v37  }
0x9: {  	v39 =	vor.u32 $0x3270, v35;
	[tilespmem:$0x1FE00] =	vst v38  }
0xa: {  	v40 =	vor.u32 $0x3280, v35;
	[tilespmem:$0x1FE10] =	vst v39  }
0xb: {  	v41 =	vor.u32 $0x3290, v35;
	[tilespmem:$0x1FE20] =	vst v40  }
0xc: {  	v42 =	vor.u32 $0x32A0, v35;
	[tilespmem:$0x1FE30] =	vst v41  }
0xd: {  	v43 =	vor.u32 $0x32B0, v35;
	[tilespmem:$0x1FE40] =	vst v42  }
0xe: {  	v44 =	vor.u32 $0x32C0, v35;
	[tilespmem:$0x1FE50] =	vst v43  }
0xf: {  	v45 =	vor.u32 $0x32D0, v35;
	[tilespmem:$0x1FE60] =	vst v44  }
0x10: {  	s4 =	rddreg [dreg:$0x0];
	s2 =	simm.s32 $0x0;
	v46 =	vor.u32 $0x32E0, v35;
	[tilespmem:$0x1FE70] =	vst v45  }
0x11: {  	[smem:$0x7FF] =	sst s2;
	v47 =	vor.u32 $0x32F0, v35;
	[tilespmem:$0x1FE80] =	vst v46  }
0x12: {  	s0 =	rddreg [dreg:$0x1];
	v48 =	vor.u32 $0x3300, v35;
	_ =	strace $0x8000004A;
	[tilespmem:$0x1FE90] =	vst v47  }
0x13: {  	v49 =	vor.u32 $0x3310, v35;
	[tilespmem:$0x1FEA0] =	vst v48  }
0x14: {  	v50 =	vor.u32 $0x3320, v35;
	[tilespmem:$0x1FEB0] =	vst v49  }
0x15: {  	v51 =	vor.u32 $0x3330, v35;
	[tilespmem:$0x1FEC0] =	vst v50  }
0x16: {  	v52 =	vor.u32 $0x3340, v35;
	[tilespmem:$0x1FED0] =	vst v51  }
0x17: {  	v53 =	vor.u32 $0x3350, v35;
	[tilespmem:$0x1FEE0] =	vst v52  }
0x18: {  	v54 =	vor.u32 $0x3360, v35;
	[tilespmem:$0x1FEF0] =	vst v53  }
0x19: {  	v55 =	vor.u32 $0x3370, v35;
	[tilespmem:$0x1FF00] =	vst v54  }
0x1a: {  	v56 =	vor.u32 $0x3380, v35;
	[tilespmem:$0x1FF10] =	vst v55  }
0x1b: {  	v57 =	vor.u32 $0x3390, v35;
	[tilespmem:$0x1FF20] =	vst v56  }
0x1c: {  	v58 =	vor.u32 $0x33A0, v35;
	[tilespmem:$0x1FF30] =	vst v57  }
0x1d: {  	v59 =	vor.u32 $0x33B0, v35;
	[tilespmem:$0x1FF40] =	vst v58  }
0x1e: {  	s3 =	srdreg.scid;
	s1 =	stileid.u32;
	s11 =	simm.s32 $0x8400;
	v60 =	vor.u32 $0x33C0, v35;
	[tilespmem:$0x1FF50] =	vst v59  }
0x1f: {  	s12 =	simm.s32 $0xB800;
	s13 =	simm.s32 $0x80;
	s14 =	simm.s32 $0x48;
	v61 =	vor.u32 $0x33D0, v35;
	[tilespmem:$0x1FF60] =	vst v60  }
0x20: {  	s15 =	simm.s32 $0xA400;
	s16 =	simm.s32 $0xD800;
	s17 =	simm.s32 $0x1;
	v62 =	vor.u32 $0x33E0, v35;
	v36 =	vmul.u32 $0x40, v35;
	[tilespmem:$0x1FF70] =	vst v61  }
0x21: {  	s18 =	simm.s32 $0x2;
	s3 =	sand.u32 $0x1, s3;
	s5 =	sshll.u32 s1, $0x1;
	v63 =	vor.u32 $0x33F0, v35;
	[tilespmem:$0x1FF80] =	vst v62  }
0x22: {  	s19 =	simm.s32 $0xEC00;
	s20 =	simm.s32 $0x15400;
	s5 =	sor.u32 s3, s5;
	[tilespmem:$0x1FF90] =	vst v63;
	v33 =	vor.u32 $0x1C00, v36  }
0x23: {  	s21 =	simm.s32 $0x0;
	s8 =	ssub.s32 $0x2, s3;
	s6 =	smul.u32 $0xC80, s5;
	v34 =	vor.u32 $0x2000, v36;
	[tilespmem:$0x1FFA0] =	vst v33  }
0x24: {  	s7 =	sshll.u32 s5, $0xA;
	s5 =	smul.u32 $0xD00, s5;
	s9 =	sshrl.u32 s8, $0x1;
	v40 =	vor.u32 $0x2400, v36;
	[tilespmem:$0x1FFB0] =	vst v34  }
0x25: {  	s3 =	sadd.s32 $0xBA00, s4;
	s7 =	sadd.s32 s7, s4;
	s8 =	ssub.s32 s8, s9;
	v41 =	vor.u32 $0x2800, v36;
	[tilespmem:$0x1FFC0] =	vst v40  }
0x26: {  	s9 =	simm.s32 $0x3;
	v37 =	vor.u32 $0x400, v36;
	v38 =	vor.u32 $0x800, v36;
	v42 =	vor.u32 $0x2C00, v36;
	s6 =	sadd.s32 s6, s4;
	s10 =	sadd.s32 s5, s4;
	[tilespmem:$0x1FFD0] =	vst v41  }
0x27: {  	v39 =	vor.u32 $0xC00, v36;
	v44 =	vor.u32 $0x1000, v36;
	v43 =	vor.u32 $0x3000, v36;
	s5 =	sadd.s32 $0x3A00, s7;
	s8 =	smax.u32 s8, $0x1;
	[tilespmem:$0x1FFE0] =	vst v42;
	s4 =	sadd.s32 $0xCF000, s6  }
0x28: {  	v45 =	vor.u32 $0x1400, v36;
	v46 =	vor.u32 $0x1800, v36;
	[tilespmem:$0x1FFF0] =	vst v43;
	s6 =	sadd.s32 $0xE8000, s10;
	s7 =	sadd.s32 $0x102000, s10;
	s10 =	simm.s32 $0x6400  }
.LBB2_1:
0x29: {  	[tilespmem:s2], [sflag:$0x3] =	stream.linear.gather [hbm4b:s4+s2], $0x6400, $0x38;
	[tilespmem:$0x1BC00] =	vst v63  }
0x2a: {  	_ =	swait.ge [sflag:s9], $0x6400  }
0x2b: {  	[sflag:s9] =	ssyncset.done $0x0  }
0x2c: {  	[sflag:s9] =	ssyncadd.s32 $0xFFFF9C00  }
0x2d: {  	[tilespmem:s10], [sflag:$0x3] =	stream.linear.gather [hbm4b:s5+s2], $0x2000, $0x38;
	[tilespmem:$0x1BC00] =	vst v63  }
0x2e: {  	_ =	swait.ge [sflag:s9], $0x2000  }
0x2f: {  	v0 =	vld [tilespmem:$0x1FDA0]  }
0x30: {  	v2 =	vld [tilespmem:$0x1FDB0]  }
0x31: {  	v3 =	vld [tilespmem:$0x1FDC0]  }
0x32: {  	v4 =	vld [tilespmem:$0x1FDD0]  }
0x33: {  	v5 =	vld [tilespmem:$0x1FDE0]  }
0x34: {  	v6 =	vld [tilespmem:$0x1FDF0]  }
0x35: {  	[sflag:s9] =	ssyncset.done $0x0;
	v7 =	vld [tilespmem:$0x1FE00]  }
0x36: {  	v1 =	vimm.f32 $0.0e+00;
	v8 =	vld [tilespmem:$0x1FE10];
	[sflag:s9] =	ssyncadd.s32 $0xFFFFE000  }
0x37: {  	v9 =	vld [tilespmem:$0x1FE20];
	[tilespmem:v0+s11+$0x0] =	vst.idx.msk $0xffff, v1  }
0x38: {  	v10 =	vld [tilespmem:$0x1FE30];
	[tilespmem:v2+s11+$0x0] =	vst.idx.msk $0xffff, v1  }
0x39: {  	v11 =	vld [tilespmem:$0x1FE40];
	[tilespmem:v3+s11+$0x0] =	vst.idx.msk $0xffff, v1  }
0x3a: {  	v12 =	vld [tilespmem:$0x1FE50];
	[tilespmem:v4+s11+$0x0] =	vst.idx.msk $0xffff, v1  }
0x3b: {  	v13 =	vld [tilespmem:$0x1FE60];
	[tilespmem:v5+s11+$0x0] =	vst.idx.msk $0xffff, v1  }
0x3c: {  	v14 =	vld [tilespmem:$0x1FE70];
	[tilespmem:v6+s11+$0x0] =	vst.idx.msk $0xffff, v1  }
0x3d: {  	v15 =	vld [tilespmem:$0x1FE80];
	[tilespmem:v7+s11+$0x0] =	vst.idx.msk $0xffff, v1  }
0x3e: {  	v16 =	vld [tilespmem:$0x1FE90];
	[tilespmem:v8+s11+$0x0] =	vst.idx.msk $0xffff, v1  }
0x3f: {  	v17 =	vld [tilespmem:$0x1FEA0];
	[tilespmem:v9+s11+$0x0] =	vst.idx.msk $0xffff, v1  }
0x40: {  	v18 =	vld [tilespmem:$0x1FEB0];
	[tilespmem:v10+s11+$0x0] =	vst.idx.msk $0xffff, v1  }
0x41: {  	v19 =	vld [tilespmem:$0x1FEC0];
	[tilespmem:v11+s11+$0x0] =	vst.idx.msk $0xffff, v1  }
0x42: {  	v20 =	vld [tilespmem:$0x1FED0];
	[tilespmem:v12+s11+$0x0] =	vst.idx.msk $0xffff, v1  }
0x43: {  	v21 =	vld [tilespmem:$0x1FEE0];
	[tilespmem:v13+s11+$0x0] =	vst.idx.msk $0xffff, v1  }
0x44: {  	v22 =	vld [tilespmem:$0x1FEF0];
	[tilespmem:v14+s11+$0x0] =	vst.idx.msk $0xffff, v1  }
0x45: {  	v23 =	vld [tilespmem:$0x1FF00];
	[tilespmem:v15+s11+$0x0] =	vst.idx.msk $0xffff, v1  }
0x46: {  	v24 =	vld [tilespmem:$0x1FF10];
	[tilespmem:v16+s11+$0x0] =	vst.idx.msk $0xffff, v1  }
0x47: {  	v25 =	vld [tilespmem:$0x1FF20];
	[tilespmem:v17+s11+$0x0] =	vst.idx.msk $0xffff, v1  }
0x48: {  	v26 =	vld [tilespmem:$0x1FF30];
	[tilespmem:v18+s11+$0x0] =	vst.idx.msk $0xffff, v1  }
0x49: {  	v27 =	vld [tilespmem:$0x1FF40];
	[tilespmem:v19+s11+$0x0] =	vst.idx.msk $0xffff, v1  }
0x4a: {  	v28 =	vld [tilespmem:$0x1FF50];
	[tilespmem:v20+s11+$0x0] =	vst.idx.msk $0xffff, v1  }
0x4b: {  	v29 =	vld [tilespmem:$0x1FF60];
	[tilespmem:v21+s11+$0x0] =	vst.idx.msk $0xffff, v1  }
0x4c: {  	v30 =	vld [tilespmem:$0x1FF70];
	[tilespmem:v22+s11+$0x0] =	vst.idx.msk $0xffff, v1  }
0x4d: {  	v31 =	vld [tilespmem:$0x1FF80];
	[tilespmem:v23+s11+$0x0] =	vst.idx.msk $0xffff, v1  }
0x4e: {  	v32 =	vld [tilespmem:$0x1FF90];
	[tilespmem:v24+s11+$0x0] =	vst.idx.msk $0xffff, v1  }
0x4f: {  	[tilespmem:v25+s11+$0x0] =	vst.idx.msk $0xffff, v1  }
0x50: {  	[tilespmem:v26+s11+$0x0] =	vst.idx.msk $0xffff, v1  }
0x51: {  	[tilespmem:v27+s11+$0x0] =	vst.idx.msk $0xffff, v1  }
0x52: {  	[tilespmem:v28+s11+$0x0] =	vst.idx.msk $0xffff, v1  }
0x53: {  	[tilespmem:v29+s11+$0x0] =	vst.idx.msk $0xffff, v1  }
0x54: {  	[tilespmem:v30+s11+$0x0] =	vst.idx.msk $0xffff, v1  }
0x55: {  	[tilespmem:v31+s11+$0x0] =	vst.idx.msk $0xffff, v1  }
0x56: {  	[tilespmem:v32+s11+$0x0] =	vst.idx.msk $0xffff, v1  }
0x57: {  	[tilespmem:v0+s12+$0x0] =	vst.idx.msk $0xffff, v1  }
0x58: {  	[tilespmem:v2+s12+$0x0] =	vst.idx.msk $0xffff, v1  }
0x59: {  	[tilespmem:v3+s12+$0x0] =	vst.idx.msk $0xffff, v1  }
0x5a: {  	[tilespmem:v4+s12+$0x0] =	vst.idx.msk $0xffff, v1  }
0x5b: {  	[tilespmem:v5+s12+$0x0] =	vst.idx.msk $0xffff, v1  }
0x5c: {  	[tilespmem:v6+s12+$0x0] =	vst.idx.msk $0xffff, v1  }
0x5d: {  	[tilespmem:v7+s12+$0x0] =	vst.idx.msk $0xffff, v1  }
0x5e: {  	[tilespmem:v8+s12+$0x0] =	vst.idx.msk $0xffff, v1  }
0x5f: {  	[tilespmem:v9+s12+$0x0] =	vst.idx.msk $0xffff, v1  }
0x60: {  	[tilespmem:v10+s12+$0x0] =	vst.idx.msk $0xffff, v1  }
0x61: {  	[tilespmem:v11+s12+$0x0] =	vst.idx.msk $0xffff, v1  }
0x62: {  	[tilespmem:v12+s12+$0x0] =	vst.idx.msk $0xffff, v1  }
0x63: {  	[tilespmem:v13+s12+$0x0] =	vst.idx.msk $0xffff, v1  }
0x64: {  	[tilespmem:v14+s12+$0x0] =	vst.idx.msk $0xffff, v1  }
0x65: {  	[tilespmem:v15+s12+$0x0] =	vst.idx.msk $0xffff, v1  }
0x66: {  	[tilespmem:v16+s12+$0x0] =	vst.idx.msk $0xffff, v1  }
0x67: {  	[tilespmem:v17+s12+$0x0] =	vst.idx.msk $0xffff, v1  }
0x68: {  	[tilespmem:v18+s12+$0x0] =	vst.idx.msk $0xffff, v1  }
0x69: {  	[tilespmem:v19+s12+$0x0] =	vst.idx.msk $0xffff, v1  }
0x6a: {  	[tilespmem:v20+s12+$0x0] =	vst.idx.msk $0xffff, v1  }
0x6b: {  	[tilespmem:v21+s12+$0x0] =	vst.idx.msk $0xffff, v1  }
0x6c: {  	[tilespmem:v22+s12+$0x0] =	vst.idx.msk $0xffff, v1  }
0x6d: {  	[tilespmem:v23+s12+$0x0] =	vst.idx.msk $0xffff, v1  }
0x6e: {  	[tilespmem:v24+s12+$0x0] =	vst.idx.msk $0xffff, v1  }
0x6f: {  	[tilespmem:v25+s12+$0x0] =	vst.idx.msk $0xffff, v1  }
0x70: {  	[tilespmem:v26+s12+$0x0] =	vst.idx.msk $0xffff, v1  }
0x71: {  	[tilespmem:v27+s12+$0x0] =	vst.idx.msk $0xffff, v1  }
0x72: {  	[tilespmem:v28+s12+$0x0] =	vst.idx.msk $0xffff, v1  }
0x73: {  	[tilespmem:v29+s12+$0x0] =	vst.idx.msk $0xffff, v1  }
0x74: {  	[tilespmem:v30+s12+$0x0] =	vst.idx.msk $0xffff, v1  }
0x75: {  	[tilespmem:v31+s12+$0x0] =	vst.idx.msk $0xffff, v1  }
0x76: {  	[tilespmem:v32+s12+$0x0] =	vst.idx.msk $0xffff, v1  }
0x77: {  	[tilespmem:s11], [sflag:$0x1] =	stream.indirect.gather [hbm4b:s3+s13], $0x40, s2, s13, $0xb8;
	[tilespmem:$0x1BC00] =	vst v63  }
0x78: {  	s22 =	simm.s32 $0x0  }
0x79: {  	[tilespmem:s15], [sflag:$0x1] =	stream.indirect.gather [hbm4b:s3+s14], $0x40, s13, s14, $0xb8;
	[tilespmem:$0x1BC00] =	vst v63  }
.LBB2_2:
0x7a: {  	s23 =	sshllo.u32 s22, $0x1  }
0x7b: {  	s24 =	smul.u32 $0x320, s23;
	_ =	sdelay $0x1  }
0x7c: {  	s24 =	sshra.s32 s24, $0x2  }
0x7d: {  	[tilespmem:s12], [sflag:$0x2] =	stream.indirect.gather [hbm4b:s3+s13], $0x40, s24, s13, $0xb8;
	[tilespmem:$0x1BC00] =	vst v63  }
0x7e: {  	s30 =	simm.s32 $0x0;
	s25 =	sshll.u32 s22, $0x7;
	s24 =	sadd.s32 $0x80, s24  }
0x7f: {  	v1 =	vadd.s32 s30, v35;
	[tilespmem:s16], [sflag:$0x2] =	stream.indirect.gather [hbm4b:s3+s14], $0x40, s24, s14, $0xb8;
	[tilespmem:$0x1BC00] =	vst v63  }
0x80: {  	v50 =	vmov s25;
	v1 =	vand.u32 $0x3F, v1;
	_ =	swait.ge [sflag:s17], $0x2000  }
0x81: {  	v3 =	vor.u32 v50, v1;
	[sflag:s17] =	ssyncset.done $0x0  }
0x82: {  	v4 =	vor.u32 v38, v1;
	[sflag:s17] =	ssyncadd.s32 $0xFFFFE000  }
0x83: {  	v6 =	vor.u32 v39, v1;
	_ =	swait.ge [sflag:s17], $0x1200  }
0x84: {  	v7 =	vor.u32 v36, v1;
	[sflag:s17] =	ssyncset.done $0x0  }
0x85: {  	v9 =	vor.u32 v41, v1;
	[sflag:s17] =	ssyncadd.s32 $0xFFFFEE00  }
0x86: {  	v10 =	vor.u32 v37, v1;
	v8 =	vld.idx.msk [tilespmem:v3+s10+$0x0], $0xffff  }
0x87: {  	v5 =	vor.u32 v44, v1;
	v4 =	vld.idx.msk [tilespmem:v4+s11+$0x0], $0xffff  }
0x88: {  	v11 =	vor.u32 v43, v1;
	v6 =	vld.idx.msk [tilespmem:v6+s11+$0x0], $0xffff  }
0x89: {  	v14 =	vor.u32 v45, v1;
	v7 =	vld.idx.msk [tilespmem:v7+s11+$0x0], $0xffff  }
0x8a: {  	v9 =	vld.idx.msk [tilespmem:v9+s11+$0x0], $0xffff  }
0x8b: {  	v12 =	vor.u32 v33, v1;
	v10 =	vld.idx.msk [tilespmem:v10+s11+$0x0], $0xffff  }
0x8c: {  	v48 =	vimm.f32 $0.0e+00;
	v5 =	vld.idx.msk [tilespmem:v5+s11+$0x0], $0xffff  }
0x8d: {  	v15 =	vor.u32 v42, v1;
	v17 =	vor.u32 v34, v1;
	v3 =	vor.u32 v46, v1;
	v11 =	vld.idx.msk [tilespmem:v11+s11+$0x0], $0xffff  }
0x8e: {  	v1 =	vor.u32 v40, v1;
	v14 =	vld.idx.msk [tilespmem:v14+s11+$0x0], $0xffff;
	v13 =	vmul.f32 v4, v4;
	v16 =	vmul.f32 v6, v6  }
0x8f: {  	v18 =	vmul.f32 v7, v7;
	v7 =	vsub.f32 v7, v8;
	v6 =	vsub.f32 v6, v8  }
0x90: {  	v12 =	vld.idx.msk [tilespmem:v12+s11+$0x0], $0xffff;
	v23 =	vsub.f32 v9, v8;
	v9 =	vmul.f32 v9, v9;
	v20 =	vsub.f32 v10, v8  }
0x91: {  	v21 =	vmul.f32 v5, v5;
	v4 =	vsub.f32 v4, v8;
	v10 =	vmul.f32 v10, v10  }
0x92: {  	v15 =	vld.idx.msk [tilespmem:v15+s11+$0x0], $0xffff;
	v22 =	vsub.f32 v11, v8;
	v11 =	vmul.f32 v11, v11;
	v5 =	vsub.f32 v5, v8  }
0x93: {  	v57 =	vld.idx.msk [tilespmem:v17+s11+$0x0], $0xffff;
	v25 =	vmul.f32 v14, v14;
	v17 =	vsub.f32 v14, v8;
	v13 =	vadd.f32 v13, v48  }
0x94: {  	v7 =	vmul.f32 v7, v7;
	v58 =	vadd.f32 v18, v48;
	v53 =	vadd.f32 v16, v48  }
0x95: {  	v16 =	vmul.f32 v20, v20;
	v49 =	vadd.f32 v9, v48;
	v9 =	vmul.f32 v12, v12  }
0x96: {  	v3 =	vld.idx.msk [tilespmem:v3+s11+$0x0], $0xffff;
	v47 =	vadd.f32 v11, v48;
	v11 =	vsub.f32 v12, v8;
	v4 =	vmul.f32 v4, v4  }
0x97: {  	v12 =	vsub.f32 v15, v8;
	v5 =	vmul.f32 v5, v5;
	v20 =	vld.idx.msk [tilespmem:v1+s11+$0x0], $0xffff;
	v1 =	vadd.f32 v10, v48  }
0x98: {  	s31 =	simm.s32 $0x1;
	v10 =	vmul.f32 v15, v15;
	v60 =	vadd.f32 v21, v48;
	v6 =	vmul.f32 v6, v6  }
0x99: {  	v63 =	vadd.f32 v16, v48;
	v16 =	vadd.s32 s31, v35;
	v59 =	vadd.f32 v5, v48  }
0x9a: {  	v11 =	vmul.f32 v11, v11;
	v7 =	vadd.f32 v7, v48;
	v15 =	vand.u32 $0x3F, v16  }
0x9b: {  	v56 =	vadd.f32 v9, v48;
	v9 =	vadd.f32 v4, v48;
	v5 =	vor.u32 v50, v15  }
0x9c: {  	v19 =	vsub.f32 v3, v8;
	v3 =	vmul.f32 v3, v3;
	v27 =	vor.u32 v38, v15  }
0x9d: {  	v12 =	vmul.f32 v12, v12;
	v26 =	vor.u32 v36, v15;
	v28 =	vor.u32 v37, v15  }
0x9e: {  	v51 =	vor.u32 v39, v15;
	v54 =	vadd.f32 v3, v48;
	v3 =	vor.u32 v44, v15  }
0x9f: {  	v18 =	vor.u32 v45, v15;
	v21 =	vor.u32 v33, v15;
	v52 =	vsub.f32 v20, v8  }
0xa0: {  	v16 =	vor.u32 v34, v15;
	v30 =	vor.u32 v41, v15;
	v55 =	vmul.f32 v20, v20;
	v5 =	vld.idx.msk [tilespmem:v5+s10+$0x0], $0xffff  }
0xa1: {  	v62 =	vor.u32 v46, v15;
	v29 =	vor.u32 v43, v15;
	v4 =	vmul.f32 v52, v52;
	v20 =	vld.idx.msk [tilespmem:v27+s11+$0x0], $0xffff  }
0xa2: {  	v32 =	vor.u32 v42, v15;
	v24 =	vmul.f32 v19, v19;
	v55 =	vadd.f32 v55, v48;
	v27 =	vld.idx.msk [tilespmem:v26+s11+$0x0], $0xffff  }
0xa3: {  	v19 =	vor.u32 v40, v15;
	v26 =	vsub.f32 v57, v8;
	v61 =	vadd.f32 v4, v48;
	v14 =	vld.idx.msk [tilespmem:v3+s11+$0x0], $0xffff  }
0xa4: {  	v15 =	vmul.f32 v17, v17;
	v4 =	vadd.f32 v11, v48;
	v3 =	vadd.f32 v24, v48;
	v24 =	vld.idx.msk [tilespmem:v51+s11+$0x0], $0xffff  }
0xa5: {  	v17 =	vld.idx.msk [tilespmem:v30+s11+$0x0], $0xffff;
	v11 =	vmul.f32 v23, v23;
	v8 =	vadd.f32 v25, v48;
	v23 =	vmul.f32 v57, v57  }
0xa6: {  	v28 =	vld.idx.msk [tilespmem:v28+s11+$0x0], $0xffff;
	v57 =	vadd.f32 v12, v48;
	v51 =	vadd.f32 v10, v48;
	v10 =	vmul.f32 v22, v22  }
0xa7: {  	v12 =	vadd.f32 v6, v48;
	v6 =	vimm.f32 $0.0e+00;
	v22 =	vld.idx.msk [tilespmem:v62+s11+$0x0], $0xffff;
	v30 =	vmul.f32 v20, v20  }
0xa8: {  	v26 =	vmul.f32 v26, v26;
	v52 =	vadd.f32 v10, v48;
	v10 =	vadd.f32 v15, v48;
	v15 =	vld.idx.msk [tilespmem:v29+s11+$0x0], $0xffff  }
0xa9: {  	s24 =	simm.s32 $0x2;
	v62 =	vadd.f32 v11, v48;
	v25 =	vmul.f32 v24, v24;
	v11 =	vadd.f32 v30, v13;
	v13 =	vld.idx.msk [tilespmem:v32+s11+$0x0], $0xffff  }
.LBB2_3:
0xaa: {  	_ = 	snop  }
0xab: {  	v48 =	vadd.f32 v26, v48;
	v6 =	vadd.f32 v23, v6;
	v26 =	vld.idx.msk [tilespmem:v18+s11+$0x0], $0xffff  }
0xac: {  	v29 =	vmul.f32 v27, v27;
	v23 =	vsub.f32 v27, v5;
	v18 =	vsub.f32 v22, v5;
	v34 =	vmovc v5  }
0xad: {  	v32 =	vsub.f32 v17, v5;
	v27 =	vmul.f32 v14, v14;
	v14 =	vsub.f32 v14, v34  }
0xae: {  	s25 =	smov.u32 s24;
	v17 =	vmul.f32 v17, v17;
	v20 =	vsub.f32 v20, v5;
	v58 =	vadd.f32 v29, v58  }
0xaf: {  	v29 =	vmul.f32 v18, v18;
	v18 =	vadd.s32 s25, v35;
	v14 =	vmul.f32 v14, v14  }
0xb0: {  	v21 =	vld.idx.msk [tilespmem:v21+s11+$0x0], $0xffff;
	v53 =	vadd.f32 v25, v53;
	v49 =	vadd.f32 v17, v49;
	v2 =	vand.u32 $0x3F, v18  }
0xb1: {  	v17 =	vmul.f32 v20, v20;
	v20 =	vld [tilespmem:$0x1FFF0];
	v59 =	vadd.f32 v14, v59;
	v14 =	vor.u32 v38, v2  }
0xb2: {  	v33 =	vld.idx.msk [tilespmem:v16+s11+$0x0], $0xffff;
	v22 =	vmul.f32 v22, v22;
	v30 =	vsub.f32 v24, v5;
	v16 =	vmul.f32 v28, v28  }
0xb3: {  	v24 =	vld.idx.msk [tilespmem:v19+s11+$0x0], $0xffff;
	v25 =	vsub.f32 v13, v34;
	v19 =	vmul.f32 v23, v23;
	v23 =	vsub.f32 v28, v5  }
0xb4: {  	v13 =	vmul.f32 v13, v13;
	v28 =	vsub.f32 v15, v5;
	v1 =	vadd.f32 v16, v1  }
0xb5: {  	v42 =	vmovc v38;
	v5 =	vmul.f32 v15, v15;
	v60 =	vadd.f32 v27, v60;
	v54 =	vadd.f32 v22, v54;
	v16 =	vld [tilespmem:$0x1FFA0]  }
0xb6: {  	v30 =	vmul.f32 v30, v30;
	v25 =	vmul.f32 v25, v25;
	v38 =	vor.u32 v20, v2;
	v20 =	vld.idx.msk [tilespmem:v14+s11+$0x0], $0xffff  }
0xb7: {  	v51 =	vadd.f32 v13, v51;
	v15 =	vmul.f32 v23, v23;
	v23 =	vmul.f32 v21, v21;
	v14 =	vld [tilespmem:$0x1FFD0]  }
0xb8: {  	v47 =	vadd.f32 v5, v47;
	v5 =	vsub.f32 v21, v34;
	v31 =	vor.u32 v36, v2  }
0xb9: {  	v35 =	vor.u32 v37, v2;
	v22 =	vor.u32 v39, v2;
	v27 =	vor.u32 v44, v2  }
0xba: {  	v41 =	vmovc v37;
	v7 =	vadd.f32 v19, v7;
	v18 =	vor.u32 v45, v2;
	v19 =	vld [tilespmem:$0x1FFC0];
	v37 =	vor.u32 v46, v2  }
0xbb: {  	v9 =	vadd.f32 v17, v9;
	v0 =	vmul.f32 v5, v5;
	v21 =	vor.u32 v16, v2;
	v16 =	vld [tilespmem:$0x1FFB0]  }
0xbc: {  	v40 =	vmovc v36;
	v5 =	vor.u32 v50, v2;
	v56 =	vadd.f32 v23, v56;
	v23 =	vor.u32 v14, v2;
	v14 =	vld [tilespmem:$0x1FFE0]  }
0xbd: {  	v43 =	vmovc v39;
	v3 =	vadd.f32 v29, v3;
	v13 =	vmul.f32 v28, v28;
	v29 =	vsub.f32 v33, v34  }
0xbe: {  	v12 =	vadd.f32 v30, v12;
	v36 =	vsub.f32 v24, v34;
	v39 =	vmul.f32 v24, v24;
	v24 =	vld.idx.msk [tilespmem:v22+s11+$0x0], $0xffff  }
0xbf: {  	v57 =	vadd.f32 v25, v57;
	v63 =	vadd.f32 v15, v63;
	v15 =	vmul.f32 v26, v26;
	v22 =	vld.idx.msk [tilespmem:v37+s11+$0x0], $0xffff  }
0xc0: {  	v26 =	vsub.f32 v26, v34;
	v52 =	vadd.f32 v13, v52;
	v17 =	vmul.f32 v36, v36;
	v28 =	vld.idx.msk [tilespmem:v35+s11+$0x0], $0xffff  }
0xc1: {  	p0 =	sne.s32 s24, $0x3F;
	v19 =	vor.u32 v19, v2;
	v5 =	vld.idx.msk [tilespmem:v5+s10+$0x0], $0xffff;
	v16 =	vor.u32 v16, v2;
	v2 =	vor.u32 v14, v2  }
.Ltmp0:
0xc2: {  	v55 =	vadd.f32 v39, v55;
	v26 =	vmul.f32 v26, v26;
	v8 =	vadd.f32 v15, v8;
	v15 =	vld.idx.msk [tilespmem:v38+s11+$0x0], $0xffff;
	(pc) =	sbr.rel @p0 .LBB2_3-.Ltmp0, $4  }
0xc3: {  	v4 =	vadd.f32 v0, v4;
	v0 =	vmul.f32 v32, v32;
	v36 =	vmovc v40;
	v39 =	vmov v43;
	v14 =	vld.idx.msk [tilespmem:v27+s11+$0x0], $0xffff  }
0xc4: {  	v61 =	vadd.f32 v17, v61;
	v10 =	vadd.f32 v26, v10;
	v13 =	vmul.f32 v20, v20;
	v27 =	vld.idx.msk [tilespmem:v31+s11+$0x0], $0xffff  }
0xc5: {  	v37 =	vmovc v41;
	v35 =	vlaneseq.u32;
	v26 =	vmul.f32 v29, v29;
	v62 =	vadd.f32 v0, v62;
	v38 =	vmovc v42;
	v17 =	vld.idx.msk [tilespmem:v23+s11+$0x0], $0xffff  }
0xc6: {  	s24 =	sadd.s32 $0x1, s24;
	v25 =	vmul.f32 v24, v24;
	v11 =	vadd.f32 v13, v11;
	v23 =	vmul.f32 v33, v33;
	v13 =	vld.idx.msk [tilespmem:v2+s11+$0x0], $0xffff  }
0xc7: {  	_ =	sdelay $0x1  }
0xc8: {  	v20 =	vsub.f32 v20, v5  }
0xc9: {  	v0 =	vsub.f32 v27, v5;
	v27 =	vmul.f32 v27, v27  }
0xca: {  	v2 =	vld.idx.msk [tilespmem:v21+s11+$0x0], $0xffff;
	v20 =	vmul.f32 v20, v20  }
0xcb: {  	v21 =	vsub.f32 v28, v5;
	v18 =	vld.idx.msk [tilespmem:v18+s11+$0x0], $0xffff;
	s24 =	smul.u32 $0x1A0, s22;
	v0 =	vmul.f32 v0, v0;
	v27 =	vadd.f32 v27, v58  }
0xcc: {  	v19 =	vld.idx.msk [tilespmem:v19+s11+$0x0], $0xffff;
	v9 =	vadd.f32 v20, v9  }
0xcd: {  	v21 =	vmul.f32 v21, v21;
	v0 =	vadd.f32 v0, v7;
	v7 =	vld.idx.msk [tilespmem:v16+s11+$0x0], $0xffff;
	[tilespmem:s24+$0x15400] =	vst v27  }
0xce: {  	v16 =	vmul.f32 v28, v28;
	[tilespmem:s24+$0xEC20] =	vst v9  }
0xcf: {  	v24 =	vsub.f32 v24, v5;
	v21 =	vadd.f32 v21, v63;
	[tilespmem:s24+$0x15420] =	vst v11  }
0xd0: {  	v9 =	vmul.f32 v14, v14;
	v11 =	vsub.f32 v22, v5;
	[tilespmem:s24+$0xEC00] =	vst v0;
	v0 =	vadd.f32 v16, v1  }
0xd1: {  	[tilespmem:s24+$0xEC10] =	vst v21;
	v1 =	vsub.f32 v14, v5;
	v16 =	vmul.f32 v24, v24;
	v14 =	vadd.f32 v25, v53  }
0xd2: {  	v9 =	vadd.f32 v9, v60;
	v11 =	vmul.f32 v11, v11;
	[tilespmem:s24+$0x15410] =	vst v0  }
0xd3: {  	v0 =	vmul.f32 v1, v1;
	v1 =	vsub.f32 v18, v5;
	v12 =	vadd.f32 v16, v12;
	[tilespmem:s24+$0x15430] =	vst v14  }
0xd4: {  	v14 =	vsub.f32 v2, v5;
	[tilespmem:s24+$0x15440] =	vst v9;
	v3 =	vadd.f32 v11, v3;
	v2 =	vmul.f32 v2, v2  }
0xd5: {  	v0 =	vadd.f32 v0, v59;
	v1 =	vmul.f32 v1, v1;
	[tilespmem:s24+$0xEC30] =	vst v12  }
0xd6: {  	v12 =	vmul.f32 v18, v18;
	[tilespmem:s24+$0xEC60] =	vst v3;
	v2 =	vadd.f32 v2, v56  }
0xd7: {  	v9 =	vmul.f32 v14, v14;
	v3 =	vadd.f32 v23, v6;
	v1 =	vadd.f32 v1, v10;
	[tilespmem:s24+$0xEC40] =	vst v0  }
0xd8: {  	v0 =	vmul.f32 v22, v22;
	v8 =	vadd.f32 v12, v8;
	v10 =	vsub.f32 v7, v5;
	[tilespmem:s24+$0x15470] =	vst v2  }
0xd9: {  	v6 =	vmul.f32 v7, v7;
	v4 =	vadd.f32 v9, v4;
	v2 =	vsub.f32 v13, v5;
	[tilespmem:s24+$0xEC50] =	vst v1  }
0xda: {  	v1 =	vadd.f32 v26, v48;
	v0 =	vadd.f32 v0, v54;
	[tilespmem:s24+$0x15450] =	vst v8;
	v9 =	vmul.f32 v10, v10  }
0xdb: {  	v3 =	vadd.f32 v6, v3;
	v8 =	vsub.f32 v19, v5;
	[tilespmem:s24+$0xEC70] =	vst v4;
	v4 =	vmul.f32 v19, v19  }
0xdc: {  	v2 =	vmul.f32 v2, v2;
	[tilespmem:s24+$0x15460] =	vst v0;
	v0 =	vsub.f32 v17, v5;
	v1 =	vadd.f32 v9, v1  }
0xdd: {  	[tilespmem:s24+$0x15480] =	vst v3;
	v7 =	vmul.f32 v8, v8;
	v4 =	vadd.f32 v4, v55  }
0xde: {  	v2 =	vadd.f32 v2, v57;
	v0 =	vmul.f32 v0, v0;
	[tilespmem:s24+$0xEC80] =	vst v1  }
0xdf: {  	v3 =	vsub.f32 v15, v5;
	v6 =	vadd.f32 v7, v61;
	v1 =	vmul.f32 v17, v17;
	[tilespmem:s24+$0x15490] =	vst v4  }
0xe0: {  	v5 =	vmul.f32 v13, v13;
	[tilespmem:s24+$0xECB0] =	vst v2;
	v0 =	vadd.f32 v0, v62  }
0xe1: {  	v3 =	vmul.f32 v3, v3;
	[tilespmem:s24+$0xEC90] =	vst v6;
	v1 =	vadd.f32 v1, v49  }
0xe2: {  	p0 =	seq.s32 s22, $0x3F;
	v4 =	vadd.f32 v5, v51;
	[tilespmem:s24+$0xECA0] =	vst v0;
	v0 =	vmul.f32 v15, v15  }
0xe3: {  	s25 =	smul.u32 @!p0 $0x640, s22;
	[tilespmem:s24+$0x154A0] =	vst v1;
	v1 =	vadd.f32 v3, v52  }
0xe4: {  	[tilespmem:s24+$0x154B0] =	vst v4;
	v0 =	vadd.f32 v0, v47  }
0xe5: {  	s25 =	sshra.s32 @!p0 s25, $0x2;
	[tilespmem:s24+$0xECC0] =	vst v1  }
0xe6: {  	s26 =	simm.s32 @!p0 $0x80;
	s28 =	simm.s32 @!p0 $0x8400;
	[tilespmem:s24+$0x154C0] =	vst v0;
	s24 =	sadd.s32 @!p0 $0x190, s25  }
0xe7: {  	[tilespmem:s28], [sflag:$0x1] =	stream.indirect.gather @!p0 [hbm4b:s3+s26], $0x40, s24, s26, $0xb8;
	[tilespmem:$0x1BC00] =	vst v63  }
0xe8: {  	s24 =	sadd.s32 @!p0 $0x210, s25;
	s25 =	simm.s32 @!p0 $0x48;
	s26 =	simm.s32 @!p0 $0xA400  }
0xe9: {  	[tilespmem:s26], [sflag:$0x1] =	stream.indirect.gather @!p0 [hbm4b:s3+s25], $0x40, s24, s25, $0xb8;
	[tilespmem:$0x1BC00] =	vst v63  }
0xea: {  	_ =	swait.ge [sflag:s18], $0x2000  }
0xeb: {  	[sflag:s18] =	ssyncset.done $0x0  }
0xec: {  	s29 =	simm.s32 $0x0;
	[sflag:s18] =	ssyncadd.s32 $0xFFFFE000  }
0xed: {  	s30 =	sshll.u32 s23, $0x6;
	v0 =	vadd.s32 s29, v35;
	_ =	swait.ge [sflag:s18], $0x1200  }
0xee: {  	v50 =	vmov s30;
	v0 =	vand.u32 $0x3F, v0;
	v33 =	vld [tilespmem:$0x1FFD0]  }
0xef: {  	v1 =	vor.u32 v50, v0;
	v32 =	vld [tilespmem:$0x1FFF0]  }
0xf0: {  	v2 =	vor.u32 v38, v0;
	v21 =	vld [tilespmem:$0x1FFA0]  }
0xf1: {  	v4 =	vor.u32 v39, v0;
	v34 =	vld [tilespmem:$0x1FFE0]  }
0xf2: {  	v5 =	vor.u32 v36, v0;
	[sflag:s18] =	ssyncset.done $0x0;
	v30 =	vld [tilespmem:$0x1FFB0]  }
0xf3: {  	v8 =	vor.u32 v37, v0;
	v31 =	vld [tilespmem:$0x1FFC0];
	[sflag:s18] =	ssyncadd.s32 $0xFFFFEE00  }
0xf4: {  	v3 =	vor.u32 v44, v0;
	v6 =	vld.idx.msk [tilespmem:v1+s10+$0x0], $0xffff  }
0xf5: {  	v2 =	vld.idx.msk [tilespmem:v2+s12+$0x0], $0xffff  }
0xf6: {  	v4 =	vld.idx.msk [tilespmem:v4+s12+$0x0], $0xffff  }
0xf7: {  	v12 =	vor.u32 v45, v0;
	v5 =	vld.idx.msk [tilespmem:v5+s12+$0x0], $0xffff  }
0xf8: {  	v1 =	vor.u32 v46, v0;
	v8 =	vld.idx.msk [tilespmem:v8+s12+$0x0], $0xffff  }
0xf9: {  	v3 =	vld.idx.msk [tilespmem:v3+s12+$0x0], $0xffff;
	v7 =	vor.u32 v33, v0  }
0xfa: {  	v48 =	vimm.f32 $0.0e+00;
	v9 =	vor.u32 v32, v0  }
0xfb: {  	v10 =	vor.u32 v21, v0;
	v13 =	vor.u32 v34, v0;
	v14 =	vor.u32 v30, v0  }
0xfc: {  	v12 =	vld.idx.msk [tilespmem:v12+s12+$0x0], $0xffff;
	v0 =	vor.u32 v31, v0;
	v11 =	vmul.f32 v2, v2;
	v15 =	vmul.f32 v4, v4  }
0xfd: {  	v1 =	vld.idx.msk [tilespmem:v1+s12+$0x0], $0xffff;
	v16 =	vmul.f32 v5, v5;
	v5 =	vsub.f32 v5, v6;
	v19 =	vsub.f32 v8, v6  }
0xfe: {  	v4 =	vsub.f32 v4, v6;
	v20 =	vmul.f32 v3, v3;
	v2 =	vsub.f32 v2, v6;
	v7 =	vld.idx.msk [tilespmem:v7+s12+$0x0], $0xffff  }
0xff: {  	v3 =	vsub.f32 v3, v6;
	v52 =	vadd.f32 v15, v48;
	v15 =	vmul.f32 v19, v19;
	v9 =	vld.idx.msk [tilespmem:v9+s12+$0x0], $0xffff  }
0x100: {  	v8 =	vmul.f32 v8, v8;
	v11 =	vadd.f32 v11, v48;
	v5 =	vmul.f32 v5, v5;
	v13 =	vld.idx.msk [tilespmem:v13+s12+$0x0], $0xffff  }
0x101: {  	v58 =	vadd.f32 v16, v48;
	v3 =	vmul.f32 v3, v3;
	v0 =	vld.idx.msk [tilespmem:v0+s12+$0x0], $0xffff;
	v63 =	vadd.f32 v15, v48  }
0x102: {  	v15 =	vmul.f32 v12, v12;
	v12 =	vsub.f32 v12, v6;
	v18 =	vmul.f32 v1, v1  }
0x103: {  	v2 =	vmul.f32 v2, v2;
	v60 =	vadd.f32 v20, v48;
	v17 =	vsub.f32 v1, v6;
	v1 =	vld.idx.msk [tilespmem:v10+s12+$0x0], $0xffff  }
0x104: {  	v59 =	vadd.f32 v3, v48;
	v12 =	vmul.f32 v12, v12;
	v54 =	vadd.f32 v18, v48  }
0x105: {  	v10 =	vsub.f32 v7, v6;
	v22 =	vsub.f32 v9, v6;
	v9 =	vmul.f32 v9, v9  }
0x106: {  	s31 =	simm.s32 $0x1;
	v7 =	vmul.f32 v7, v7;
	v25 =	vsub.f32 v13, v6;
	v29 =	vsub.f32 v0, v6  }
0x107: {  	v0 =	vmul.f32 v0, v0;
	v47 =	vadd.f32 v9, v48;
	v9 =	vadd.s32 s31, v35  }
0x108: {  	v49 =	vadd.f32 v7, v48;
	v23 =	vmul.f32 v1, v1;
	v9 =	vand.u32 $0x3F, v9  }
0x109: {  	v7 =	vsub.f32 v1, v6;
	v1 =	vadd.f32 v8, v48;
	v3 =	vor.u32 v50, v9  }
0x10a: {  	v8 =	vmul.f32 v13, v13;
	v55 =	vadd.f32 v0, v48;
	v20 =	vor.u32 v38, v9  }
0x10b: {  	v0 =	vmul.f32 v22, v22;
	v25 =	vmul.f32 v25, v25;
	v27 =	vor.u32 v44, v9  }
0x10c: {  	v13 =	vmul.f32 v7, v7;
	v26 =	vor.u32 v36, v9;
	v24 =	vor.u32 v39, v9  }
0x10d: {  	v28 =	vor.u32 v37, v9;
	v7 =	vadd.f32 v5, v48;
	v16 =	vor.u32 v30, v9;
	v30 =	vld.idx.msk [tilespmem:v14+s12+$0x0], $0xffff  }
0x10e: {  	v18 =	vor.u32 v45, v9;
	v19 =	vor.u32 v31, v9;
	v31 =	vor.u32 v46, v9;
	v5 =	vld.idx.msk [tilespmem:v3+s10+$0x0], $0xffff  }
0x10f: {  	v21 =	vor.u32 v21, v9;
	v56 =	vadd.f32 v23, v48;
	v23 =	vor.u32 v33, v9;
	v20 =	vld.idx.msk [tilespmem:v20+s12+$0x0], $0xffff  }
0x110: {  	v32 =	vor.u32 v32, v9;
	v33 =	vor.u32 v34, v9;
	v9 =	vadd.f32 v2, v48;
	v14 =	vld.idx.msk [tilespmem:v27+s12+$0x0], $0xffff  }
0x111: {  	v2 =	vmul.f32 v29, v29;
	v51 =	vadd.f32 v8, v48;
	v53 =	vadd.f32 v0, v48;
	v24 =	vld.idx.msk [tilespmem:v24+s12+$0x0], $0xffff  }
0x112: {  	v17 =	vmul.f32 v17, v17;
	v8 =	vadd.f32 v15, v48;
	v57 =	vadd.f32 v25, v48;
	v27 =	vld.idx.msk [tilespmem:v26+s12+$0x0], $0xffff  }
0x113: {  	v0 =	vmul.f32 v10, v10;
	v10 =	vadd.f32 v12, v48;
	v61 =	vadd.f32 v2, v48;
	v22 =	vld.idx.msk [tilespmem:v31+s12+$0x0], $0xffff  }
0x114: {  	v2 =	vmul.f32 v4, v4;
	v3 =	vadd.f32 v17, v48;
	v6 =	vsub.f32 v30, v6;
	v17 =	vld.idx.msk [tilespmem:v23+s12+$0x0], $0xffff  }
0x115: {  	v4 =	vadd.f32 v13, v48;
	v62 =	vadd.f32 v0, v48;
	v28 =	vld.idx.msk [tilespmem:v28+s12+$0x0], $0xffff;
	v13 =	vmul.f32 v20, v20  }
0x116: {  	v12 =	vadd.f32 v2, v48;
	v23 =	vmul.f32 v30, v30;
	v15 =	vld.idx.msk [tilespmem:v32+s12+$0x0], $0xffff;
	v26 =	vmul.f32 v6, v6  }
0x117: {  	s24 =	simm.s32 $0x2;
	v6 =	vimm.f32 $0.0e+00;
	v25 =	vmul.f32 v24, v24;
	v11 =	vadd.f32 v13, v11;
	v13 =	vld.idx.msk [tilespmem:v33+s12+$0x0], $0xffff  }
.LBB2_5:
0x118: {  	v2 =	vld.idx.msk [tilespmem:v21+s12+$0x0], $0xffff;
	v48 =	vadd.f32 v26, v48;
	v6 =	vadd.f32 v23, v6  }
0x119: {  	v52 =	vadd.f32 v25, v52;
	v0 =	vmul.f32 v27, v27;
	v21 =	vsub.f32 v27, v5  }
0x11a: {  	v23 =	vld.idx.msk [tilespmem:v18+s12+$0x0], $0xffff;
	v18 =	vsub.f32 v22, v5;
	v22 =	vmul.f32 v22, v22;
	v26 =	vsub.f32 v24, v5  }
0x11b: {  	v30 =	vld.idx.msk [tilespmem:v16+s12+$0x0], $0xffff;
	v29 =	vsub.f32 v17, v5;
	v17 =	vmul.f32 v17, v17;
	v27 =	vmul.f32 v14, v14  }
0x11c: {  	v16 =	vmul.f32 v28, v28;
	v20 =	vsub.f32 v20, v5;
	v31 =	vmovc v5;
	v58 =	vadd.f32 v0, v58  }
0x11d: {  	v14 =	vsub.f32 v14, v31;
	v25 =	vmul.f32 v2, v2;
	v2 =	vsub.f32 v2, v31  }
0x11e: {  	v24 =	vld.idx.msk [tilespmem:v19+s12+$0x0], $0xffff;
	v32 =	vsub.f32 v13, v31;
	v13 =	vmul.f32 v13, v13;
	v19 =	vmul.f32 v21, v21  }
0x11f: {  	v21 =	vsub.f32 v28, v5;
	v28 =	vsub.f32 v15, v5;
	v0 =	vmul.f32 v18, v18  }
0x120: {  	v5 =	vmul.f32 v15, v15;
	v49 =	vadd.f32 v17, v49;
	v1 =	vadd.f32 v16, v1  }
0x121: {  	v17 =	vmul.f32 v20, v20;
	v60 =	vadd.f32 v27, v60;
	v54 =	vadd.f32 v22, v54  }
0x122: {  	s25 =	smov.u32 s24;
	v2 =	vmul.f32 v2, v2;
	v56 =	vadd.f32 v25, v56;
	v51 =	vadd.f32 v13, v51  }
0x123: {  	v47 =	vadd.f32 v5, v47;
	v5 =	vmul.f32 v14, v14;
	v14 =	vadd.s32 s25, v35  }
0x124: {  	v16 =	vld [tilespmem:$0x1FFA0];
	v15 =	vmul.f32 v21, v21;
	v7 =	vadd.f32 v19, v7;
	v14 =	vand.u32 $0x3F, v14  }
0x125: {  	v25 =	vld [tilespmem:$0x1FFD0];
	v9 =	vadd.f32 v17, v9;
	v59 =	vadd.f32 v5, v59;
	v5 =	vor.u32 v50, v14  }
0x126: {  	v19 =	vld [tilespmem:$0x1FFC0];
	v3 =	vadd.f32 v0, v3;
	v13 =	vmul.f32 v28, v28;
	v20 =	vor.u32 v38, v14  }
0x127: {  	v35 =	vsub.f32 v24, v31;
	v34 =	vor.u32 v37, v14;
	v22 =	vor.u32 v39, v14;
	v37 =	vld [tilespmem:$0x1FFF0]  }
0x128: {  	v4 =	vadd.f32 v2, v4;
	v33 =	vor.u32 v36, v14;
	v36 =	vor.u32 v46, v14;
	v38 =	vld [tilespmem:$0x1FFE0]  }
0x129: {  	v2 =	vmul.f32 v29, v29;
	v63 =	vadd.f32 v15, v63;
	v21 =	vor.u32 v16, v14;
	v16 =	vld [tilespmem:$0x1FFB0]  }
0x12a: {  	v15 =	vmul.f32 v23, v23;
	v27 =	vor.u32 v44, v14;
	v18 =	vor.u32 v45, v14;
	v5 =	vld.idx.msk [tilespmem:v5+s10+$0x0], $0xffff  }
0x12b: {  	v23 =	vsub.f32 v23, v31;
	v39 =	vmul.f32 v24, v24;
	v31 =	vsub.f32 v30, v31;
	v20 =	vld.idx.msk [tilespmem:v20+s12+$0x0], $0xffff  }
0x12c: {  	v53 =	vadd.f32 v13, v53;
	v0 =	vmul.f32 v35, v35;
	v25 =	vor.u32 v25, v14;
	v24 =	vld.idx.msk [tilespmem:v22+s12+$0x0], $0xffff  }
0x12d: {  	v62 =	vadd.f32 v2, v62;
	v55 =	vadd.f32 v39, v55;
	v37 =	vor.u32 v37, v14;
	v22 =	vld.idx.msk [tilespmem:v36+s12+$0x0], $0xffff  }
0x12e: {  	p0 =	sne.s32 s24, $0x3F;
	v19 =	vor.u32 v19, v14;
	v61 =	vadd.f32 v0, v61;
	v38 =	vor.u32 v38, v14;
	v28 =	vld.idx.msk [tilespmem:v34+s12+$0x0], $0xffff  }
.Ltmp1:
0x12f: {  	v0 =	vmul.f32 v26, v26;
	v26 =	vmul.f32 v32, v32;
	v16 =	vor.u32 v16, v14;
	v14 =	vld.idx.msk [tilespmem:v27+s12+$0x0], $0xffff;
	(pc) =	sbr.rel @p0 .LBB2_5-.Ltmp1, $4  }
0x130: {  	v8 =	vadd.f32 v15, v8;
	v39 =	vmovc v43;
	v36 =	vmov v40;
	v27 =	vld.idx.msk [tilespmem:v33+s12+$0x0], $0xffff;
	v33 =	vmul.f32 v23, v23  }
0x131: {  	v57 =	vadd.f32 v26, v57;
	v26 =	vmul.f32 v31, v31;
	v17 =	vld.idx.msk [tilespmem:v25+s12+$0x0], $0xffff;
	v13 =	vmul.f32 v20, v20  }
0x132: {  	v12 =	vadd.f32 v0, v12;
	v23 =	vmul.f32 v30, v30;
	v10 =	vadd.f32 v33, v10;
	v15 =	vld.idx.msk [tilespmem:v37+s12+$0x0], $0xffff  }
0x133: {  	s24 =	sadd.s32 $0x1, s24;
	v35 =	vlaneseq.u32;
	v37 =	vmovc v41;
	v25 =	vmul.f32 v24, v24;
	v11 =	vadd.f32 v13, v11;
	v13 =	vld.idx.msk [tilespmem:v38+s12+$0x0], $0xffff;
	v38 =	vmovc v42  }
0x134: {  	_ =	sdelay $0x2  }
0x135: {  	v0 =	vsub.f32 v27, v5;
	v42 =	vmul.f32 v27, v27  }
0x136: {  	v2 =	vld.idx.msk [tilespmem:v21+s12+$0x0], $0xffff;
	v41 =	vsub.f32 v28, v5;
	v43 =	vmul.f32 v28, v28  }
0x137: {  	v18 =	vld.idx.msk [tilespmem:v18+s12+$0x0], $0xffff;
	v20 =	vsub.f32 v20, v5;
	s23 =	smul.u32 $0xD0, s23;
	v0 =	vmul.f32 v0, v0;
	v27 =	vadd.f32 v42, v58  }
0x138: {  	v19 =	vld.idx.msk [tilespmem:v19+s12+$0x0], $0xffff;
	v21 =	vmul.f32 v41, v41;
	v50 =	vadd.f32 v43, v1  }
0x139: {  	v20 =	vmul.f32 v20, v20;
	v0 =	vadd.f32 v0, v7;
	v7 =	vld.idx.msk [tilespmem:v16+s12+$0x0], $0xffff;
	[tilespmem:s23+$0x15400] =	vst v27  }
0x13a: {  	v24 =	vsub.f32 v24, v5;
	v21 =	vadd.f32 v21, v63;
	[tilespmem:s23+$0x15410] =	vst v50  }
0x13b: {  	v9 =	vadd.f32 v20, v9;
	[tilespmem:s23+$0x15420] =	vst v11  }
0x13c: {  	v58 =	vsub.f32 v14, v5;
	v63 =	vmul.f32 v24, v24;
	[tilespmem:s23+$0xEC10] =	vst v21  }
0x13d: {  	v24 =	vmul.f32 v14, v14;
	v27 =	vadd.f32 v25, v52;
	[tilespmem:s23+$0xEC20] =	vst v9  }
0x13e: {  	v28 =	vsub.f32 v22, v5;
	v20 =	vmul.f32 v58, v58;
	v12 =	vadd.f32 v63, v12;
	[tilespmem:s23+$0xEC00] =	vst v0  }
0x13f: {  	v29 =	vmul.f32 v18, v18;
	v9 =	vadd.f32 v24, v60;
	[tilespmem:s23+$0x15430] =	vst v27  }
0x140: {  	v11 =	vmul.f32 v28, v28;
	v0 =	vadd.f32 v20, v59;
	[tilespmem:s23+$0xEC30] =	vst v12  }
0x141: {  	v30 =	vsub.f32 v2, v5;
	v2 =	vmul.f32 v2, v2;
	v8 =	vadd.f32 v29, v8;
	[tilespmem:s23+$0x15440] =	vst v9  }
0x142: {  	v31 =	vmul.f32 v22, v22;
	v40 =	vsub.f32 v19, v5;
	v3 =	vadd.f32 v11, v3;
	[tilespmem:s23+$0xEC40] =	vst v0  }
0x143: {  	v21 =	vsub.f32 v18, v5;
	v32 =	vmul.f32 v30, v30;
	v2 =	vadd.f32 v2, v56;
	[tilespmem:s23+$0x15450] =	vst v8  }
0x144: {  	v34 =	vadd.f32 v26, v48;
	v50 =	vmul.f32 v40, v40;
	v0 =	vadd.f32 v31, v54;
	[tilespmem:s23+$0xEC60] =	vst v3  }
0x145: {  	v48 =	vsub.f32 v17, v5;
	v1 =	vmul.f32 v21, v21;
	v4 =	vadd.f32 v32, v4;
	[tilespmem:s23+$0x15470] =	vst v2  }
0x146: {  	v42 =	vadd.f32 v23, v6;
	v52 =	vmul.f32 v19, v19;
	v56 =	vadd.f32 v50, v61;
	[tilespmem:s23+$0x15460] =	vst v0  }
0x147: {  	v54 =	vsub.f32 v13, v5;
	v1 =	vadd.f32 v1, v10;
	v43 =	vmul.f32 v7, v7;
	[tilespmem:s23+$0xEC70] =	vst v4  }
0x148: {  	v0 =	vmul.f32 v48, v48;
	v4 =	vadd.f32 v52, v55;
	[tilespmem:s23+$0xEC90] =	vst v56  }
0x149: {  	v33 =	vsub.f32 v7, v5;
	v2 =	vmul.f32 v54, v54;
	[tilespmem:s23+$0xEC50] =	vst v1;
	v3 =	vadd.f32 v43, v42  }
0x14a: {  	v60 =	vmul.f32 v13, v13;
	v0 =	vadd.f32 v0, v62;
	[tilespmem:s23+$0x15490] =	vst v4  }
0x14b: {  	v41 =	vmul.f32 v33, v33;
	v2 =	vadd.f32 v2, v57;
	[tilespmem:s23+$0x15480] =	vst v3  }
0x14c: {  	s22 =	sadd.s32 $0x1, s22;
	v59 =	vsub.f32 v15, v5;
	v61 =	vmul.f32 v15, v15;
	v62 =	vadd.f32 v60, v51;
	[tilespmem:s23+$0xECA0] =	vst v0  }
0x14d: {  	p0 =	sne.s32 s22, $0x40;
	v58 =	vmul.f32 v17, v17;
	v40 =	vld [tilespmem:$0x1FFC0];
	v1 =	vadd.f32 v41, v34;
	[tilespmem:s23+$0xECB0] =	vst v2  }
.Ltmp2:
0x14e: {  	v33 =	vld [tilespmem:$0x1FFA0];
	v3 =	vmul.f32 v59, v59;
	v0 =	vadd.f32 v61, v47;
	[tilespmem:s23+$0x154B0] =	vst v62;
	(pc) =	sbr.rel @p0 .LBB2_2-.Ltmp2, $4  }
0x14f: {  	v42 =	vld [tilespmem:$0x1FFE0];
	[tilespmem:s23+$0xEC80] =	vst v1;
	v1 =	vadd.f32 v58, v49  }
0x150: {  	v43 =	vld [tilespmem:$0x1FFF0];
	v63 =	vadd.f32 v3, v53;
	[tilespmem:s23+$0x154C0] =	vst v0  }
0x151: {  	v34 =	vld [tilespmem:$0x1FFB0];
	[tilespmem:s23+$0x154A0] =	vst v1  }
0x152: {  	v41 =	vld [tilespmem:$0x1FFD0];
	[tilespmem:s23+$0xECC0] =	vst v63  }
0x153: {  	[hbm4b:s6+s2] =	stream.linear.scatter [tilespmem:s19], [sflag:$0x3], $0x6800, $0x38;
	[tilespmem:$0x1BC00] =	vst v63  }
0x154: {  	s21 =	sadd.s32 $0x1, s21;
	_ =	swait.ge [sflag:s9], $0x6800  }
0x155: {  	p0 =	sne.s32 s21, s8;
	[sflag:s9] =	ssyncset.done $0x0  }
.Ltmp3:
0x156: {  	[sflag:s9] =	ssyncadd.s32 $0xFFFF9800;
	(pc) =	sbr.rel @p0 .LBB2_1-.Ltmp3, $4  }
0x157: {  	[hbm4b:s7+s2] =	stream.linear.scatter [tilespmem:s20], [sflag:$0x3], $0x6800, $0x38;
	[tilespmem:$0x1BC00] =	vst v63  }
0x158: {  	_ =	swait.ge [sflag:s9], $0x6800  }
0x159: {  	[sflag:s9] =	ssyncset.done $0x0  }
0x15a: {  	[sflag:s9] =	ssyncadd.s32 $0xFFFF9800  }
0x15b: {  	_ =	sfence.sel $0x180000  }
0x15c: {  	[bflag:$0x0] =	sbarrier.arrive $0xFFFF  }
0x15d: {  	p0 =	sne.s32 s1, $0x0;
	_ =	strace $0x9000004A  }
0x15e: {  	s0 =	sadd.s32 @!p0 $0x100000, s0;
	[bflag:$0x2] =	sbarrier.arrive $0xFFFF  }
0x15f: {  	[sflag:s0] =	ssyncadd.tile.s32 @!p0 $0x1;
	_ =	shalt  }
.Lfunc_end2:
_tile_overlayer_lowered:
.L_overlay_start_2:
0x160: {  	(tag) =	ssettag $0x2  }
0x161: {  	s0 =	rddreg [dreg:$0x0];
	s2 =	stileid.u32  }
0x162: {  	s1 =	rddreg [dreg:$0x1];
	p0 =	sne.s32 s2, $0x0  }
0x163: {  	s3 =	rddreg [dreg:$0x2];
	[bflag:$0x3] =	sbarrier.arrive $0xFFFF;
	s2 =	simm.s32 @!p0 $0x1C03  }
0x164: {  	[timem:s3], [sflag:s2] =	dma.local @!p0 [hbm:s0], s1  }
0x165: {  	s0 =	simm.s32 @!p0 $0x3  }
0x166: {  	_ =	swait.ge @!p0 [sflag:s0], s1  }
0x167: {  	s1 =	ssub.s32 @!p0 $0x0, s1;
	[sflag:s0] =	ssyncset.done @!p0 $0x0  }
0x168: {  	[sflag:s0] =	ssyncadd.s32 @!p0 s1  }
0x169: {  	[bflag:$0x3] =	sbarrier.arrive $0xFFFF  }
0x16a: {  	_ =	shalt  }

// kernel: kernel.7.cloned.1.call-start
scs
__scs_entry_jumppad:
0x0: {  	(pc) =	sbr.rel $0x88, $3  }
0x1: {  	(tag) =	ssettag $0x0;
	lr =	simm.s32 $0x1  }
0x2: {  	[smem:$0x3F98] =	sst lr;
	_ =	strace $0xD0000000  }
0x3: {  	_ = 	snop  }
0x4: {  	_ = 	snop  }
0x5: {  	_ = 	snop  }
0x6: {  	_ = 	snop  }
0x7: {  	_ = 	snop  }
__scs_overlays_trampoline_lowered:
0x8: {  	[smem:$0x3FA7] =	sst s0  }
0x9: {  	[smem:$0x3FA8] =	sst s1  }
0xa: {  	[smem:$0x3FA9] =	sst s2  }
0xb: {  	[smem:$0x3FAA] =	sst s3  }
0xc: {  	[smem:$0x3FAB] =	sst s4  }
0xd: {  	[smem:$0x3FAC] =	sst s5  }
0xe: {  	[smem:$0x3FAD] =	sst s6  }
0xf: {  	[smem:$0x3FAE] =	sst s7  }
0x10: {  	[smem:$0x3FAF] =	sst s8  }
0x11: {  	[smem:$0x3FB0] =	sst s9;
	s0 =	simm.s32 @!p0 $0x0  }
0x12: {  	s1 =	sld [smem:$0x3F96];
	s0 =	simm.s32 @p0 $0x1  }
0x13: {  	[smem:$0x3FB1] =	sst s0;
	s0 =	simm.s32 @!p1 $0x0  }
0x14: {  	s2 =	sld [smem:$0x3F95];
	s0 =	simm.s32 @p1 $0x1  }
0x15: {  	[smem:$0x3FB2] =	sst s0;
	s0 =	simm.s32 @!p2 $0x0  }
0x16: {  	s3 =	sld [smem:$0x3FDB];
	s0 =	simm.s32 @p2 $0x1  }
0x17: {  	s4 =	simm.s32 $0x1BF5;
	[smem:$0x3FB4] =	sst s0  }
0x18: {  	s0 =	sld [smem:$0x3F97];
	_ =	swait.ge [sflag:s4], $0x0  }
0x19: {  	s7 =	sld [smem:$0x3F98]  }
0x1a: {  	s8 =	sadd.s32 $0xFFFFE003, lr  }
0x1b: {  	s9 =	sadd.s32 $0xFFFFFEF7, lr;
	s5 =	simm.s32 $0xFFFFFFFF;
	p2 =	slt.u32 s8, $0xFFFFF086  }
0x1c: {  	p1 =	slt.u32 s9, $0xF7A;
	s5 =	simm.s32 @!p2 $0x0  }
0x1d: {  	s5 =	simm.s32 @p1 $0x1;
	p0 =	seq.s32 s7, s2  }
0x1e: {  	s7 =	smul.u32 @!p0 $0xF7A, s2;
	p2 =	seq.s32 @!p0 s5, $0x0  }
0x1f: {  	s9 =	smul.u32 $0xF7A, s1;
	s8 =	simm.s32 @!p0 $0x1BF5;
	p2 =	por !p2, p0  }
0x20: {  	[sflag:s8] =	ssyncset.s32 @!p0 $0xFFFFF086;
	s6 =	sadd.s32 @!p0 s3, s7;
	s7 =	simm.s32 @!p0 $0x108  }
0x21: {  	s3 =	sadd.s32 s3, s9;
	s6 =	sadd.s32 @!p0 $0x88, s6;
	s7 =	simm.s32 @p2 $0x1082  }
0x22: {  	[simem:s7], [sflag:s8] =	dma.local @!p0 [hbm:s6], $0xF7A  }
0x23: {  	s9 =	sor.u32 $0xD0000000, s2;
	s6 =	simm.s32 $0x108;
	_ =	swait.ge @!p0 [sflag:s8], $0x0  }
0x24: {  	s3 =	sadd.s32 $0x88, s3;
	s6 =	simm.s32 @!p1 $0x1082;
	[sflag:s4] =	ssyncset.s32 $0xFFFFF086  }
0x25: {  	[simem:s6], [sflag:s4] =	dma.local [hbm:s3], $0xF7A  }
0x26: {  	[smem:$0x3F98] =	sst s1;
	(tag) =	ssettag s2;
	_ =	strace s9  }
0x27: {  	s1 =	sld [smem:$0x3FA8]  }
0x28: {  	s2 =	sld [smem:$0x3FA9]  }
0x29: {  	s4 =	sld [smem:$0x3FAB]  }
0x2a: {  	p0 =	seq.s32 s5, $0x0;
	s5 =	sld [smem:$0x3FAC]  }
0x2b: {  	s6 =	sld [smem:$0x3FAD]  }
0x2c: {  	s7 =	sld [smem:$0x3FAE]  }
0x2d: {  	s3 =	simm.s32 $0x108;
	s8 =	sld [smem:$0x3FAF]  }
0x2e: {  	s3 =	simm.s32 @!p0 $0x1082;
	s9 =	sld [smem:$0x3FB0]  }
0x2f: {  	lr =	sadd.s32 s0, s3;
	s0 =	sld [smem:$0x3FA7]  }
0x30: {  	s3 =	sld [smem:$0x3FAA]  }
0x31: {  	[smem:$0x3FB3] =	sst s10  }
0x32: {  	s10 =	sld [smem:$0x3FB1];
	_ =	sdelay $0x3  }
0x33: {  	p0 =	seq.s32 s10, $0x1;
	s10 =	sld [smem:$0x3FB3];
	_ =	sdelay $0x3  }
0x34: {  	[smem:$0x3FB3] =	sst s10  }
0x35: {  	s10 =	sld [smem:$0x3FB2];
	_ =	sdelay $0x3  }
0x36: {  	p1 =	seq.s32 s10, $0x1;
	s10 =	sld [smem:$0x3FB3];
	_ =	sdelay $0x3  }
0x37: {  	[smem:$0x3FB3] =	sst s10  }
0x38: {  	s10 =	sld [smem:$0x3FB4]  }
0x39: {  	_ = 	snop;
	(pc) =	sbr.ind lr, $3  }
0x3a: {  	_ = 	snop  }
0x3b: {  	_ = 	snop  }
0x3c: {  	p2 =	seq.s32 s10, $0x1;
	s10 =	sld [smem:$0x3FB3]  }
0x3d: {  	_ =	shalt  }
0x3e: {  	_ =	shalt  }
0x3f: {  	_ =	shalt  }
0x40: {  	_ =	shalt  }
0x41: {  	_ =	shalt  }
0x42: {  	_ =	shalt  }
0x43: {  	_ =	shalt  }
0x44: {  	_ =	shalt  }
0x45: {  	_ =	shalt  }
0x46: {  	_ =	shalt  }
0x47: {  	_ =	shalt  }
0x48: {  	_ =	shalt  }
0x49: {  	_ =	shalt  }
0x4a: {  	_ =	shalt  }
0x4b: {  	_ =	shalt  }
0x4c: {  	_ =	shalt  }
0x4d: {  	_ =	shalt  }
0x4e: {  	_ =	shalt  }
0x4f: {  	_ =	shalt  }
0x50: {  	_ =	shalt  }
0x51: {  	_ =	shalt  }
0x52: {  	_ =	shalt  }
0x53: {  	_ =	shalt  }
0x54: {  	_ =	shalt  }
0x55: {  	_ =	shalt  }
0x56: {  	_ =	shalt  }
0x57: {  	_ =	shalt  }
0x58: {  	_ =	shalt  }
0x59: {  	_ =	shalt  }
0x5a: {  	_ =	shalt  }
0x5b: {  	_ =	shalt  }
0x5c: {  	_ =	shalt  }
0x5d: {  	_ =	shalt  }
0x5e: {  	_ =	shalt  }
0x5f: {  	_ =	shalt  }
0x60: {  	_ =	shalt  }
0x61: {  	_ =	shalt  }
0x62: {  	_ =	shalt  }
0x63: {  	_ =	shalt  }
0x64: {  	_ =	shalt  }
0x65: {  	_ =	shalt  }
0x66: {  	_ =	shalt  }
0x67: {  	_ =	shalt  }
0x68: {  	_ =	shalt  }
0x69: {  	_ =	shalt  }
0x6a: {  	_ =	shalt  }
0x6b: {  	_ =	shalt  }
0x6c: {  	_ =	shalt  }
0x6d: {  	_ =	shalt  }
0x6e: {  	_ =	shalt  }
0x6f: {  	_ =	shalt  }
0x70: {  	_ =	shalt  }
0x71: {  	_ =	shalt  }
0x72: {  	_ =	shalt  }
0x73: {  	_ =	shalt  }
0x74: {  	_ =	shalt  }
0x75: {  	_ =	shalt  }
0x76: {  	_ =	shalt  }
0x77: {  	_ =	shalt  }
0x78: {  	_ =	shalt  }
0x79: {  	_ =	shalt  }
0x7a: {  	_ =	shalt  }
0x7b: {  	_ =	shalt  }
0x7c: {  	_ =	shalt  }
0x7d: {  	_ =	shalt  }
0x7e: {  	_ =	shalt  }
0x7f: {  	_ =	shalt  }
0x80: {  	_ =	shalt  }
0x81: {  	_ =	shalt  }
0x82: {  	_ =	shalt  }
0x83: {  	_ =	shalt  }
0x84: {  	_ =	shalt  }
0x85: {  	_ =	shalt  }
0x86: {  	_ =	shalt  }
0x87: {  	_ =	shalt  }
.Lfunc_end0:
.L_simem_size_0:
called_computation_lowered:
.L_overlay_start_0:
0x88: {  	s2 =	sld [smem:$0x3FD9]  }
0x89: {  	s3 =	sld [smem:$0x3FFE];
	_ =	sdelay $0x1  }
0x8a: {  	s1 =	srdreg.scid  }
0x8b: {  	s0 =	sand.u32 $0x1, s1  }
0x8c: {  	s17 =	sshll.u32 s0, $0xA;
	s2 =	sadd.s32 s3, s2  }
0x8d: {  	s2 =	sadd.s32 s2, s17  }
0x8e: {  	[smem:$0x3FBF] =	sst s2  }
0x8f: {  	_ = 	snop  }
0x90: {  	s2 =	sld [smem:$0x3FC9];
	(tm) =	ssettm $0x1  }
0x91: {  	s18 =	sld [smem:$0x3FFB];
	_ =	sdelay $0x3  }
0x92: {  	_ =	strace s18  }
0x93: {  	s3 =	sld [smem:$0x3FFC];
	_ =	sdelay $0x3  }
0x94: {  	_ =	strace s3  }
0x95: {  	s3 =	sld [smem:$0x3FFD];
	_ =	sdelay $0x3  }
0x96: {  	_ =	strace s3  }
0x97: {  	_ =	strace $0x8FFFFFFF  }
0x98: {  	s19 =	sld [smem:$0x3FDB];
	_ =	sdelay $0x1  }
0x99: {  	s4 =	simm.s32 $_scs_section_size  }
0x9a: {  	s5 =	simm.s32 $_size__tile_overlayer_lowered;
	s6 =	simm.s32 $_tile_overlayer_lowered  }
0x9b: {  	s22 =	simm.s32 $0x1BFF;
	s21 =	sshll.u32 s6, $0x1;
	s3 =	sadd.s32 s4, s19  }
0x9c: {  	s7 =	simm.s32 $0x0;
	s20 =	sshll.u32 s5, $0x1;
	s5 =	sadd.s32 s21, s3  }
0x9d: {  	[timem:s7], [sflag:s22] =	dma.local [hbm:s5], s20  }
0x9e: {  	_ =	swait.ge [sflag:s22], s20  }
0x9f: {  	s4 =	ssub.s32 $0x0, s20;
	[sflag:s22] =	ssyncset.done $0x0  }
0xa0: {  	[sflag:s22] =	ssyncadd.s32 s4;
	_ =	sdelay $0x1  }
0xa1: {  	s23 =	simm.s32 $0x1B8B  }
0xa2: {  	_ =	swait.ge [sflag:s23], $0x1  }
0xa3: {  	[sflag:s23] =	ssyncset.done $0x0  }
0xa4: {  	s25 =	simm.s32 $0x1B8E;
	s24 =	sld [smem:$0x3FFE];
	[sflag:s23] =	ssyncadd.s32 $0xFFFFFFFF  }
0xa5: {  	s26 =	simm.s32 $execute0_lowered;
	[smem:$0x3FD2] =	sst s25  }
0xa6: {  	s5 =	sshll.u32 s26, $0x1;
	_ =	strace $0x80000046;
	[dreg:$0x1] =	wrdreg $0xFFFFFFFF  }
0xa7: {  	s28 =	simm.s32 $_size_execute0_lowered;
	s3 =	sadd.s32 s3, s5;
	[dreg:$0x0] =	wrdreg $0x0  }
0xa8: {  	s5 =	sshll.u32 s28, $0x1;
	[dreg:$0x2] =	wrdreg s3  }
0xa9: {  	[dreg:$0x3] =	wrdreg s5  }
0xaa: {  	[dreg:$0x4] =	wrdreg $0xC0  }
0xab: {  	_ =	task [dreg:s7], $0x5FFFF  }
0xac: {  	[dreg:$0x1] =	wrdreg $0xFFFFFFFF  }
0xad: {  	[dreg:$0x0] =	wrdreg $0x60  }
0xae: {  	[dreg:$0x2] =	wrdreg s24  }
0xaf: {  	[dreg:$0x3] =	wrdreg s2  }
0xb0: {  	[dreg:$0x4] =	wrdreg $0x9  }
0xb1: {  	_ =	task.clear_ibuf [dreg:s7], $0x5FFFF;
	_ =	strace $0x90000046  }
0xb2: {  	s29 =	simm.s32 $0x9;
	_ =	strace $0x80000048  }
0xb3: {  	_ =	swait.ge [sflag:s29], $0x1  }
0xb4: {  	[sflag:s29] =	ssyncadd.s32 $0xFFFFFFFF  }
0xb5: {  	_ =	strace $0x90000048  }
0xb6: {  	_ =	sfence  }
0xb7: {  	s30 =	sld [smem:$0x0];
	_ =	sdelay $0x2  }
0xb8: {  	s31 =	sshll.u32 s1, $0xD;
	s1 =	sshrl.u32 s1, $0x2  }
0xb9: {  	s3 =	sand.u32 $0x4000, s31;
	s1 =	sadd.s32 s1, s30  }
0xba: {  	s0 =	sor.u32 s3, s0;
	s1 =	sshll.u32 s1, $0x11  }
0xbb: {  	s0 =	sor.u32 s1, s0  }
0xbc: {  	s0 =	sadd.s32 $0x8F2B, s0  }
0xbd: {  	[sflag:s0] =	ssyncadd.remote.s32 $0x1  }
0xbe: {  	_ =	sfence.sel $0xFFFF  }
0xbf: {  	[dreg:$0x0] =	wrdreg $0xFFFFFFFF;
	(pc) =	sbr.abs _section_cstart, $3  }
0xc0: {  	[dreg:$0x1] =	wrdreg $0xFFFFFFFF  }
0xc1: {  	_ =	task.clear_ibuf [dreg:s7], $0x2FFFF;
	_ =	strace $0x9FFFFFFF  }
0xc2: {  	(tm) =	ssettm $0x7FFFFFFF  }
0xc3: {  	_ =	shalt  }
tec
execute0_lowered:
.L_overlay_start_1:
0x0: {  	(tag) =	ssettag $0x1  }
0x1: {  	s1 =	srdreg.scid  }
0x2: {  	s8 =	rddreg [dreg:$0x0];
	s0 =	stileid.u32  }
0x3: {  	s3 =	rddreg [dreg:$0x1];
	s2 =	simm.s32 $0x0;
	s6 =	sand.u32 $0x1, s1  }
0x4: {  	s4 =	sshll.u32 s0, $0x8;
	s1 =	rddreg [dreg:$0x2];
	s5 =	sshll.u32 s6, $0x7  }
0x5: {  	s7 =	simm.s32 $0x1;
	[smem:$0x7FF] =	sst s2;
	s9 =	sor.u32 s5, s4  }
0x6: {  	_ =	strace $0x80000047;
	s10 =	ssub.s32 $0x2, s6;
	s4 =	sshrl.u32 s9, $0x3  }
0x7: {  	s6 =	simm.s32 $0x80;
	s4 =	sadd.s32 s3, s4;
	s3 =	simm.s32 $0x2  }
0x8: {  	[tilespmem:s2], [sflag:$0x2] =	stream.linear.gather [hbm4b:s4+s2], $0x80, $0x38;
	[tilespmem:$0x2080] =	vst v63  }
0x9: {  	s5 =	sadd.s32 $0x18A400, s8;
	s11 =	sshrl.u32 s10, $0x1;
	_ =	swait.ge [sflag:s3], $0x80  }
0xa: {  	s9 =	sshll.u32 s9, $0x3;
	s31 =	ssub.s32 s10, s11;
	[sflag:s3] =	ssyncset.done $0x0  }
0xb: {  	s8 =	sadd.s32 s9, s8;
	s9 =	smax.u32 s31, $0x1;
	[sflag:s3] =	ssyncadd.s32 $0xFFFFFF80  }
0xc: {  	[tilespmem:s6], [sflag:$0x1] =	stream.indirect.gather [hbm4b:s5+s6], $0x40, s2, s6, $0xb8;
	[tilespmem:$0x2080] =	vst v63  }
0xd: {  	p0 =	sne.s32 s9, $0x1;
	_ =	swait.ge [sflag:s7], $0x2000  }
.Ltmp0:
0xe: {  	[sflag:s7] =	ssyncset.done $0x0;
	(pc) =	sbr.rel @!p0 .LBB2_2-.Ltmp0, $4  }
0xf: {  	s8 =	sadd.s32 $0x3A00, s8;
	[sflag:s7] =	ssyncadd.s32 $0xFFFFE000  }
0x10: {  	[hbm4b:s8+s2] =	stream.linear.scatter [tilespmem:s6], [sflag:$0x2], $0x2000, $0x38;
	[tilespmem:$0x2080] =	vst v63  }
0x11: {  	_ =	swait.ge [sflag:s3], $0x2000  }
0x12: {  	s9 =	sadd.s32 $0xFFFFFFFF, s9;
	[sflag:s3] =	ssyncset.done $0x0  }
.LBB2_1:
0x13: {  	p0 =	sne.s32 s9, $0x1;
	s9 =	sadd.s32 $0xFFFFFFFF, s9;
	[sflag:s3] =	ssyncadd.s32 $0xFFFFE000  }
0x14: {  	[tilespmem:s2], [sflag:$0x2] =	stream.linear.gather [hbm4b:s4+s2], $0x80, $0x38;
	[tilespmem:$0x2080] =	vst v63  }
0x15: {  	_ =	swait.ge [sflag:s3], $0x80  }
0x16: {  	[sflag:s3] =	ssyncset.done $0x0  }
0x17: {  	[sflag:s3] =	ssyncadd.s32 $0xFFFFFF80  }
0x18: {  	[tilespmem:s6], [sflag:$0x1] =	stream.indirect.gather [hbm4b:s5+s6], $0x40, s2, s6, $0xb8;
	[tilespmem:$0x2080] =	vst v63  }
0x19: {  	_ =	swait.ge [sflag:s7], $0x2000  }
.Ltmp1:
0x1a: {  	[sflag:s7] =	ssyncset.done $0x0;
	(pc) =	sbr.rel @p0 .LBB2_1-.Ltmp1, $4  }
0x1b: {  	[sflag:s7] =	ssyncadd.s32 $0xFFFFE000  }
0x1c: {  	[hbm4b:s8+s2] =	stream.linear.scatter [tilespmem:s6], [sflag:$0x2], $0x2000, $0x38;
	[tilespmem:$0x2080] =	vst v63  }
0x1d: {  	_ =	swait.ge [sflag:s3], $0x2000  }
0x1e: {  	[sflag:s3] =	ssyncset.done $0x0  }
.LBB2_2:
0x1f: {  	[sflag:s3] =	ssyncadd.s32 $0xFFFFE000  }
0x20: {  	_ =	sfence.sel $0x180000  }
0x21: {  	[bflag:$0x0] =	sbarrier.arrive $0xFFFF  }
0x22: {  	p0 =	sne.s32 s0, $0x0;
	_ =	strace $0x90000047  }
0x23: {  	s0 =	sadd.s32 @!p0 $0x100000, s1;
	[bflag:$0x2] =	sbarrier.arrive $0xFFFF  }
0x24: {  	[sflag:s0] =	ssyncadd.tile.s32 @!p0 $0x1;
	_ =	shalt  }
.Lfunc_end2:
_tile_overlayer_lowered:
.L_overlay_start_2:
0x25: {  	(tag) =	ssettag $0x2  }
0x26: {  	s0 =	rddreg [dreg:$0x0];
	s2 =	stileid.u32  }
0x27: {  	s1 =	rddreg [dreg:$0x1];
	p0 =	sne.s32 s2, $0x0  }
0x28: {  	s3 =	rddreg [dreg:$0x2];
	[bflag:$0x3] =	sbarrier.arrive $0xFFFF;
	s2 =	simm.s32 @!p0 $0x1C02  }
0x29: {  	[timem:s3], [sflag:s2] =	dma.local @!p0 [hbm:s0], s1  }
0x2a: {  	s0 =	simm.s32 @!p0 $0x2  }
0x2b: {  	_ =	swait.ge @!p0 [sflag:s0], s1  }
0x2c: {  	s1 =	ssub.s32 @!p0 $0x0, s1;
	[sflag:s0] =	ssyncset.done @!p0 $0x0  }
0x2d: {  	[sflag:s0] =	ssyncadd.s32 @!p0 s1  }
0x2e: {  	[bflag:$0x3] =	sbarrier.arrive $0xFFFF  }
0x2f: {  	_ =	shalt  }

</sc_bundles>
